<compile_context>
chip_gen: v7x
topology: tpu7x:2x2x1
jax: 0.10.2.dev20260603
libtpu: 0.0.44.dev20260713+nightly
codegen_flags: <defaults>
</compile_context>

<pallas_src>
import jax
import jax.numpy as jnp
from jax import lax
from jax.experimental import pallas as pl
from jax.experimental.pallas import tpu as pltpu
from jax.experimental.pallas import tpu_sc as plsc

_B, _N = 128, 32768
_VECS = _N // 16
_ONE_F32_BITS = 0x3F800000
_NW = 32
_ROWS_PER_W = _B // _NW
_EPS = 0.02


def _sc_body(obs_hbm, rnd_hbm, ratio_hbm, out_hbm, vbuf, obuf, rbuf,
             isem, osem):
    _I0 = jnp.zeros((16,), jnp.int32)
    one = jnp.int32(1)
    zero = jnp.int32(0)
    lanes = lax.iota(jnp.int32, 16)

    cid = lax.axis_index("c")
    sid = lax.axis_index("s")
    wid = sid * 2 + cid
    base = wid * _ROWS_PER_W

    def row_body(j, carry):
        row = base + j
        hs = []
        for kk in range(16):
            dst = obuf.at[pl.ds(kk * 2048, 2048)]
            hs.append(pltpu.async_copy(obs_hbm.at[row, kk], dst, isem))
            dst = vbuf.at[pl.ds(kk * 2048, 2048)]
            hs.append(pltpu.async_copy(rnd_hbm.at[row, kk], dst, isem))
        pltpu.sync_copy(ratio_hbm.at[row], rbuf)
        for h in hs:
            h.wait()
        ratio = rbuf[...]

        glo = jnp.maximum(jnp.float32(1.0) - _EPS - ratio, jnp.float32(0.0))
        ghi = jnp.minimum(jnp.float32(1.0) + _EPS - ratio, jnp.float32(1.0))
        glo_b = plsc.bitcast(glo, jnp.int32)
        ghi_b = plsc.bitcast(ghi, jnp.int32)

        @plsc.parallel_loop(0, _VECS, unroll=8, carry=(_I0, _I0, _I0))
        def p0_acc(i, st):
            ao, a1, a2 = st
            o = obuf[pl.ds(i * 16, 16)]
            r = vbuf[pl.ds(i * 16, 16)]
            v = r * o
            vbuf[pl.ds(i * 16, 16)] = v
            b = plsc.bitcast(v, jnp.int32)
            return (ao + jnp.where(o > jnp.float32(0), one, zero),
                    a1 + jnp.where(b >= glo_b, one, zero),
                    a2 + jnp.where(b >= ghi_b, one, zero))

        ao, a1, a2 = p0_acc
        nobs = jnp.full((16,), jnp.sum(ao), jnp.int32)
        c1 = jnp.full((16,), jnp.sum(a1), jnp.int32)
        c2 = jnp.full((16,), jnp.sum(a2), jnp.int32)

        x = nobs.astype(jnp.float32) * ratio
        xi = x.astype(jnp.int32)
        frac = x - xi.astype(jnp.float32)
        k = xi + jnp.where(frac > jnp.float32(0.5), one,
                           jnp.where(frac == jnp.float32(0.5), xi & 1, zero))

        hvec = jnp.full((16,), _ONE_F32_BITS, jnp.int32)
        nvec = jnp.full((16,), _N, jnp.int32)
        ge1 = c1 >= k
        ge2 = c2 >= k
        lo0 = jnp.where(ge1, jnp.where(ge2, ghi_b, glo_b), _I0)
        hi0 = jnp.where(ge1, jnp.where(ge2, hvec, ghi_b), glo_b)
        chi0 = jnp.where(ge1, jnp.where(ge2, _I0, c2), c1)
        clo0 = jnp.where(ge1, jnp.where(ge2, c2, c1), nvec)

        @plsc.parallel_loop(0, _VECS, unroll=8, carry=_I0)
        def cnt(i, c):
            v = vbuf[pl.ds(i * 16, 16)]
            b = plsc.bitcast(v, jnp.int32)
            m = (b >= lo0) & (b < hi0)
            dest = (c << 4) + lanes
            plsc.store_scatter(obuf, [dest], v, mask=m)
            return c + jnp.where(m, one, zero)
        mx = plsc.cummax(cnt)[15]
        nchunks = (mx + jnp.int32(7)) >> 3

        def scond(st):
            lo, hi, _, _ = st
            return (hi[0] - lo[0]) > 1

        def search(st):
            lo, hi, c_hi, c_lo = st
            mid = (lo + hi) >> 1

            @plsc.parallel_loop(0, nchunks, unroll=2, carry=_I0)
            def a(cc, acc):
                jbase = cc * 8
                for c in range(8):
                    b = plsc.bitcast(obuf[pl.ds((jbase + c) * 16, 16)],
                                     jnp.int32)
                    valid = jnp.full((16,), jbase + c, jnp.int32) < cnt
                    acc = acc + jnp.where(valid & (b >= mid), one, zero)
                return acc
            cnt_t = chi0 + jnp.full((16,), jnp.sum(a), jnp.int32)
            ge = cnt_t >= k
            return (jnp.where(ge, mid, lo), jnp.where(ge, hi, mid),
                    jnp.where(ge, c_hi, cnt_t), jnp.where(ge, cnt_t, c_lo))

        tvec, _, c_gt, c_ge = lax.while_loop(
            scond, search, (lo0, hi0, chi0, clo0))

        rvec = k - c_gt
        dvec = c_ge - c_gt

        def outp_fast():
            allt = rvec == dvec

            @plsc.parallel_loop(0, _VECS, unroll=8, carry=zero)
            def _outf(i, cr):
                v = vbuf[pl.ds(i * 16, 16)]
                b = plsc.bitcast(v, jnp.int32)
                tie_mask = (b == tvec) & allt
                keep = (v > jnp.float32(0.0)) & jnp.logical_not(
                    (b > tvec) | tie_mask)
                obuf[pl.ds(i * 16, 16)] = jnp.where(
                    keep, jnp.float32(1.0), jnp.float32(0.0))
                return cr

        def outp_slow():
            @plsc.parallel_loop(0, _VECS, unroll=8, carry=_I0)
            def _outp(i, cr):
                v = vbuf[pl.ds(i * 16, 16)]
                b = plsc.bitcast(v, jnp.int32)
                m = b == tvec
                within = plsc.cumsum(m.astype(jnp.int32))
                tie_mask = m & ((within + cr) <= rvec)
                keep = (v > jnp.float32(0.0)) & jnp.logical_not(
                    (b > tvec) | tie_mask)
                obuf[pl.ds(i * 16, 16)] = jnp.where(
                    keep, jnp.float32(1.0), jnp.float32(0.0))
                return cr + plsc.all_reduce_population_count(m)

        fastp = ((rvec == 0) | (rvec == dvec)).astype(jnp.int32)
        lax.cond(fastp[0] == 1, outp_fast, outp_slow)

        ho = []
        for kk in range(16):
            src = obuf.at[pl.ds(kk * 2048, 2048)]
            ho.append(pltpu.async_copy(src, out_hbm.at[row, kk], osem))
        for h in ho:
            h.wait()
        return carry

    lax.fori_loop(0, _ROWS_PER_W, row_body, jnp.int32(0))


def kernel(observed_mask, rand_unit, sample_ratios):
    B, K, L = observed_mask.shape
    N = K * L
    low, high = 0.1, 0.4
    ratios = low + (high - low) * sample_ratios

    mesh = plsc.VectorSubcoreMesh(core_axis_name="c", subcore_axis_name="s",
                                  num_cores=2, num_subcores=16)
    run = pl.kernel(
        _sc_body,
        out_type=jax.ShapeDtypeStruct((B, K, L), jnp.float32),
        mesh=mesh,
        compiler_params=pltpu.CompilerParams(needs_layout_passes=False,
                                             use_tc_tiling_on_sc=True),
        scratch_types=[
            pltpu.VMEM((N,), jnp.float32),
            pltpu.VMEM((N,), jnp.float32),
            pltpu.VMEM((16,), jnp.float32),
            pltpu.SemaphoreType.DMA,
            pltpu.SemaphoreType.DMA,
        ],
    )
    ratios16 = jnp.broadcast_to(ratios[:, None], (B, 16))
    return run(observed_mask, rand_unit, ratios16)

# --- scband reference (transcript-rebuilt; emitter-appended) ---
"""Pipeline reference for scband-csdi-base-45432164057453 (READ-ONLY COPY).

The authoritative reference and input builder live on the scoring server;
editing this copy changes nothing except your own understanding.
"""

import jax, jax.numpy as jnp
import numpy as np


def setup_inputs(seed: int = 0) -> dict:
    key = jax.random.key(seed)
    k1, k2, k3 = jax.random.split(key, 3)
    B, K, L = 128, 16, 2048
    # observed_mask is a 0/1 observation mask (1 = observed). Binarize uniform noise at 0.8 keep-rate.
    observed_mask = (jax.random.uniform(k1, (B, K, L), dtype=jnp.float32) < 0.8).astype(jnp.float32)
    # rand_unit replaces torch.rand_like(observed_mask)
    rand_unit = jax.random.uniform(k2, (B, K, L), dtype=jnp.float32)
    # per-sample uniform draws replacing np.random.rand() inside the loop
    sample_ratios = jax.random.uniform(k3, (B,), dtype=jnp.float32)
    return {"observed_mask": observed_mask, "rand_unit": rand_unit, "sample_ratios": sample_ratios}


def reference(observed_mask, rand_unit, sample_ratios):
    # Faithful JAX translation of CSDI_base.get_randmask (the top-k masking forward).
    B = observed_mask.shape[0]
    rand_for_mask = rand_unit * observed_mask
    flat = rand_for_mask.reshape(B, -1)
    low, high = 0.1, 0.4
    ratios = low + (high - low) * sample_ratios
    num_observed = jnp.sum(observed_mask.reshape(B, -1), axis=1)
    num_masked = jnp.round(num_observed * ratios).astype(jnp.int32)  # per-sample k
    # topk(num_masked) per row with per-row k, expressed via descending ranks:
    # rank r < num_masked[i]  <=>  element is among the num_masked[i] largest of row i
    order = jnp.argsort(-flat, axis=1)
    ranks = jnp.argsort(order, axis=1)
    flat = jnp.where(ranks < num_masked[:, None], jnp.float32(-1.0), flat)
    cond_mask = (flat > 0).reshape(observed_mask.shape).astype(jnp.float32)
    return cond_mask

if __name__ == "__main__":
    import jax
    _d = setup_inputs()
    print(jax.jit(kernel)(*tuple(_d.values())))

</pallas_src>

<mosaic_0001>
#map = affine_map<(d0, d1) -> (0, 0, 0)>
#map1 = affine_map<(d0, d1) -> (0, 0)>
module attributes {stable_mosaic.version = 14 : i64} {
  func.func @_sc_body(%arg0: i32, %arg1: i32, %arg2: memref<128x16x2048xf32, #tpu.memory_space<hbm>>, %arg3: memref<128x16x2048xf32, #tpu.memory_space<hbm>>, %arg4: memref<128x16xf32, #tpu.memory_space<hbm>>, %arg5: memref<128x16x2048xf32, #tpu.memory_space<hbm>>, %arg6: memref<32768xf32, #tpu.memory_space<vmem>>, %arg7: memref<32768xf32, #tpu.memory_space<vmem>>, %arg8: memref<16xf32, #tpu.memory_space<vmem>>, %arg9: memref<!tpu.dma_semaphore, #tpu.memory_space<semaphore_mem>>, %arg10: memref<!tpu.dma_semaphore, #tpu.memory_space<semaphore_mem>>) attributes {dimension_semantics = [#tpu.dimension_semantics<core_parallel>, #tpu.dimension_semantics<subcore_parallel>], iteration_bounds = array<i64: 2, 16>, scalar_prefetch = 0 : i64, scratch_operands = 5 : i64, tpu.core_type = #tpu.core_type<sc_vector_subcore>, window_params = [{transform_indices = #map}, {transform_indices = #map}, {transform_indices = #map1}, {transform_indices = #map}]} {
    %broadcast_in_dim3A = arith.constant 0 : i32
    %broadcast_in_dim3A_0 = vector.broadcast %broadcast_in_dim3A : i32 to vector<16xi32>
    %iota3A = tpu.iota {dimensions = array<i32: 0>} : vector<16xi32>
    %mul3A = arith.constant 2 : i32
    %mul3A_1 = arith.muli %arg1, %mul3A : i32
    %add3A = arith.addi %mul3A_1, %arg0 : i32
    %mul3A_2 = arith.constant 4 : i32
    %mul3A_3 = arith.muli %add3A, %mul3A_2 : i32
    %scan3A = arith.constant 0 : i32
    %scan3A_4 = arith.constant 1 : i32
    %scan3A_5 = arith.constant 0 : i32
    %scan3A_6 = arith.constant 0 : i32
    %scan3A_7 = arith.constant 4 : i32
    %scan3A_8 = arith.addi %scan3A_6, %scan3A_7 : i32
    %scan3A_9 = arith.constant 1 : i32
    scf.for %scan3A_11 = %scan3A_6 to %scan3A_8 step %scan3A_9  : i32 {
      %add3A_12 = arith.addi %mul3A_3, %scan3A_11 : i32
      %dma_start3A = arith.constant 0 : i32
      %dma_start3A_13 = arith.constant 0 : i32
      %dma_start3A_14 = tpu.memref_slice %arg7[%dma_start3A_13] : memref<32768xf32, #tpu.memory_space<vmem>> -> memref<2048xf32, #tpu.memory_space<vmem>>
      %dma_start3A_15 = arith.constant 0 : i32
      %dma_start3A_16 = tpu.memref_slice %arg2[%add3A_12, %dma_start3A, %dma_start3A_15] : memref<128x16x2048xf32, #tpu.memory_space<hbm>> -> memref<1x1x2048xf32, #tpu.memory_space<hbm>>
      %dma_start3A_17 = tpu.memref_squeeze %dma_start3A_16 : memref<1x1x2048xf32, #tpu.memory_space<hbm>> -> memref<2048xf32, #tpu.memory_space<hbm>>
      %dma_start3A_18 = arith.constant 0 : i32
      %dma_start3A_19 = tpu.memref_slice %arg7[%dma_start3A_18] : memref<32768xf32, #tpu.memory_space<vmem>> -> memref<2048xf32, #tpu.memory_space<vmem>>
      %dma_start3A_20 = arith.constant 0 : i32
      %dma_start3A_21 = tpu.memref_slice %arg2[%add3A_12, %dma_start3A, %dma_start3A_20] : memref<128x16x2048xf32, #tpu.memory_space<hbm>> -> memref<1x1x2048xf32, #tpu.memory_space<hbm>>
      %dma_start3A_22 = tpu.memref_squeeze %dma_start3A_21 : memref<1x1x2048xf32, #tpu.memory_space<hbm>> -> memref<2048xf32, #tpu.memory_space<hbm>>
      tpu.enqueue_dma source(%dma_start3A_22 : memref<2048xf32, #tpu.memory_space<hbm>>) target(%dma_start3A_19 : memref<2048xf32, #tpu.memory_space<vmem>>) target_semaphore(%arg9 : memref<!tpu.dma_semaphore, #tpu.memory_space<semaphore_mem>>)
      %dma_start3A_23 = arith.constant 0 : i32
      %dma_start3A_24 = arith.constant 0 : i32
      %dma_start3A_25 = tpu.memref_slice %arg6[%dma_start3A_24] : memref<32768xf32, #tpu.memory_space<vmem>> -> memref<2048xf32, #tpu.memory_space<vmem>>
      %dma_start3A_26 = arith.constant 0 : i32
      %dma_start3A_27 = tpu.memref_slice %arg3[%add3A_12, %dma_start3A_23, %dma_start3A_26] : memref<128x16x2048xf32, #tpu.memory_space<hbm>> -> memref<1x1x2048xf32, #tpu.memory_space<hbm>>
      %dma_start3A_28 = tpu.memref_squeeze %dma_start3A_27 : memref<1x1x2048xf32, #tpu.memory_space<hbm>> -> memref<2048xf32, #tpu.memory_space<hbm>>
      %dma_start3A_29 = arith.constant 0 : i32
      %dma_start3A_30 = tpu.memref_slice %arg6[%dma_start3A_29] : memref<32768xf32, #tpu.memory_space<vmem>> -> memref<2048xf32, #tpu.memory_space<vmem>>
      %dma_start3A_31 = arith.constant 0 : i32
      %dma_start3A_32 = tpu.memref_slice %arg3[%add3A_12, %dma_start3A_23, %dma_start3A_31] : memref<128x16x2048xf32, #tpu.memory_space<hbm>> -> memref<1x1x2048xf32, #tpu.memory_space<hbm>>
      %dma_start3A_33 = tpu.memref_squeeze %dma_start3A_32 : memref<1x1x2048xf32, #tpu.memory_space<hbm>> -> memref<2048xf32, #tpu.memory_space<hbm>>
      tpu.enqueue_dma source(%dma_start3A_33 : memref<2048xf32, #tpu.memory_space<hbm>>) target(%dma_start3A_30 : memref<2048xf32, #tpu.memory_space<vmem>>) target_semaphore(%arg9 : memref<!tpu.dma_semaphore, #tpu.memory_space<semaphore_mem>>)
      %dma_start3A_34 = arith.constant 1 : i32
      %dma_start3A_35 = arith.constant 2048 : i32
      %dma_start3A_36 = tpu.memref_slice %arg7[%dma_start3A_35] : memref<32768xf32, #tpu.memory_space<vmem>> -> memref<2048xf32, #tpu.memory_space<vmem>>
      %dma_start3A_37 = arith.constant 0 : i32
      %dma_start3A_38 = tpu.memref_slice %arg2[%add3A_12, %dma_start3A_34, %dma_start3A_37] : memref<128x16x2048xf32, #tpu.memory_space<hbm>> -> memref<1x1x2048xf32, #tpu.memory_space<hbm>>
      %dma_start3A_39 = tpu.memref_squeeze %dma_start3A_38 : memref<1x1x2048xf32, #tpu.memory_space<hbm>> -> memref<2048xf32, #tpu.memory_space<hbm>>
      %dma_start3A_40 = arith.constant 2048 : i32
      %dma_start3A_41 = tpu.memref_slice %arg7[%dma_start3A_40] : memref<32768xf32, #tpu.memory_space<vmem>> -> memref<2048xf32, #tpu.memory_space<vmem>>
      %dma_start3A_42 = arith.constant 0 : i32
      %dma_start3A_43 = tpu.memref_slice %arg2[%add3A_12, %dma_start3A_34, %dma_start3A_42] : memref<128x16x2048xf32, #tpu.memory_space<hbm>> -> memref<1x1x2048xf32, #tpu.memory_space<hbm>>
      %dma_start3A_44 = tpu.memref_squeeze %dma_start3A_43 : memref<1x1x2048xf32, #tpu.memory_space<hbm>> -> memref<2048xf32, #tpu.memory_space<hbm>>
      tpu.enqueue_dma source(%dma_start3A_44 : memref<2048xf32, #tpu.memory_space<hbm>>) target(%dma_start3A_41 : memref<2048xf32, #tpu.memory_space<vmem>>) target_semaphore(%arg9 : memref<!tpu.dma_semaphore, #tpu.memory_space<semaphore_mem>>)
      %dma_start3A_45 = arith.constant 1 : i32
      %dma_start3A_46 = arith.constant 2048 : i32
      %dma_start3A_47 = tpu.memref_slice %arg6[%dma_start3A_46] : memref<32768xf32, #tpu.memory_space<vmem>> -> memref<2048xf32, #tpu.memory_space<vmem>>
      %dma_start3A_48 = arith.constant 0 : i32
      %dma_start3A_49 = tpu.memref_slice %arg3[%add3A_12, %dma_start3A_45, %dma_start3A_48] : memref<128x16x2048xf32, #tpu.memory_space<hbm>> -> memref<1x1x2048xf32, #tpu.memory_space<hbm>>
      %dma_start3A_50 = tpu.memref_squeeze %dma_start3A_49 : memref<1x1x2048xf32, #tpu.memory_space<hbm>> -> memref<2048xf32, #tpu.memory_space<hbm>>
      %dma_start3A_51 = arith.constant 2048 : i32
      %dma_start3A_52 = tpu.memref_slice %arg6[%dma_start3A_51] : memref<32768xf32, #tpu.memory_space<vmem>> -> memref<2048xf32, #tpu.memory_space<vmem>>
      %dma_start3A_53 = arith.constant 0 : i32
      %dma_start3A_54 = tpu.memref_slice %arg3[%add3A_12, %dma_start3A_45, %dma_start3A_53] : memref<128x16x2048xf32, #tpu.memory_space<hbm>> -> memref<1x1x2048xf32, #tpu.memory_space<hbm>>
      %dma_start3A_55 = tpu.memref_squeeze %dma_start3A_54 : memref<1x1x2048xf32, #tpu.memory_space<hbm>> -> memref<2048xf32, #tpu.memory_space<hbm>>
      tpu.enqueue_dma source(%dma_start3A_55 : memref<2048xf32, #tpu.memory_space<hbm>>) target(%dma_start3A_52 : memref<2048xf32, #tpu.memory_space<vmem>>) target_semaphore(%arg9 : memref<!tpu.dma_semaphore, #tpu.memory_space<semaphore_mem>>)
      %dma_start3A_56 = arith.constant 2 : i32
      %dma_start3A_57 = arith.constant 4096 : i32
      %dma_start3A_58 = tpu.memref_slice %arg7[%dma_start3A_57] : memref<32768xf32, #tpu.memory_space<vmem>> -> memref<2048xf32, #tpu.memory_space<vmem>>
      %dma_start3A_59 = arith.constant 0 : i32
      %dma_start3A_60 = tpu.memref_slice %arg2[%add3A_12, %dma_start3A_56, %dma_start3A_59] : memref<128x16x2048xf32, #tpu.memory_space<hbm>> -> memref<1x1x2048xf32, #tpu.memory_space<hbm>>
      %dma_start3A_61 = tpu.memref_squeeze %dma_start3A_60 : memref<1x1x2048xf32, #tpu.memory_space<hbm>> -> memref<2048xf32, #tpu.memory_space<hbm>>
      %dma_start3A_62 = arith.constant 4096 : i32
      %dma_start3A_63 = tpu.memref_slice %arg7[%dma_start3A_62] : memref<32768xf32, #tpu.memory_space<vmem>> -> memref<2048xf32, #tpu.memory_space<vmem>>
      %dma_start3A_64 = arith.constant 0 : i32
      %dma_start3A_65 = tpu.memref_slice %arg2[%add3A_12, %dma_start3A_56, %dma_start3A_64] : memref<128x16x2048xf32, #tpu.memory_space<hbm>> -> memref<1x1x2048xf32, #tpu.memory_space<hbm>>
      %dma_start3A_66 = tpu.memref_squeeze %dma_start3A_65 : memref<1x1x2048xf32, #tpu.memory_space<hbm>> -> memref<2048xf32, #tpu.memory_space<hbm>>
      tpu.enqueue_dma source(%dma_start3A_66 : memref<2048xf32, #tpu.memory_space<hbm>>) target(%dma_start3A_63 : memref<2048xf32, #tpu.memory_space<vmem>>) target_semaphore(%arg9 : memref<!tpu.dma_semaphore, #tpu.memory_space<semaphore_mem>>)
      %dma_start3A_67 = arith.constant 2 : i32
      %dma_start3A_68 = arith.constant 4096 : i32
      %dma_start3A_69 = tpu.memref_slice %arg6[%dma_start3A_68] : memref<32768xf32, #tpu.memory_space<vmem>> -> memref<2048xf32, #tpu.memory_space<vmem>>
      %dma_start3A_70 = arith.constant 0 : i32
      %dma_start3A_71 = tpu.memref_slice %arg3[%add3A_12, %dma_start3A_67, %dma_start3A_70] : memref<128x16x2048xf32, #tpu.memory_space<hbm>> -> memref<1x1x2048xf32, #tpu.memory_space<hbm>>
      %dma_start3A_72 = tpu.memref_squeeze %dma_start3A_71 : memref<1x1x2048xf32, #tpu.memory_space<hbm>> -> memref<2048xf32, #tpu.memory_space<hbm>>
      %dma_start3A_73 = arith.constant 4096 : i32
      %dma_start3A_74 = tpu.memref_slice %arg6[%dma_start3A_73] : memref<32768xf32, #tpu.memory_space<vmem>> -> memref<2048xf32, #tpu.memory_space<vmem>>
      %dma_start3A_75 = arith.constant 0 : i32
      %dma_start3A_76 = tpu.memref_slice %arg3[%add3A_12, %dma_start3A_67, %dma_start3A_75] : memref<128x16x2048xf32, #tpu.memory_space<hbm>> -> memref<1x1x2048xf32, #tpu.memory_space<hbm>>
      %dma_start3A_77 = tpu.memref_squeeze %dma_start3A_76 : memref<1x1x2048xf32, #tpu.memory_space<hbm>> -> memref<2048xf32, #tpu.memory_space<hbm>>
      tpu.enqueue_dma source(%dma_start3A_77 : memref<2048xf32, #tpu.memory_space<hbm>>) target(%dma_start3A_74 : memref<2048xf32, #tpu.memory_space<vmem>>) target_semaphore(%arg9 : memref<!tpu.dma_semaphore, #tpu.memory_space<semaphore_mem>>)
      %dma_start3A_78 = arith.constant 3 : i32
      %dma_start3A_79 = arith.constant 6144 : i32
      %dma_start3A_80 = tpu.memref_slice %arg7[%dma_start3A_79] : memref<32768xf32, #tpu.memory_space<vmem>> -> memref<2048xf32, #tpu.memory_space<vmem>>
      %dma_start3A_81 = arith.constant 0 : i32
      %dma_start3A_82 = tpu.memref_slice %arg2[%add3A_12, %dma_start3A_78, %dma_start3A_81] : memref<128x16x2048xf32, #tpu.memory_space<hbm>> -> memref<1x1x2048xf32, #tpu.memory_space<hbm>>
      %dma_start3A_83 = tpu.memref_squeeze %dma_start3A_82 : memref<1x1x2048xf32, #tpu.memory_space<hbm>> -> memref<2048xf32, #tpu.memory_space<hbm>>
      %dma_start3A_84 = arith.constant 6144 : i32
      %dma_start3A_85 = tpu.memref_slice %arg7[%dma_start3A_84] : memref<32768xf32, #tpu.memory_space<vmem>> -> memref<2048xf32, #tpu.memory_space<vmem>>
      %dma_start3A_86 = arith.constant 0 : i32
      %dma_start3A_87 = tpu.memref_slice %arg2[%add3A_12, %dma_start3A_78, %dma_start3A_86] : memref<128x16x2048xf32, #tpu.memory_space<hbm>> -> memref<1x1x2048xf32, #tpu.memory_space<hbm>>
      %dma_start3A_88 = tpu.memref_squeeze %dma_start3A_87 : memref<1x1x2048xf32, #tpu.memory_space<hbm>> -> memref<2048xf32, #tpu.memory_space<hbm>>
      tpu.enqueue_dma source(%dma_start3A_88 : memref<2048xf32, #tpu.memory_space<hbm>>) target(%dma_start3A_85 : memref<2048xf32, #tpu.memory_space<vmem>>) target_semaphore(%arg9 : memref<!tpu.dma_semaphore, #tpu.memory_space<semaphore_mem>>)
      %dma_start3A_89 = arith.constant 3 : i32
      %dma_start3A_90 = arith.constant 6144 : i32
      %dma_start3A_91 = tpu.memref_slice %arg6[%dma_start3A_90] : memref<32768xf32, #tpu.memory_space<vmem>> -> memref<2048xf32, #tpu.memory_space<vmem>>
      %dma_start3A_92 = arith.constant 0 : i32
      %dma_start3A_93 = tpu.memref_slice %arg3[%add3A_12, %dma_start3A_89, %dma_start3A_92] : memref<128x16x2048xf32, #tpu.memory_space<hbm>> -> memref<1x1x2048xf32, #tpu.memory_space<hbm>>
      %dma_start3A_94 = tpu.memref_squeeze %dma_start3A_93 : memref<1x1x2048xf32, #tpu.memory_space<hbm>> -> memref<2048xf32, #tpu.memory_space<hbm>>
      %dma_start3A_95 = arith.constant 6144 : i32
      %dma_start3A_96 = tpu.memref_slice %arg6[%dma_start3A_95] : memref<32768xf32, #tpu.memory_space<vmem>> -> memref<2048xf32, #tpu.memory_space<vmem>>
      %dma_start3A_97 = arith.constant 0 : i32
      %dma_start3A_98 = tpu.memref_slice %arg3[%add3A_12, %dma_start3A_89, %dma_start3A_97] : memref<128x16x2048xf32, #tpu.memory_space<hbm>> -> memref<1x1x2048xf32, #tpu.memory_space<hbm>>
      %dma_start3A_99 = tpu.memref_squeeze %dma_start3A_98 : memref<1x1x2048xf32, #tpu.memory_space<hbm>> -> memref<2048xf32, #tpu.memory_space<hbm>>
      tpu.enqueue_dma source(%dma_start3A_99 : memref<2048xf32, #tpu.memory_space<hbm>>) target(%dma_start3A_96 : memref<2048xf32, #tpu.memory_space<vmem>>) target_semaphore(%arg9 : memref<!tpu.dma_semaphore, #tpu.memory_space<semaphore_mem>>)
      %dma_start3A_100 = arith.constant 4 : i32
      %dma_start3A_101 = arith.constant 8192 : i32
      %dma_start3A_102 = tpu.memref_slice %arg7[%dma_start3A_101] : memref<32768xf32, #tpu.memory_space<vmem>> -> memref<2048xf32, #tpu.memory_space<vmem>>
      %dma_start3A_103 = arith.constant 0 : i32
      %dma_start3A_104 = tpu.memref_slice %arg2[%add3A_12, %dma_start3A_100, %dma_start3A_103] : memref<128x16x2048xf32, #tpu.memory_space<hbm>> -> memref<1x1x2048xf32, #tpu.memory_space<hbm>>
      %dma_start3A_105 = tpu.memref_squeeze %dma_start3A_104 : memref<1x1x2048xf32, #tpu.memory_space<hbm>> -> memref<2048xf32, #tpu.memory_space<hbm>>
      %dma_start3A_106 = arith.constant 8192 : i32
      %dma_start3A_107 = tpu.memref_slice %arg7[%dma_start3A_106] : memref<32768xf32, #tpu.memory_space<vmem>> -> memref<2048xf32, #tpu.memory_space<vmem>>
      %dma_start3A_108 = arith.constant 0 : i32
      %dma_start3A_109 = tpu.memref_slice %arg2[%add3A_12, %dma_start3A_100, %dma_start3A_108] : memref<128x16x2048xf32, #tpu.memory_space<hbm>> -> memref<1x1x2048xf32, #tpu.memory_space<hbm>>
      %dma_start3A_110 = tpu.memref_squeeze %dma_start3A_109 : memref<1x1x2048xf32, #tpu.memory_space<hbm>> -> memref<2048xf32, #tpu.memory_space<hbm>>
      tpu.enqueue_dma source(%dma_start3A_110 : memref<2048xf32, #tpu.memory_space<hbm>>) target(%dma_start3A_107 : memref<2048xf32, #tpu.memory_space<vmem>>) target_semaphore(%arg9 : memref<!tpu.dma_semaphore, #tpu.memory_space<semaphore_mem>>)
      %dma_start3A_111 = arith.constant 4 : i32
      %dma_start3A_112 = arith.constant 8192 : i32
      %dma_start3A_113 = tpu.memref_slice %arg6[%dma_start3A_112] : memref<32768xf32, #tpu.memory_space<vmem>> -> memref<2048xf32, #tpu.memory_space<vmem>>
      %dma_start3A_114 = arith.constant 0 : i32
      %dma_start3A_115 = tpu.memref_slice %arg3[%add3A_12, %dma_start3A_111, %dma_start3A_114] : memref<128x16x2048xf32, #tpu.memory_space<hbm>> -> memref<1x1x2048xf32, #tpu.memory_space<hbm>>
      %dma_start3A_116 = tpu.memref_squeeze %dma_start3A_115 : memref<1x1x2048xf32, #tpu.memory_space<hbm>> -> memref<2048xf32, #tpu.memory_space<hbm>>
      %dma_start3A_117 = arith.constant 8192 : i32
      %dma_start3A_118 = tpu.memref_slice %arg6[%dma_start3A_117] : memref<32768xf32, #tpu.memory_space<vmem>> -> memref<2048xf32, #tpu.memory_space<vmem>>
      %dma_start3A_119 = arith.constant 0 : i32
      %dma_start3A_120 = tpu.memref_slice %arg3[%add3A_12, %dma_start3A_111, %dma_start3A_119] : memref<128x16x2048xf32, #tpu.memory_space<hbm>> -> memref<1x1x2048xf32, #tpu.memory_space<hbm>>
      %dma_start3A_121 = tpu.memref_squeeze %dma_start3A_120 : memref<1x1x2048xf32, #tpu.memory_space<hbm>> -> memref<2048xf32, #tpu.memory_space<hbm>>
      tpu.enqueue_dma source(%dma_start3A_121 : memref<2048xf32, #tpu.memory_space<hbm>>) target(%dma_start3A_118 : memref<2048xf32, #tpu.memory_space<vmem>>) target_semaphore(%arg9 : memref<!tpu.dma_semaphore, #tpu.memory_space<semaphore_mem>>)
      %dma_start3A_122 = arith.constant 5 : i32
      %dma_start3A_123 = arith.constant 10240 : i32
      %dma_start3A_124 = tpu.memref_slice %arg7[%dma_start3A_123] : memref<32768xf32, #tpu.memory_space<vmem>> -> memref<2048xf32, #tpu.memory_space<vmem>>
      %dma_start3A_125 = arith.constant 0 : i32
      %dma_start3A_126 = tpu.memref_slice %arg2[%add3A_12, %dma_start3A_122, %dma_start3A_125] : memref<128x16x2048xf32, #tpu.memory_space<hbm>> -> memref<1x1x2048xf32, #tpu.memory_space<hbm>>
      %dma_start3A_127 = tpu.memref_squeeze %dma_start3A_126 : memref<1x1x2048xf32, #tpu.memory_space<hbm>> -> memref<2048xf32, #tpu.memory_space<hbm>>
      %dma_start3A_128 = arith.constant 10240 : i32
      %dma_start3A_129 = tpu.memref_slice %arg7[%dma_start3A_128] : memref<32768xf32, #tpu.memory_space<vmem>> -> memref<2048xf32, #tpu.memory_space<vmem>>
      %dma_start3A_130 = arith.constant 0 : i32
      %dma_start3A_131 = tpu.memref_slice %arg2[%add3A_12, %dma_start3A_122, %dma_start3A_130] : memref<128x16x2048xf32, #tpu.memory_space<hbm>> -> memref<1x1x2048xf32, #tpu.memory_space<hbm>>
      %dma_start3A_132 = tpu.memref_squeeze %dma_start3A_131 : memref<1x1x2048xf32, #tpu.memory_space<hbm>> -> memref<2048xf32, #tpu.memory_space<hbm>>
      tpu.enqueue_dma source(%dma_start3A_132 : memref<2048xf32, #tpu.memory_space<hbm>>) target(%dma_start3A_129 : memref<2048xf32, #tpu.memory_space<vmem>>) target_semaphore(%arg9 : memref<!tpu.dma_semaphore, #tpu.memory_space<semaphore_mem>>)
      %dma_start3A_133 = arith.constant 5 : i32
      %dma_start3A_134 = arith.constant 10240 : i32
      %dma_start3A_135 = tpu.memref_slice %arg6[%dma_start3A_134] : memref<32768xf32, #tpu.memory_space<vmem>> -> memref<2048xf32, #tpu.memory_space<vmem>>
      %dma_start3A_136 = arith.constant 0 : i32
      %dma_start3A_137 = tpu.memref_slice %arg3[%add3A_12, %dma_start3A_133, %dma_start3A_136] : memref<128x16x2048xf32, #tpu.memory_space<hbm>> -> memref<1x1x2048xf32, #tpu.memory_space<hbm>>
      %dma_start3A_138 = tpu.memref_squeeze %dma_start3A_137 : memref<1x1x2048xf32, #tpu.memory_space<hbm>> -> memref<2048xf32, #tpu.memory_space<hbm>>
      %dma_start3A_139 = arith.constant 10240 : i32
      %dma_start3A_140 = tpu.memref_slice %arg6[%dma_start3A_139] : memref<32768xf32, #tpu.memory_space<vmem>> -> memref<2048xf32, #tpu.memory_space<vmem>>
      %dma_start3A_141 = arith.constant 0 : i32
      %dma_start3A_142 = tpu.memref_slice %arg3[%add3A_12, %dma_start3A_133, %dma_start3A_141] : memref<128x16x2048xf32, #tpu.memory_space<hbm>> -> memref<1x1x2048xf32, #tpu.memory_space<hbm>>
      %dma_start3A_143 = tpu.memref_squeeze %dma_start3A_142 : memref<1x1x2048xf32, #tpu.memory_space<hbm>> -> memref<2048xf32, #tpu.memory_space<hbm>>
      tpu.enqueue_dma source(%dma_start3A_143 : memref<2048xf32, #tpu.memory_space<hbm>>) target(%dma_start3A_140 : memref<2048xf32, #tpu.memory_space<vmem>>) target_semaphore(%arg9 : memref<!tpu.dma_semaphore, #tpu.memory_space<semaphore_mem>>)
      %dma_start3A_144 = arith.constant 6 : i32
      %dma_start3A_145 = arith.constant 12288 : i32
      %dma_start3A_146 = tpu.memref_slice %arg7[%dma_start3A_145] : memref<32768xf32, #tpu.memory_space<vmem>> -> memref<2048xf32, #tpu.memory_space<vmem>>
      %dma_start3A_147 = arith.constant 0 : i32
      %dma_start3A_148 = tpu.memref_slice %arg2[%add3A_12, %dma_start3A_144, %dma_start3A_147] : memref<128x16x2048xf32, #tpu.memory_space<hbm>> -> memref<1x1x2048xf32, #tpu.memory_space<hbm>>
      %dma_start3A_149 = tpu.memref_squeeze %dma_start3A_148 : memref<1x1x2048xf32, #tpu.memory_space<hbm>> -> memref<2048xf32, #tpu.memory_space<hbm>>
      %dma_start3A_150 = arith.constant 12288 : i32
      %dma_start3A_151 = tpu.memref_slice %arg7[%dma_start3A_150] : memref<32768xf32, #tpu.memory_space<vmem>> -> memref<2048xf32, #tpu.memory_space<vmem>>
      %dma_start3A_152 = arith.constant 0 : i32
      %dma_start3A_153 = tpu.memref_slice %arg2[%add3A_12, %dma_start3A_144, %dma_start3A_152] : memref<128x16x2048xf32, #tpu.memory_space<hbm>> -> memref<1x1x2048xf32, #tpu.memory_space<hbm>>
      %dma_start3A_154 = tpu.memref_squeeze %dma_start3A_153 : memref<1x1x2048xf32, #tpu.memory_space<hbm>> -> memref<2048xf32, #tpu.memory_space<hbm>>
      tpu.enqueue_dma source(%dma_start3A_154 : memref<2048xf32, #tpu.memory_space<hbm>>) target(%dma_start3A_151 : memref<2048xf32, #tpu.memory_space<vmem>>) target_semaphore(%arg9 : memref<!tpu.dma_semaphore, #tpu.memory_space<semaphore_mem>>)
      %dma_start3A_155 = arith.constant 6 : i32
      %dma_start3A_156 = arith.constant 12288 : i32
      %dma_start3A_157 = tpu.memref_slice %arg6[%dma_start3A_156] : memref<32768xf32, #tpu.memory_space<vmem>> -> memref<2048xf32, #tpu.memory_space<vmem>>
      %dma_start3A_158 = arith.constant 0 : i32
      %dma_start3A_159 = tpu.memref_slice %arg3[%add3A_12, %dma_start3A_155, %dma_start3A_158] : memref<128x16x2048xf32, #tpu.memory_space<hbm>> -> memref<1x1x2048xf32, #tpu.memory_space<hbm>>
      %dma_start3A_160 = tpu.memref_squeeze %dma_start3A_159 : memref<1x1x2048xf32, #tpu.memory_space<hbm>> -> memref<2048xf32, #tpu.memory_space<hbm>>
      %dma_start3A_161 = arith.constant 12288 : i32
      %dma_start3A_162 = tpu.memref_slice %arg6[%dma_start3A_161] : memref<32768xf32, #tpu.memory_space<vmem>> -> memref<2048xf32, #tpu.memory_space<vmem>>
      %dma_start3A_163 = arith.constant 0 : i32
      %dma_start3A_164 = tpu.memref_slice %arg3[%add3A_12, %dma_start3A_155, %dma_start3A_163] : memref<128x16x2048xf32, #tpu.memory_space<hbm>> -> memref<1x1x2048xf32, #tpu.memory_space<hbm>>
      %dma_start3A_165 = tpu.memref_squeeze %dma_start3A_164 : memref<1x1x2048xf32, #tpu.memory_space<hbm>> -> memref<2048xf32, #tpu.memory_space<hbm>>
      tpu.enqueue_dma source(%dma_start3A_165 : memref<2048xf32, #tpu.memory_space<hbm>>) target(%dma_start3A_162 : memref<2048xf32, #tpu.memory_space<vmem>>) target_semaphore(%arg9 : memref<!tpu.dma_semaphore, #tpu.memory_space<semaphore_mem>>)
      %dma_start3A_166 = arith.constant 7 : i32
      %dma_start3A_167 = arith.constant 14336 : i32
      %dma_start3A_168 = tpu.memref_slice %arg7[%dma_start3A_167] : memref<32768xf32, #tpu.memory_space<vmem>> -> memref<2048xf32, #tpu.memory_space<vmem>>
      %dma_start3A_169 = arith.constant 0 : i32
      %dma_start3A_170 = tpu.memref_slice %arg2[%add3A_12, %dma_start3A_166, %dma_start3A_169] : memref<128x16x2048xf32, #tpu.memory_space<hbm>> -> memref<1x1x2048xf32, #tpu.memory_space<hbm>>
      %dma_start3A_171 = tpu.memref_squeeze %dma_start3A_170 : memref<1x1x2048xf32, #tpu.memory_space<hbm>> -> memref<2048xf32, #tpu.memory_space<hbm>>
      %dma_start3A_172 = arith.constant 14336 : i32
      %dma_start3A_173 = tpu.memref_slice %arg7[%dma_start3A_172] : memref<32768xf32, #tpu.memory_space<vmem>> -> memref<2048xf32, #tpu.memory_space<vmem>>
      %dma_start3A_174 = arith.constant 0 : i32
      %dma_start3A_175 = tpu.memref_slice %arg2[%add3A_12, %dma_start3A_166, %dma_start3A_174] : memref<128x16x2048xf32, #tpu.memory_space<hbm>> -> memref<1x1x2048xf32, #tpu.memory_space<hbm>>
      %dma_start3A_176 = tpu.memref_squeeze %dma_start3A_175 : memref<1x1x2048xf32, #tpu.memory_space<hbm>> -> memref<2048xf32, #tpu.memory_space<hbm>>
      tpu.enqueue_dma source(%dma_start3A_176 : memref<2048xf32, #tpu.memory_space<hbm>>) target(%dma_start3A_173 : memref<2048xf32, #tpu.memory_space<vmem>>) target_semaphore(%arg9 : memref<!tpu.dma_semaphore, #tpu.memory_space<semaphore_mem>>)
      %dma_start3A_177 = arith.constant 7 : i32
      %dma_start3A_178 = arith.constant 14336 : i32
      %dma_start3A_179 = tpu.memref_slice %arg6[%dma_start3A_178] : memref<32768xf32, #tpu.memory_space<vmem>> -> memref<2048xf32, #tpu.memory_space<vmem>>
      %dma_start3A_180 = arith.constant 0 : i32
      %dma_start3A_181 = tpu.memref_slice %arg3[%add3A_12, %dma_start3A_177, %dma_start3A_180] : memref<128x16x2048xf32, #tpu.memory_space<hbm>> -> memref<1x1x2048xf32, #tpu.memory_space<hbm>>
      %dma_start3A_182 = tpu.memref_squeeze %dma_start3A_181 : memref<1x1x2048xf32, #tpu.memory_space<hbm>> -> memref<2048xf32, #tpu.memory_space<hbm>>
      %dma_start3A_183 = arith.constant 14336 : i32
      %dma_start3A_184 = tpu.memref_slice %arg6[%dma_start3A_183] : memref<32768xf32, #tpu.memory_space<vmem>> -> memref<2048xf32, #tpu.memory_space<vmem>>
      %dma_start3A_185 = arith.constant 0 : i32
      %dma_start3A_186 = tpu.memref_slice %arg3[%add3A_12, %dma_start3A_177, %dma_start3A_185] : memref<128x16x2048xf32, #tpu.memory_space<hbm>> -> memref<1x1x2048xf32, #tpu.memory_space<hbm>>
      %dma_start3A_187 = tpu.memref_squeeze %dma_start3A_186 : memref<1x1x2048xf32, #tpu.memory_space<hbm>> -> memref<2048xf32, #tpu.memory_space<hbm>>
      tpu.enqueue_dma source(%dma_start3A_187 : memref<2048xf32, #tpu.memory_space<hbm>>) target(%dma_start3A_184 : memref<2048xf32, #tpu.memory_space<vmem>>) target_semaphore(%arg9 : memref<!tpu.dma_semaphore, #tpu.memory_space<semaphore_mem>>)
      %dma_start3A_188 = arith.constant 8 : i32
      %dma_start3A_189 = arith.constant 16384 : i32
      %dma_start3A_190 = tpu.memref_slice %arg7[%dma_start3A_189] : memref<32768xf32, #tpu.memory_space<vmem>> -> memref<2048xf32, #tpu.memory_space<vmem>>
      %dma_start3A_191 = arith.constant 0 : i32
      %dma_start3A_192 = tpu.memref_slice %arg2[%add3A_12, %dma_start3A_188, %dma_start3A_191] : memref<128x16x2048xf32, #tpu.memory_space<hbm>> -> memref<1x1x2048xf32, #tpu.memory_space<hbm>>
      %dma_start3A_193 = tpu.memref_squeeze %dma_start3A_192 : memref<1x1x2048xf32, #tpu.memory_space<hbm>> -> memref<2048xf32, #tpu.memory_space<hbm>>
      %dma_start3A_194 = arith.constant 16384 : i32
      %dma_start3A_195 = tpu.memref_slice %arg7[%dma_start3A_194] : memref<32768xf32, #tpu.memory_space<vmem>> -> memref<2048xf32, #tpu.memory_space<vmem>>
      %dma_start3A_196 = arith.constant 0 : i32
      %dma_start3A_197 = tpu.memref_slice %arg2[%add3A_12, %dma_start3A_188, %dma_start3A_196] : memref<128x16x2048xf32, #tpu.memory_space<hbm>> -> memref<1x1x2048xf32, #tpu.memory_space<hbm>>
      %dma_start3A_198 = tpu.memref_squeeze %dma_start3A_197 : memref<1x1x2048xf32, #tpu.memory_space<hbm>> -> memref<2048xf32, #tpu.memory_space<hbm>>
      tpu.enqueue_dma source(%dma_start3A_198 : memref<2048xf32, #tpu.memory_space<hbm>>) target(%dma_start3A_195 : memref<2048xf32, #tpu.memory_space<vmem>>) target_semaphore(%arg9 : memref<!tpu.dma_semaphore, #tpu.memory_space<semaphore_mem>>)
      %dma_start3A_199 = arith.constant 8 : i32
      %dma_start3A_200 = arith.constant 16384 : i32
      %dma_start3A_201 = tpu.memref_slice %arg6[%dma_start3A_200] : memref<32768xf32, #tpu.memory_space<vmem>> -> memref<2048xf32, #tpu.memory_space<vmem>>
      %dma_start3A_202 = arith.constant 0 : i32
      %dma_start3A_203 = tpu.memref_slice %arg3[%add3A_12, %dma_start3A_199, %dma_start3A_202] : memref<128x16x2048xf32, #tpu.memory_space<hbm>> -> memref<1x1x2048xf32, #tpu.memory_space<hbm>>
      %dma_start3A_204 = tpu.memref_squeeze %dma_start3A_203 : memref<1x1x2048xf32, #tpu.memory_space<hbm>> -> memref<2048xf32, #tpu.memory_space<hbm>>
      %dma_start3A_205 = arith.constant 16384 : i32
      %dma_start3A_206 = tpu.memref_slice %arg6[%dma_start3A_205] : memref<32768xf32, #tpu.memory_space<vmem>> -> memref<2048xf32, #tpu.memory_space<vmem>>
      %dma_start3A_207 = arith.constant 0 : i32
      %dma_start3A_208 = tpu.memref_slice %arg3[%add3A_12, %dma_start3A_199, %dma_start3A_207] : memref<128x16x2048xf32, #tpu.memory_space<hbm>> -> memref<1x1x2048xf32, #tpu.memory_space<hbm>>
      %dma_start3A_209 = tpu.memref_squeeze %dma_start3A_208 : memref<1x1x2048xf32, #tpu.memory_space<hbm>> -> memref<2048xf32, #tpu.memory_space<hbm>>
      tpu.enqueue_dma source(%dma_start3A_209 : memref<2048xf32, #tpu.memory_space<hbm>>) target(%dma_start3A_206 : memref<2048xf32, #tpu.memory_space<vmem>>) target_semaphore(%arg9 : memref<!tpu.dma_semaphore, #tpu.memory_space<semaphore_mem>>)
      %dma_start3A_210 = arith.constant 9 : i32
      %dma_start3A_211 = arith.constant 18432 : i32
      %dma_start3A_212 = tpu.memref_slice %arg7[%dma_start3A_211] : memref<32768xf32, #tpu.memory_space<vmem>> -> memref<2048xf32, #tpu.memory_space<vmem>>
      %dma_start3A_213 = arith.constant 0 : i32
      %dma_start3A_214 = tpu.memref_slice %arg2[%add3A_12, %dma_start3A_210, %dma_start3A_213] : memref<128x16x2048xf32, #tpu.memory_space<hbm>> -> memref<1x1x2048xf32, #tpu.memory_space<hbm>>
      %dma_start3A_215 = tpu.memref_squeeze %dma_start3A_214 : memref<1x1x2048xf32, #tpu.memory_space<hbm>> -> memref<2048xf32, #tpu.memory_space<hbm>>
      %dma_start3A_216 = arith.constant 18432 : i32
      %dma_start3A_217 = tpu.memref_slice %arg7[%dma_start3A_216] : memref<32768xf32, #tpu.memory_space<vmem>> -> memref<2048xf32, #tpu.memory_space<vmem>>
      %dma_start3A_218 = arith.constant 0 : i32
      %dma_start3A_219 = tpu.memref_slice %arg2[%add3A_12, %dma_start3A_210, %dma_start3A_218] : memref<128x16x2048xf32, #tpu.memory_space<hbm>> -> memref<1x1x2048xf32, #tpu.memory_space<hbm>>
      %dma_start3A_220 = tpu.memref_squeeze %dma_start3A_219 : memref<1x1x2048xf32, #tpu.memory_space<hbm>> -> memref<2048xf32, #tpu.memory_space<hbm>>
      tpu.enqueue_dma source(%dma_start3A_220 : memref<2048xf32, #tpu.memory_space<hbm>>) target(%dma_start3A_217 : memref<2048xf32, #tpu.memory_space<vmem>>) target_semaphore(%arg9 : memref<!tpu.dma_semaphore, #tpu.memory_space<semaphore_mem>>)
      %dma_start3A_221 = arith.constant 9 : i32
      %dma_start3A_222 = arith.constant 18432 : i32
      %dma_start3A_223 = tpu.memref_slice %arg6[%dma_start3A_222] : memref<32768xf32, #tpu.memory_space<vmem>> -> memref<2048xf32, #tpu.memory_space<vmem>>
      %dma_start3A_224 = arith.constant 0 : i32
      %dma_start3A_225 = tpu.memref_slice %arg3[%add3A_12, %dma_start3A_221, %dma_start3A_224] : memref<128x16x2048xf32, #tpu.memory_space<hbm>> -> memref<1x1x2048xf32, #tpu.memory_space<hbm>>
      %dma_start3A_226 = tpu.memref_squeeze %dma_start3A_225 : memref<1x1x2048xf32, #tpu.memory_space<hbm>> -> memref<2048xf32, #tpu.memory_space<hbm>>
      %dma_start3A_227 = arith.constant 18432 : i32
      %dma_start3A_228 = tpu.memref_slice %arg6[%dma_start3A_227] : memref<32768xf32, #tpu.memory_space<vmem>> -> memref<2048xf32, #tpu.memory_space<vmem>>
      %dma_start3A_229 = arith.constant 0 : i32
      %dma_start3A_230 = tpu.memref_slice %arg3[%add3A_12, %dma_start3A_221, %dma_start3A_229] : memref<128x16x2048xf32, #tpu.memory_space<hbm>> -> memref<1x1x2048xf32, #tpu.memory_space<hbm>>
      %dma_start3A_231 = tpu.memref_squeeze %dma_start3A_230 : memref<1x1x2048xf32, #tpu.memory_space<hbm>> -> memref<2048xf32, #tpu.memory_space<hbm>>
      tpu.enqueue_dma source(%dma_start3A_231 : memref<2048xf32, #tpu.memory_space<hbm>>) target(%dma_start3A_228 : memref<2048xf32, #tpu.memory_space<vmem>>) target_semaphore(%arg9 : memref<!tpu.dma_semaphore, #tpu.memory_space<semaphore_mem>>)
      %dma_start3A_232 = arith.constant 10 : i32
      %dma_start3A_233 = arith.constant 20480 : i32
      %dma_start3A_234 = tpu.memref_slice %arg7[%dma_start3A_233] : memref<32768xf32, #tpu.memory_space<vmem>> -> memref<2048xf32, #tpu.memory_space<vmem>>
      %dma_start3A_235 = arith.constant 0 : i32
      %dma_start3A_236 = tpu.memref_slice %arg2[%add3A_12, %dma_start3A_232, %dma_start3A_235] : memref<128x16x2048xf32, #tpu.memory_space<hbm>> -> memref<1x1x2048xf32, #tpu.memory_space<hbm>>
      %dma_start3A_237 = tpu.memref_squeeze %dma_start3A_236 : memref<1x1x2048xf32, #tpu.memory_space<hbm>> -> memref<2048xf32, #tpu.memory_space<hbm>>
      %dma_start3A_238 = arith.constant 20480 : i32
      %dma_start3A_239 = tpu.memref_slice %arg7[%dma_start3A_238] : memref<32768xf32, #tpu.memory_space<vmem>> -> memref<2048xf32, #tpu.memory_space<vmem>>
      %dma_start3A_240 = arith.constant 0 : i32
      %dma_start3A_241 = tpu.memref_slice %arg2[%add3A_12, %dma_start3A_232, %dma_start3A_240] : memref<128x16x2048xf32, #tpu.memory_space<hbm>> -> memref<1x1x2048xf32, #tpu.memory_space<hbm>>
      %dma_start3A_242 = tpu.memref_squeeze %dma_start3A_241 : memref<1x1x2048xf32, #tpu.memory_space<hbm>> -> memref<2048xf32, #tpu.memory_space<hbm>>
      tpu.enqueue_dma source(%dma_start3A_242 : memref<2048xf32, #tpu.memory_space<hbm>>) target(%dma_start3A_239 : memref<2048xf32, #tpu.memory_space<vmem>>) target_semaphore(%arg9 : memref<!tpu.dma_semaphore, #tpu.memory_space<semaphore_mem>>)
      %dma_start3A_243 = arith.constant 10 : i32
      %dma_start3A_244 = arith.constant 20480 : i32
      %dma_start3A_245 = tpu.memref_slice %arg6[%dma_start3A_244] : memref<32768xf32, #tpu.memory_space<vmem>> -> memref<2048xf32, #tpu.memory_space<vmem>>
      %dma_start3A_246 = arith.constant 0 : i32
      %dma_start3A_247 = tpu.memref_slice %arg3[%add3A_12, %dma_start3A_243, %dma_start3A_246] : memref<128x16x2048xf32, #tpu.memory_space<hbm>> -> memref<1x1x2048xf32, #tpu.memory_space<hbm>>
      %dma_start3A_248 = tpu.memref_squeeze %dma_start3A_247 : memref<1x1x2048xf32, #tpu.memory_space<hbm>> -> memref<2048xf32, #tpu.memory_space<hbm>>
      %dma_start3A_249 = arith.constant 20480 : i32
      %dma_start3A_250 = tpu.memref_slice %arg6[%dma_start3A_249] : memref<32768xf32, #tpu.memory_space<vmem>> -> memref<2048xf32, #tpu.memory_space<vmem>>
      %dma_start3A_251 = arith.constant 0 : i32
      %dma_start3A_252 = tpu.memref_slice %arg3[%add3A_12, %dma_start3A_243, %dma_start3A_251] : memref<128x16x2048xf32, #tpu.memory_space<hbm>> -> memref<1x1x2048xf32, #tpu.memory_space<hbm>>
      %dma_start3A_253 = tpu.memref_squeeze %dma_start3A_252 : memref<1x1x2048xf32, #tpu.memory_space<hbm>> -> memref<2048xf32, #tpu.memory_space<hbm>>
      tpu.enqueue_dma source(%dma_start3A_253 : memref<2048xf32, #tpu.memory_space<hbm>>) target(%dma_start3A_250 : memref<2048xf32, #tpu.memory_space<vmem>>) target_semaphore(%arg9 : memref<!tpu.dma_semaphore, #tpu.memory_space<semaphore_mem>>)
      %dma_start3A_254 = arith.constant 11 : i32
      %dma_start3A_255 = arith.constant 22528 : i32
      %dma_start3A_256 = tpu.memref_slice %arg7[%dma_start3A_255] : memref<32768xf32, #tpu.memory_space<vmem>> -> memref<2048xf32, #tpu.memory_space<vmem>>
      %dma_start3A_257 = arith.constant 0 : i32
      %dma_start3A_258 = tpu.memref_slice %arg2[%add3A_12, %dma_start3A_254, %dma_start3A_257] : memref<128x16x2048xf32, #tpu.memory_space<hbm>> -> memref<1x1x2048xf32, #tpu.memory_space<hbm>>
      %dma_start3A_259 = tpu.memref_squeeze %dma_start3A_258 : memref<1x1x2048xf32, #tpu.memory_space<hbm>> -> memref<2048xf32, #tpu.memory_space<hbm>>
      %dma_start3A_260 = arith.constant 22528 : i32
      %dma_start3A_261 = tpu.memref_slice %arg7[%dma_start3A_260] : memref<32768xf32, #tpu.memory_space<vmem>> -> memref<2048xf32, #tpu.memory_space<vmem>>
      %dma_start3A_262 = arith.constant 0 : i32
      %dma_start3A_263 = tpu.memref_slice %arg2[%add3A_12, %dma_start3A_254, %dma_start3A_262] : memref<128x16x2048xf32, #tpu.memory_space<hbm>> -> memref<1x1x2048xf32, #tpu.memory_space<hbm>>
      %dma_start3A_264 = tpu.memref_squeeze %dma_start3A_263 : memref<1x1x2048xf32, #tpu.memory_space<hbm>> -> memref<2048xf32, #tpu.memory_space<hbm>>
      tpu.enqueue_dma source(%dma_start3A_264 : memref<2048xf32, #tpu.memory_space<hbm>>) target(%dma_start3A_261 : memref<2048xf32, #tpu.memory_space<vmem>>) target_semaphore(%arg9 : memref<!tpu.dma_semaphore, #tpu.memory_space<semaphore_mem>>)
      %dma_start3A_265 = arith.constant 11 : i32
      %dma_start3A_266 = arith.constant 22528 : i32
      %dma_start3A_267 = tpu.memref_slice %arg6[%dma_start3A_266] : memref<32768xf32, #tpu.memory_space<vmem>> -> memref<2048xf32, #tpu.memory_space<vmem>>
      %dma_start3A_268 = arith.constant 0 : i32
      %dma_start3A_269 = tpu.memref_slice %arg3[%add3A_12, %dma_start3A_265, %dma_start3A_268] : memref<128x16x2048xf32, #tpu.memory_space<hbm>> -> memref<1x1x2048xf32, #tpu.memory_space<hbm>>
      %dma_start3A_270 = tpu.memref_squeeze %dma_start3A_269 : memref<1x1x2048xf32, #tpu.memory_space<hbm>> -> memref<2048xf32, #tpu.memory_space<hbm>>
      %dma_start3A_271 = arith.constant 22528 : i32
      %dma_start3A_272 = tpu.memref_slice %arg6[%dma_start3A_271] : memref<32768xf32, #tpu.memory_space<vmem>> -> memref<2048xf32, #tpu.memory_space<vmem>>
      %dma_start3A_273 = arith.constant 0 : i32
      %dma_start3A_274 = tpu.memref_slice %arg3[%add3A_12, %dma_start3A_265, %dma_start3A_273] : memref<128x16x2048xf32, #tpu.memory_space<hbm>> -> memref<1x1x2048xf32, #tpu.memory_space<hbm>>
      %dma_start3A_275 = tpu.memref_squeeze %dma_start3A_274 : memref<1x1x2048xf32, #tpu.memory_space<hbm>> -> memref<2048xf32, #tpu.memory_space<hbm>>
      tpu.enqueue_dma source(%dma_start3A_275 : memref<2048xf32, #tpu.memory_space<hbm>>) target(%dma_start3A_272 : memref<2048xf32, #tpu.memory_space<vmem>>) target_semaphore(%arg9 : memref<!tpu.dma_semaphore, #tpu.memory_space<semaphore_mem>>)
      %dma_start3A_276 = arith.constant 12 : i32
      %dma_start3A_277 = arith.constant 24576 : i32
      %dma_start3A_278 = tpu.memref_slice %arg7[%dma_start3A_277] : memref<32768xf32, #tpu.memory_space<vmem>> -> memref<2048xf32, #tpu.memory_space<vmem>>
      %dma_start3A_279 = arith.constant 0 : i32
      %dma_start3A_280 = tpu.memref_slice %arg2[%add3A_12, %dma_start3A_276, %dma_start3A_279] : memref<128x16x2048xf32, #tpu.memory_space<hbm>> -> memref<1x1x2048xf32, #tpu.memory_space<hbm>>
      %dma_start3A_281 = tpu.memref_squeeze %dma_start3A_280 : memref<1x1x2048xf32, #tpu.memory_space<hbm>> -> memref<2048xf32, #tpu.memory_space<hbm>>
      %dma_start3A_282 = arith.constant 24576 : i32
      %dma_start3A_283 = tpu.memref_slice %arg7[%dma_start3A_282] : memref<32768xf32, #tpu.memory_space<vmem>> -> memref<2048xf32, #tpu.memory_space<vmem>>
      %dma_start3A_284 = arith.constant 0 : i32
      %dma_start3A_285 = tpu.memref_slice %arg2[%add3A_12, %dma_start3A_276, %dma_start3A_284] : memref<128x16x2048xf32, #tpu.memory_space<hbm>> -> memref<1x1x2048xf32, #tpu.memory_space<hbm>>
      %dma_start3A_286 = tpu.memref_squeeze %dma_start3A_285 : memref<1x1x2048xf32, #tpu.memory_space<hbm>> -> memref<2048xf32, #tpu.memory_space<hbm>>
      tpu.enqueue_dma source(%dma_start3A_286 : memref<2048xf32, #tpu.memory_space<hbm>>) target(%dma_start3A_283 : memref<2048xf32, #tpu.memory_space<vmem>>) target_semaphore(%arg9 : memref<!tpu.dma_semaphore, #tpu.memory_space<semaphore_mem>>)
      %dma_start3A_287 = arith.constant 12 : i32
      %dma_start3A_288 = arith.constant 24576 : i32
      %dma_start3A_289 = tpu.memref_slice %arg6[%dma_start3A_288] : memref<32768xf32, #tpu.memory_space<vmem>> -> memref<2048xf32, #tpu.memory_space<vmem>>
      %dma_start3A_290 = arith.constant 0 : i32
      %dma_start3A_291 = tpu.memref_slice %arg3[%add3A_12, %dma_start3A_287, %dma_start3A_290] : memref<128x16x2048xf32, #tpu.memory_space<hbm>> -> memref<1x1x2048xf32, #tpu.memory_space<hbm>>
      %dma_start3A_292 = tpu.memref_squeeze %dma_start3A_291 : memref<1x1x2048xf32, #tpu.memory_space<hbm>> -> memref<2048xf32, #tpu.memory_space<hbm>>
      %dma_start3A_293 = arith.constant 24576 : i32
      %dma_start3A_294 = tpu.memref_slice %arg6[%dma_start3A_293] : memref<32768xf32, #tpu.memory_space<vmem>> -> memref<2048xf32, #tpu.memory_space<vmem>>
      %dma_start3A_295 = arith.constant 0 : i32
      %dma_start3A_296 = tpu.memref_slice %arg3[%add3A_12, %dma_start3A_287, %dma_start3A_295] : memref<128x16x2048xf32, #tpu.memory_space<hbm>> -> memref<1x1x2048xf32, #tpu.memory_space<hbm>>
      %dma_start3A_297 = tpu.memref_squeeze %dma_start3A_296 : memref<1x1x2048xf32, #tpu.memory_space<hbm>> -> memref<2048xf32, #tpu.memory_space<hbm>>
      tpu.enqueue_dma source(%dma_start3A_297 : memref<2048xf32, #tpu.memory_space<hbm>>) target(%dma_start3A_294 : memref<2048xf32, #tpu.memory_space<vmem>>) target_semaphore(%arg9 : memref<!tpu.dma_semaphore, #tpu.memory_space<semaphore_mem>>)
      %dma_start3A_298 = arith.constant 13 : i32
      %dma_start3A_299 = arith.constant 26624 : i32
      %dma_start3A_300 = tpu.memref_slice %arg7[%dma_start3A_299] : memref<32768xf32, #tpu.memory_space<vmem>> -> memref<2048xf32, #tpu.memory_space<vmem>>
      %dma_start3A_301 = arith.constant 0 : i32
      %dma_start3A_302 = tpu.memref_slice %arg2[%add3A_12, %dma_start3A_298, %dma_start3A_301] : memref<128x16x2048xf32, #tpu.memory_space<hbm>> -> memref<1x1x2048xf32, #tpu.memory_space<hbm>>
      %dma_start3A_303 = tpu.memref_squeeze %dma_start3A_302 : memref<1x1x2048xf32, #tpu.memory_space<hbm>> -> memref<2048xf32, #tpu.memory_space<hbm>>
      %dma_start3A_304 = arith.constant 26624 : i32
      %dma_start3A_305 = tpu.memref_slice %arg7[%dma_start3A_304] : memref<32768xf32, #tpu.memory_space<vmem>> -> memref<2048xf32, #tpu.memory_space<vmem>>
      %dma_start3A_306 = arith.constant 0 : i32
      %dma_start3A_307 = tpu.memref_slice %arg2[%add3A_12, %dma_start3A_298, %dma_start3A_306] : memref<128x16x2048xf32, #tpu.memory_space<hbm>> -> memref<1x1x2048xf32, #tpu.memory_space<hbm>>
      %dma_start3A_308 = tpu.memref_squeeze %dma_start3A_307 : memref<1x1x2048xf32, #tpu.memory_space<hbm>> -> memref<2048xf32, #tpu.memory_space<hbm>>
      tpu.enqueue_dma source(%dma_start3A_308 : memref<2048xf32, #tpu.memory_space<hbm>>) target(%dma_start3A_305 : memref<2048xf32, #tpu.memory_space<vmem>>) target_semaphore(%arg9 : memref<!tpu.dma_semaphore, #tpu.memory_space<semaphore_mem>>)
      %dma_start3A_309 = arith.constant 13 : i32
      %dma_start3A_310 = arith.constant 26624 : i32
      %dma_start3A_311 = tpu.memref_slice %arg6[%dma_start3A_310] : memref<32768xf32, #tpu.memory_space<vmem>> -> memref<2048xf32, #tpu.memory_space<vmem>>
      %dma_start3A_312 = arith.constant 0 : i32
      %dma_start3A_313 = tpu.memref_slice %arg3[%add3A_12, %dma_start3A_309, %dma_start3A_312] : memref<128x16x2048xf32, #tpu.memory_space<hbm>> -> memref<1x1x2048xf32, #tpu.memory_space<hbm>>
      %dma_start3A_314 = tpu.memref_squeeze %dma_start3A_313 : memref<1x1x2048xf32, #tpu.memory_space<hbm>> -> memref<2048xf32, #tpu.memory_space<hbm>>
      %dma_start3A_315 = arith.constant 26624 : i32
      %dma_start3A_316 = tpu.memref_slice %arg6[%dma_start3A_315] : memref<32768xf32, #tpu.memory_space<vmem>> -> memref<2048xf32, #tpu.memory_space<vmem>>
      %dma_start3A_317 = arith.constant 0 : i32
      %dma_start3A_318 = tpu.memref_slice %arg3[%add3A_12, %dma_start3A_309, %dma_start3A_317] : memref<128x16x2048xf32, #tpu.memory_space<hbm>> -> memref<1x1x2048xf32, #tpu.memory_space<hbm>>
      %dma_start3A_319 = tpu.memref_squeeze %dma_start3A_318 : memref<1x1x2048xf32, #tpu.memory_space<hbm>> -> memref<2048xf32, #tpu.memory_space<hbm>>
      tpu.enqueue_dma source(%dma_start3A_319 : memref<2048xf32, #tpu.memory_space<hbm>>) target(%dma_start3A_316 : memref<2048xf32, #tpu.memory_space<vmem>>) target_semaphore(%arg9 : memref<!tpu.dma_semaphore, #tpu.memory_space<semaphore_mem>>)
      %dma_start3A_320 = arith.constant 14 : i32
      %dma_start3A_321 = arith.constant 28672 : i32
      %dma_start3A_322 = tpu.memref_slice %arg7[%dma_start3A_321] : memref<32768xf32, #tpu.memory_space<vmem>> -> memref<2048xf32, #tpu.memory_space<vmem>>
      %dma_start3A_323 = arith.constant 0 : i32
      %dma_start3A_324 = tpu.memref_slice %arg2[%add3A_12, %dma_start3A_320, %dma_start3A_323] : memref<128x16x2048xf32, #tpu.memory_space<hbm>> -> memref<1x1x2048xf32, #tpu.memory_space<hbm>>
      %dma_start3A_325 = tpu.memref_squeeze %dma_start3A_324 : memref<1x1x2048xf32, #tpu.memory_space<hbm>> -> memref<2048xf32, #tpu.memory_space<hbm>>
      %dma_start3A_326 = arith.constant 28672 : i32
      %dma_start3A_327 = tpu.memref_slice %arg7[%dma_start3A_326] : memref<32768xf32, #tpu.memory_space<vmem>> -> memref<2048xf32, #tpu.memory_space<vmem>>
      %dma_start3A_328 = arith.constant 0 : i32
      %dma_start3A_329 = tpu.memref_slice %arg2[%add3A_12, %dma_start3A_320, %dma_start3A_328] : memref<128x16x2048xf32, #tpu.memory_space<hbm>> -> memref<1x1x2048xf32, #tpu.memory_space<hbm>>
      %dma_start3A_330 = tpu.memref_squeeze %dma_start3A_329 : memref<1x1x2048xf32, #tpu.memory_space<hbm>> -> memref<2048xf32, #tpu.memory_space<hbm>>
      tpu.enqueue_dma source(%dma_start3A_330 : memref<2048xf32, #tpu.memory_space<hbm>>) target(%dma_start3A_327 : memref<2048xf32, #tpu.memory_space<vmem>>) target_semaphore(%arg9 : memref<!tpu.dma_semaphore, #tpu.memory_space<semaphore_mem>>)
      %dma_start3A_331 = arith.constant 14 : i32
      %dma_start3A_332 = arith.constant 28672 : i32
      %dma_start3A_333 = tpu.memref_slice %arg6[%dma_start3A_332] : memref<32768xf32, #tpu.memory_space<vmem>> -> memref<2048xf32, #tpu.memory_space<vmem>>
      %dma_start3A_334 = arith.constant 0 : i32
      %dma_start3A_335 = tpu.memref_slice %arg3[%add3A_12, %dma_start3A_331, %dma_start3A_334] : memref<128x16x2048xf32, #tpu.memory_space<hbm>> -> memref<1x1x2048xf32, #tpu.memory_space<hbm>>
      %dma_start3A_336 = tpu.memref_squeeze %dma_start3A_335 : memref<1x1x2048xf32, #tpu.memory_space<hbm>> -> memref<2048xf32, #tpu.memory_space<hbm>>
      %dma_start3A_337 = arith.constant 28672 : i32
      %dma_start3A_338 = tpu.memref_slice %arg6[%dma_start3A_337] : memref<32768xf32, #tpu.memory_space<vmem>> -> memref<2048xf32, #tpu.memory_space<vmem>>
      %dma_start3A_339 = arith.constant 0 : i32
      %dma_start3A_340 = tpu.memref_slice %arg3[%add3A_12, %dma_start3A_331, %dma_start3A_339] : memref<128x16x2048xf32, #tpu.memory_space<hbm>> -> memref<1x1x2048xf32, #tpu.memory_space<hbm>>
      %dma_start3A_341 = tpu.memref_squeeze %dma_start3A_340 : memref<1x1x2048xf32, #tpu.memory_space<hbm>> -> memref<2048xf32, #tpu.memory_space<hbm>>
      tpu.enqueue_dma source(%dma_start3A_341 : memref<2048xf32, #tpu.memory_space<hbm>>) target(%dma_start3A_338 : memref<2048xf32, #tpu.memory_space<vmem>>) target_semaphore(%arg9 : memref<!tpu.dma_semaphore, #tpu.memory_space<semaphore_mem>>)
      %dma_start3A_342 = arith.constant 15 : i32
      %dma_start3A_343 = arith.constant 30720 : i32
      %dma_start3A_344 = tpu.memref_slice %arg7[%dma_start3A_343] : memref<32768xf32, #tpu.memory_space<vmem>> -> memref<2048xf32, #tpu.memory_space<vmem>>
      %dma_start3A_345 = arith.constant 0 : i32
      %dma_start3A_346 = tpu.memref_slice %arg2[%add3A_12, %dma_start3A_342, %dma_start3A_345] : memref<128x16x2048xf32, #tpu.memory_space<hbm>> -> memref<1x1x2048xf32, #tpu.memory_space<hbm>>
      %dma_start3A_347 = tpu.memref_squeeze %dma_start3A_346 : memref<1x1x2048xf32, #tpu.memory_space<hbm>> -> memref<2048xf32, #tpu.memory_space<hbm>>
      %dma_start3A_348 = arith.constant 30720 : i32
      %dma_start3A_349 = tpu.memref_slice %arg7[%dma_start3A_348] : memref<32768xf32, #tpu.memory_space<vmem>> -> memref<2048xf32, #tpu.memory_space<vmem>>
      %dma_start3A_350 = arith.constant 0 : i32
      %dma_start3A_351 = tpu.memref_slice %arg2[%add3A_12, %dma_start3A_342, %dma_start3A_350] : memref<128x16x2048xf32, #tpu.memory_space<hbm>> -> memref<1x1x2048xf32, #tpu.memory_space<hbm>>
      %dma_start3A_352 = tpu.memref_squeeze %dma_start3A_351 : memref<1x1x2048xf32, #tpu.memory_space<hbm>> -> memref<2048xf32, #tpu.memory_space<hbm>>
      tpu.enqueue_dma source(%dma_start3A_352 : memref<2048xf32, #tpu.memory_space<hbm>>) target(%dma_start3A_349 : memref<2048xf32, #tpu.memory_space<vmem>>) target_semaphore(%arg9 : memref<!tpu.dma_semaphore, #tpu.memory_space<semaphore_mem>>)
      %dma_start3A_353 = arith.constant 15 : i32
      %dma_start3A_354 = arith.constant 30720 : i32
      %dma_start3A_355 = tpu.memref_slice %arg6[%dma_start3A_354] : memref<32768xf32, #tpu.memory_space<vmem>> -> memref<2048xf32, #tpu.memory_space<vmem>>
      %dma_start3A_356 = arith.constant 0 : i32
      %dma_start3A_357 = tpu.memref_slice %arg3[%add3A_12, %dma_start3A_353, %dma_start3A_356] : memref<128x16x2048xf32, #tpu.memory_space<hbm>> -> memref<1x1x2048xf32, #tpu.memory_space<hbm>>
      %dma_start3A_358 = tpu.memref_squeeze %dma_start3A_357 : memref<1x1x2048xf32, #tpu.memory_space<hbm>> -> memref<2048xf32, #tpu.memory_space<hbm>>
      %dma_start3A_359 = arith.constant 30720 : i32
      %dma_start3A_360 = tpu.memref_slice %arg6[%dma_start3A_359] : memref<32768xf32, #tpu.memory_space<vmem>> -> memref<2048xf32, #tpu.memory_space<vmem>>
      %dma_start3A_361 = arith.constant 0 : i32
      %dma_start3A_362 = tpu.memref_slice %arg3[%add3A_12, %dma_start3A_353, %dma_start3A_361] : memref<128x16x2048xf32, #tpu.memory_space<hbm>> -> memref<1x1x2048xf32, #tpu.memory_space<hbm>>
      %dma_start3A_363 = tpu.memref_squeeze %dma_start3A_362 : memref<1x1x2048xf32, #tpu.memory_space<hbm>> -> memref<2048xf32, #tpu.memory_space<hbm>>
      tpu.enqueue_dma source(%dma_start3A_363 : memref<2048xf32, #tpu.memory_space<hbm>>) target(%dma_start3A_360 : memref<2048xf32, #tpu.memory_space<vmem>>) target_semaphore(%arg9 : memref<!tpu.dma_semaphore, #tpu.memory_space<semaphore_mem>>)
      "tpu.region"() ({
        %run_scoped3A = tpu.sem_alloc : memref<!tpu.dma_semaphore, #tpu.memory_space<semaphore_mem>>
        %dma_start3A_1152 = arith.constant 0 : i32
        %dma_start3A_1153 = tpu.memref_slice %arg4[%add3A_12, %dma_start3A_1152] : memref<128x16xf32, #tpu.memory_space<hbm>> -> memref<1x16xf32, #tpu.memory_space<hbm>>
        %dma_start3A_1154 = tpu.memref_squeeze %dma_start3A_1153 : memref<1x16xf32, #tpu.memory_space<hbm>> -> memref<16xf32, #tpu.memory_space<hbm>>
        %dma_start3A_1155 = arith.constant 0 : i32
        %dma_start3A_1156 = tpu.memref_slice %arg4[%add3A_12, %dma_start3A_1155] : memref<128x16xf32, #tpu.memory_space<hbm>> -> memref<1x16xf32, #tpu.memory_space<hbm>>
        %dma_start3A_1157 = tpu.memref_squeeze %dma_start3A_1156 : memref<1x16xf32, #tpu.memory_space<hbm>> -> memref<16xf32, #tpu.memory_space<hbm>>
        tpu.enqueue_dma source(%dma_start3A_1157 : memref<16xf32, #tpu.memory_space<hbm>>) target(%arg8 : memref<16xf32, #tpu.memory_space<vmem>>) target_semaphore(%run_scoped3A : memref<!tpu.dma_semaphore, #tpu.memory_space<semaphore_mem>>)
        %dma_wait3A_1158 = arith.constant 0 : i32
        %dma_wait3A_1159 = tpu.memref_slice %arg4[%add3A_12, %dma_wait3A_1158] : memref<128x16xf32, #tpu.memory_space<hbm>> -> memref<1x16xf32, #tpu.memory_space<hbm>>
        %dma_wait3A_1160 = tpu.memref_squeeze %dma_wait3A_1159 : memref<1x16xf32, #tpu.memory_space<hbm>> -> memref<16xf32, #tpu.memory_space<hbm>>
        %dma_wait3A_1161 = arith.constant 0 : i32
        %dma_wait3A_1162 = tpu.memref_slice %arg4[%add3A_12, %dma_wait3A_1161] : memref<128x16xf32, #tpu.memory_space<hbm>> -> memref<1x16xf32, #tpu.memory_space<hbm>>
        %dma_wait3A_1163 = tpu.memref_squeeze %dma_wait3A_1162 : memref<1x16xf32, #tpu.memory_space<hbm>> -> memref<16xf32, #tpu.memory_space<hbm>>
        tpu.wait_dma2 semaphore(%run_scoped3A : memref<!tpu.dma_semaphore, #tpu.memory_space<semaphore_mem>>) src(%dma_wait3A_1163 : memref<16xf32, #tpu.memory_space<hbm>>) dst(%arg8 : memref<16xf32, #tpu.memory_space<vmem>>)
        tpu.yield
      }) : () -> ()
      %dma_wait3A = arith.constant 0 : i32
      %dma_wait3A_364 = arith.constant 0 : i32
      %dma_wait3A_365 = tpu.memref_slice %arg7[%dma_wait3A_364] : memref<32768xf32, #tpu.memory_space<vmem>> -> memref<2048xf32, #tpu.memory_space<vmem>>
      %dma_wait3A_366 = arith.constant 0 : i32
      %dma_wait3A_367 = tpu.memref_slice %arg2[%add3A_12, %dma_wait3A, %dma_wait3A_366] : memref<128x16x2048xf32, #tpu.memory_space<hbm>> -> memref<1x1x2048xf32, #tpu.memory_space<hbm>>
      %dma_wait3A_368 = tpu.memref_squeeze %dma_wait3A_367 : memref<1x1x2048xf32, #tpu.memory_space<hbm>> -> memref<2048xf32, #tpu.memory_space<hbm>>
      %dma_wait3A_369 = arith.constant 0 : i32
      %dma_wait3A_370 = tpu.memref_slice %arg7[%dma_wait3A_369] : memref<32768xf32, #tpu.memory_space<vmem>> -> memref<2048xf32, #tpu.memory_space<vmem>>
      %dma_wait3A_371 = arith.constant 0 : i32
      %dma_wait3A_372 = tpu.memref_slice %arg2[%add3A_12, %dma_wait3A, %dma_wait3A_371] : memref<128x16x2048xf32, #tpu.memory_space<hbm>> -> memref<1x1x2048xf32, #tpu.memory_space<hbm>>
      %dma_wait3A_373 = tpu.memref_squeeze %dma_wait3A_372 : memref<1x1x2048xf32, #tpu.memory_space<hbm>> -> memref<2048xf32, #tpu.memory_space<hbm>>
      tpu.wait_dma2 semaphore(%arg9 : memref<!tpu.dma_semaphore, #tpu.memory_space<semaphore_mem>>) src(%dma_wait3A_373 : memref<2048xf32, #tpu.memory_space<hbm>>) dst(%dma_wait3A_370 : memref<2048xf32, #tpu.memory_space<vmem>>)
      %dma_wait3A_374 = arith.constant 0 : i32
      %dma_wait3A_375 = arith.constant 0 : i32
      %dma_wait3A_376 = tpu.memref_slice %arg6[%dma_wait3A_375] : memref<32768xf32, #tpu.memory_space<vmem>> -> memref<2048xf32, #tpu.memory_space<vmem>>
      %dma_wait3A_377 = arith.constant 0 : i32
      %dma_wait3A_378 = tpu.memref_slice %arg3[%add3A_12, %dma_wait3A_374, %dma_wait3A_377] : memref<128x16x2048xf32, #tpu.memory_space<hbm>> -> memref<1x1x2048xf32, #tpu.memory_space<hbm>>
      %dma_wait3A_379 = tpu.memref_squeeze %dma_wait3A_378 : memref<1x1x2048xf32, #tpu.memory_space<hbm>> -> memref<2048xf32, #tpu.memory_space<hbm>>
      %dma_wait3A_380 = arith.constant 0 : i32
      %dma_wait3A_381 = tpu.memref_slice %arg6[%dma_wait3A_380] : memref<32768xf32, #tpu.memory_space<vmem>> -> memref<2048xf32, #tpu.memory_space<vmem>>
      %dma_wait3A_382 = arith.constant 0 : i32
      %dma_wait3A_383 = tpu.memref_slice %arg3[%add3A_12, %dma_wait3A_374, %dma_wait3A_382] : memref<128x16x2048xf32, #tpu.memory_space<hbm>> -> memref<1x1x2048xf32, #tpu.memory_space<hbm>>
      %dma_wait3A_384 = tpu.memref_squeeze %dma_wait3A_383 : memref<1x1x2048xf32, #tpu.memory_space<hbm>> -> memref<2048xf32, #tpu.memory_space<hbm>>
      tpu.wait_dma2 semaphore(%arg9 : memref<!tpu.dma_semaphore, #tpu.memory_space<semaphore_mem>>) src(%dma_wait3A_384 : memref<2048xf32, #tpu.memory_space<hbm>>) dst(%dma_wait3A_381 : memref<2048xf32, #tpu.memory_space<vmem>>)
      %dma_wait3A_385 = arith.constant 1 : i32
      %dma_wait3A_386 = arith.constant 2048 : i32
      %dma_wait3A_387 = tpu.memref_slice %arg7[%dma_wait3A_386] : memref<32768xf32, #tpu.memory_space<vmem>> -> memref<2048xf32, #tpu.memory_space<vmem>>
      %dma_wait3A_388 = arith.constant 0 : i32
      %dma_wait3A_389 = tpu.memref_slice %arg2[%add3A_12, %dma_wait3A_385, %dma_wait3A_388] : memref<128x16x2048xf32, #tpu.memory_space<hbm>> -> memref<1x1x2048xf32, #tpu.memory_space<hbm>>
      %dma_wait3A_390 = tpu.memref_squeeze %dma_wait3A_389 : memref<1x1x2048xf32, #tpu.memory_space<hbm>> -> memref<2048xf32, #tpu.memory_space<hbm>>
      %dma_wait3A_391 = arith.constant 2048 : i32
      %dma_wait3A_392 = tpu.memref_slice %arg7[%dma_wait3A_391] : memref<32768xf32, #tpu.memory_space<vmem>> -> memref<2048xf32, #tpu.memory_space<vmem>>
      %dma_wait3A_393 = arith.constant 0 : i32
      %dma_wait3A_394 = tpu.memref_slice %arg2[%add3A_12, %dma_wait3A_385, %dma_wait3A_393] : memref<128x16x2048xf32, #tpu.memory_space<hbm>> -> memref<1x1x2048xf32, #tpu.memory_space<hbm>>
      %dma_wait3A_395 = tpu.memref_squeeze %dma_wait3A_394 : memref<1x1x2048xf32, #tpu.memory_space<hbm>> -> memref<2048xf32, #tpu.memory_space<hbm>>
      tpu.wait_dma2 semaphore(%arg9 : memref<!tpu.dma_semaphore, #tpu.memory_space<semaphore_mem>>) src(%dma_wait3A_395 : memref<2048xf32, #tpu.memory_space<hbm>>) dst(%dma_wait3A_392 : memref<2048xf32, #tpu.memory_space<vmem>>)
      %dma_wait3A_396 = arith.constant 1 : i32
      %dma_wait3A_397 = arith.constant 2048 : i32
      %dma_wait3A_398 = tpu.memref_slice %arg6[%dma_wait3A_397] : memref<32768xf32, #tpu.memory_space<vmem>> -> memref<2048xf32, #tpu.memory_space<vmem>>
      %dma_wait3A_399 = arith.constant 0 : i32
      %dma_wait3A_400 = tpu.memref_slice %arg3[%add3A_12, %dma_wait3A_396, %dma_wait3A_399] : memref<128x16x2048xf32, #tpu.memory_space<hbm>> -> memref<1x1x2048xf32, #tpu.memory_space<hbm>>
      %dma_wait3A_401 = tpu.memref_squeeze %dma_wait3A_400 : memref<1x1x2048xf32, #tpu.memory_space<hbm>> -> memref<2048xf32, #tpu.memory_space<hbm>>
      %dma_wait3A_402 = arith.constant 2048 : i32
      %dma_wait3A_403 = tpu.memref_slice %arg6[%dma_wait3A_402] : memref<32768xf32, #tpu.memory_space<vmem>> -> memref<2048xf32, #tpu.memory_space<vmem>>
      %dma_wait3A_404 = arith.constant 0 : i32
      %dma_wait3A_405 = tpu.memref_slice %arg3[%add3A_12, %dma_wait3A_396, %dma_wait3A_404] : memref<128x16x2048xf32, #tpu.memory_space<hbm>> -> memref<1x1x2048xf32, #tpu.memory_space<hbm>>
      %dma_wait3A_406 = tpu.memref_squeeze %dma_wait3A_405 : memref<1x1x2048xf32, #tpu.memory_space<hbm>> -> memref<2048xf32, #tpu.memory_space<hbm>>
      tpu.wait_dma2 semaphore(%arg9 : memref<!tpu.dma_semaphore, #tpu.memory_space<semaphore_mem>>) src(%dma_wait3A_406 : memref<2048xf32, #tpu.memory_space<hbm>>) dst(%dma_wait3A_403 : memref<2048xf32, #tpu.memory_space<vmem>>)
      %dma_wait3A_407 = arith.constant 2 : i32
      %dma_wait3A_408 = arith.constant 4096 : i32
      %dma_wait3A_409 = tpu.memref_slice %arg7[%dma_wait3A_408] : memref<32768xf32, #tpu.memory_space<vmem>> -> memref<2048xf32, #tpu.memory_space<vmem>>
      %dma_wait3A_410 = arith.constant 0 : i32
      %dma_wait3A_411 = tpu.memref_slice %arg2[%add3A_12, %dma_wait3A_407, %dma_wait3A_410] : memref<128x16x2048xf32, #tpu.memory_space<hbm>> -> memref<1x1x2048xf32, #tpu.memory_space<hbm>>
      %dma_wait3A_412 = tpu.memref_squeeze %dma_wait3A_411 : memref<1x1x2048xf32, #tpu.memory_space<hbm>> -> memref<2048xf32, #tpu.memory_space<hbm>>
      %dma_wait3A_413 = arith.constant 4096 : i32
      %dma_wait3A_414 = tpu.memref_slice %arg7[%dma_wait3A_413] : memref<32768xf32, #tpu.memory_space<vmem>> -> memref<2048xf32, #tpu.memory_space<vmem>>
      %dma_wait3A_415 = arith.constant 0 : i32
      %dma_wait3A_416 = tpu.memref_slice %arg2[%add3A_12, %dma_wait3A_407, %dma_wait3A_415] : memref<128x16x2048xf32, #tpu.memory_space<hbm>> -> memref<1x1x2048xf32, #tpu.memory_space<hbm>>
      %dma_wait3A_417 = tpu.memref_squeeze %dma_wait3A_416 : memref<1x1x2048xf32, #tpu.memory_space<hbm>> -> memref<2048xf32, #tpu.memory_space<hbm>>
      tpu.wait_dma2 semaphore(%arg9 : memref<!tpu.dma_semaphore, #tpu.memory_space<semaphore_mem>>) src(%dma_wait3A_417 : memref<2048xf32, #tpu.memory_space<hbm>>) dst(%dma_wait3A_414 : memref<2048xf32, #tpu.memory_space<vmem>>)
      %dma_wait3A_418 = arith.constant 2 : i32
      %dma_wait3A_419 = arith.constant 4096 : i32
      %dma_wait3A_420 = tpu.memref_slice %arg6[%dma_wait3A_419] : memref<32768xf32, #tpu.memory_space<vmem>> -> memref<2048xf32, #tpu.memory_space<vmem>>
      %dma_wait3A_421 = arith.constant 0 : i32
      %dma_wait3A_422 = tpu.memref_slice %arg3[%add3A_12, %dma_wait3A_418, %dma_wait3A_421] : memref<128x16x2048xf32, #tpu.memory_space<hbm>> -> memref<1x1x2048xf32, #tpu.memory_space<hbm>>
      %dma_wait3A_423 = tpu.memref_squeeze %dma_wait3A_422 : memref<1x1x2048xf32, #tpu.memory_space<hbm>> -> memref<2048xf32, #tpu.memory_space<hbm>>
      %dma_wait3A_424 = arith.constant 4096 : i32
      %dma_wait3A_425 = tpu.memref_slice %arg6[%dma_wait3A_424] : memref<32768xf32, #tpu.memory_space<vmem>> -> memref<2048xf32, #tpu.memory_space<vmem>>
      %dma_wait3A_426 = arith.constant 0 : i32
      %dma_wait3A_427 = tpu.memref_slice %arg3[%add3A_12, %dma_wait3A_418, %dma_wait3A_426] : memref<128x16x2048xf32, #tpu.memory_space<hbm>> -> memref<1x1x2048xf32, #tpu.memory_space<hbm>>
      %dma_wait3A_428 = tpu.memref_squeeze %dma_wait3A_427 : memref<1x1x2048xf32, #tpu.memory_space<hbm>> -> memref<2048xf32, #tpu.memory_space<hbm>>
      tpu.wait_dma2 semaphore(%arg9 : memref<!tpu.dma_semaphore, #tpu.memory_space<semaphore_mem>>) src(%dma_wait3A_428 : memref<2048xf32, #tpu.memory_space<hbm>>) dst(%dma_wait3A_425 : memref<2048xf32, #tpu.memory_space<vmem>>)
      %dma_wait3A_429 = arith.constant 3 : i32
      %dma_wait3A_430 = arith.constant 6144 : i32
      %dma_wait3A_431 = tpu.memref_slice %arg7[%dma_wait3A_430] : memref<32768xf32, #tpu.memory_space<vmem>> -> memref<2048xf32, #tpu.memory_space<vmem>>
      %dma_wait3A_432 = arith.constant 0 : i32
      %dma_wait3A_433 = tpu.memref_slice %arg2[%add3A_12, %dma_wait3A_429, %dma_wait3A_432] : memref<128x16x2048xf32, #tpu.memory_space<hbm>> -> memref<1x1x2048xf32, #tpu.memory_space<hbm>>
      %dma_wait3A_434 = tpu.memref_squeeze %dma_wait3A_433 : memref<1x1x2048xf32, #tpu.memory_space<hbm>> -> memref<2048xf32, #tpu.memory_space<hbm>>
      %dma_wait3A_435 = arith.constant 6144 : i32
      %dma_wait3A_436 = tpu.memref_slice %arg7[%dma_wait3A_435] : memref<32768xf32, #tpu.memory_space<vmem>> -> memref<2048xf32, #tpu.memory_space<vmem>>
      %dma_wait3A_437 = arith.constant 0 : i32
      %dma_wait3A_438 = tpu.memref_slice %arg2[%add3A_12, %dma_wait3A_429, %dma_wait3A_437] : memref<128x16x2048xf32, #tpu.memory_space<hbm>> -> memref<1x1x2048xf32, #tpu.memory_space<hbm>>
      %dma_wait3A_439 = tpu.memref_squeeze %dma_wait3A_438 : memref<1x1x2048xf32, #tpu.memory_space<hbm>> -> memref<2048xf32, #tpu.memory_space<hbm>>
      tpu.wait_dma2 semaphore(%arg9 : memref<!tpu.dma_semaphore, #tpu.memory_space<semaphore_mem>>) src(%dma_wait3A_439 : memref<2048xf32, #tpu.memory_space<hbm>>) dst(%dma_wait3A_436 : memref<2048xf32, #tpu.memory_space<vmem>>)
      %dma_wait3A_440 = arith.constant 3 : i32
      %dma_wait3A_441 = arith.constant 6144 : i32
      %dma_wait3A_442 = tpu.memref_slice %arg6[%dma_wait3A_441] : memref<32768xf32, #tpu.memory_space<vmem>> -> memref<2048xf32, #tpu.memory_space<vmem>>
      %dma_wait3A_443 = arith.constant 0 : i32
      %dma_wait3A_444 = tpu.memref_slice %arg3[%add3A_12, %dma_wait3A_440, %dma_wait3A_443] : memref<128x16x2048xf32, #tpu.memory_space<hbm>> -> memref<1x1x2048xf32, #tpu.memory_space<hbm>>
      %dma_wait3A_445 = tpu.memref_squeeze %dma_wait3A_444 : memref<1x1x2048xf32, #tpu.memory_space<hbm>> -> memref<2048xf32, #tpu.memory_space<hbm>>
      %dma_wait3A_446 = arith.constant 6144 : i32
      %dma_wait3A_447 = tpu.memref_slice %arg6[%dma_wait3A_446] : memref<32768xf32, #tpu.memory_space<vmem>> -> memref<2048xf32, #tpu.memory_space<vmem>>
      %dma_wait3A_448 = arith.constant 0 : i32
      %dma_wait3A_449 = tpu.memref_slice %arg3[%add3A_12, %dma_wait3A_440, %dma_wait3A_448] : memref<128x16x2048xf32, #tpu.memory_space<hbm>> -> memref<1x1x2048xf32, #tpu.memory_space<hbm>>
      %dma_wait3A_450 = tpu.memref_squeeze %dma_wait3A_449 : memref<1x1x2048xf32, #tpu.memory_space<hbm>> -> memref<2048xf32, #tpu.memory_space<hbm>>
      tpu.wait_dma2 semaphore(%arg9 : memref<!tpu.dma_semaphore, #tpu.memory_space<semaphore_mem>>) src(%dma_wait3A_450 : memref<2048xf32, #tpu.memory_space<hbm>>) dst(%dma_wait3A_447 : memref<2048xf32, #tpu.memory_space<vmem>>)
      %dma_wait3A_451 = arith.constant 4 : i32
      %dma_wait3A_452 = arith.constant 8192 : i32
      %dma_wait3A_453 = tpu.memref_slice %arg7[%dma_wait3A_452] : memref<32768xf32, #tpu.memory_space<vmem>> -> memref<2048xf32, #tpu.memory_space<vmem>>
      %dma_wait3A_454 = arith.constant 0 : i32
      %dma_wait3A_455 = tpu.memref_slice %arg2[%add3A_12, %dma_wait3A_451, %dma_wait3A_454] : memref<128x16x2048xf32, #tpu.memory_space<hbm>> -> memref<1x1x2048xf32, #tpu.memory_space<hbm>>
      %dma_wait3A_456 = tpu.memref_squeeze %dma_wait3A_455 : memref<1x1x2048xf32, #tpu.memory_space<hbm>> -> memref<2048xf32, #tpu.memory_space<hbm>>
      %dma_wait3A_457 = arith.constant 8192 : i32
      %dma_wait3A_458 = tpu.memref_slice %arg7[%dma_wait3A_457] : memref<32768xf32, #tpu.memory_space<vmem>> -> memref<2048xf32, #tpu.memory_space<vmem>>
      %dma_wait3A_459 = arith.constant 0 : i32
      %dma_wait3A_460 = tpu.memref_slice %arg2[%add3A_12, %dma_wait3A_451, %dma_wait3A_459] : memref<128x16x2048xf32, #tpu.memory_space<hbm>> -> memref<1x1x2048xf32, #tpu.memory_space<hbm>>
      %dma_wait3A_461 = tpu.memref_squeeze %dma_wait3A_460 : memref<1x1x2048xf32, #tpu.memory_space<hbm>> -> memref<2048xf32, #tpu.memory_space<hbm>>
      tpu.wait_dma2 semaphore(%arg9 : memref<!tpu.dma_semaphore, #tpu.memory_space<semaphore_mem>>) src(%dma_wait3A_461 : memref<2048xf32, #tpu.memory_space<hbm>>) dst(%dma_wait3A_458 : memref<2048xf32, #tpu.memory_space<vmem>>)
      %dma_wait3A_462 = arith.constant 4 : i32
      %dma_wait3A_463 = arith.constant 8192 : i32
      %dma_wait3A_464 = tpu.memref_slice %arg6[%dma_wait3A_463] : memref<32768xf32, #tpu.memory_space<vmem>> -> memref<2048xf32, #tpu.memory_space<vmem>>
      %dma_wait3A_465 = arith.constant 0 : i32
      %dma_wait3A_466 = tpu.memref_slice %arg3[%add3A_12, %dma_wait3A_462, %dma_wait3A_465] : memref<128x16x2048xf32, #tpu.memory_space<hbm>> -> memref<1x1x2048xf32, #tpu.memory_space<hbm>>
      %dma_wait3A_467 = tpu.memref_squeeze %dma_wait3A_466 : memref<1x1x2048xf32, #tpu.memory_space<hbm>> -> memref<2048xf32, #tpu.memory_space<hbm>>
      %dma_wait3A_468 = arith.constant 8192 : i32
      %dma_wait3A_469 = tpu.memref_slice %arg6[%dma_wait3A_468] : memref<32768xf32, #tpu.memory_space<vmem>> -> memref<2048xf32, #tpu.memory_space<vmem>>
      %dma_wait3A_470 = arith.constant 0 : i32
      %dma_wait3A_471 = tpu.memref_slice %arg3[%add3A_12, %dma_wait3A_462, %dma_wait3A_470] : memref<128x16x2048xf32, #tpu.memory_space<hbm>> -> memref<1x1x2048xf32, #tpu.memory_space<hbm>>
      %dma_wait3A_472 = tpu.memref_squeeze %dma_wait3A_471 : memref<1x1x2048xf32, #tpu.memory_space<hbm>> -> memref<2048xf32, #tpu.memory_space<hbm>>
      tpu.wait_dma2 semaphore(%arg9 : memref<!tpu.dma_semaphore, #tpu.memory_space<semaphore_mem>>) src(%dma_wait3A_472 : memref<2048xf32, #tpu.memory_space<hbm>>) dst(%dma_wait3A_469 : memref<2048xf32, #tpu.memory_space<vmem>>)
      %dma_wait3A_473 = arith.constant 5 : i32
      %dma_wait3A_474 = arith.constant 10240 : i32
      %dma_wait3A_475 = tpu.memref_slice %arg7[%dma_wait3A_474] : memref<32768xf32, #tpu.memory_space<vmem>> -> memref<2048xf32, #tpu.memory_space<vmem>>
      %dma_wait3A_476 = arith.constant 0 : i32
      %dma_wait3A_477 = tpu.memref_slice %arg2[%add3A_12, %dma_wait3A_473, %dma_wait3A_476] : memref<128x16x2048xf32, #tpu.memory_space<hbm>> -> memref<1x1x2048xf32, #tpu.memory_space<hbm>>
      %dma_wait3A_478 = tpu.memref_squeeze %dma_wait3A_477 : memref<1x1x2048xf32, #tpu.memory_space<hbm>> -> memref<2048xf32, #tpu.memory_space<hbm>>
      %dma_wait3A_479 = arith.constant 10240 : i32
      %dma_wait3A_480 = tpu.memref_slice %arg7[%dma_wait3A_479] : memref<32768xf32, #tpu.memory_space<vmem>> -> memref<2048xf32, #tpu.memory_space<vmem>>
      %dma_wait3A_481 = arith.constant 0 : i32
      %dma_wait3A_482 = tpu.memref_slice %arg2[%add3A_12, %dma_wait3A_473, %dma_wait3A_481] : memref<128x16x2048xf32, #tpu.memory_space<hbm>> -> memref<1x1x2048xf32, #tpu.memory_space<hbm>>
      %dma_wait3A_483 = tpu.memref_squeeze %dma_wait3A_482 : memref<1x1x2048xf32, #tpu.memory_space<hbm>> -> memref<2048xf32, #tpu.memory_space<hbm>>
      tpu.wait_dma2 semaphore(%arg9 : memref<!tpu.dma_semaphore, #tpu.memory_space<semaphore_mem>>) src(%dma_wait3A_483 : memref<2048xf32, #tpu.memory_space<hbm>>) dst(%dma_wait3A_480 : memref<2048xf32, #tpu.memory_space<vmem>>)
      %dma_wait3A_484 = arith.constant 5 : i32
      %dma_wait3A_485 = arith.constant 10240 : i32
      %dma_wait3A_486 = tpu.memref_slice %arg6[%dma_wait3A_485] : memref<32768xf32, #tpu.memory_space<vmem>> -> memref<2048xf32, #tpu.memory_space<vmem>>
      %dma_wait3A_487 = arith.constant 0 : i32
      %dma_wait3A_488 = tpu.memref_slice %arg3[%add3A_12, %dma_wait3A_484, %dma_wait3A_487] : memref<128x16x2048xf32, #tpu.memory_space<hbm>> -> memref<1x1x2048xf32, #tpu.memory_space<hbm>>
      %dma_wait3A_489 = tpu.memref_squeeze %dma_wait3A_488 : memref<1x1x2048xf32, #tpu.memory_space<hbm>> -> memref<2048xf32, #tpu.memory_space<hbm>>
      %dma_wait3A_490 = arith.constant 10240 : i32
      %dma_wait3A_491 = tpu.memref_slice %arg6[%dma_wait3A_490] : memref<32768xf32, #tpu.memory_space<vmem>> -> memref<2048xf32, #tpu.memory_space<vmem>>
      %dma_wait3A_492 = arith.constant 0 : i32
      %dma_wait3A_493 = tpu.memref_slice %arg3[%add3A_12, %dma_wait3A_484, %dma_wait3A_492] : memref<128x16x2048xf32, #tpu.memory_space<hbm>> -> memref<1x1x2048xf32, #tpu.memory_space<hbm>>
      %dma_wait3A_494 = tpu.memref_squeeze %dma_wait3A_493 : memref<1x1x2048xf32, #tpu.memory_space<hbm>> -> memref<2048xf32, #tpu.memory_space<hbm>>
      tpu.wait_dma2 semaphore(%arg9 : memref<!tpu.dma_semaphore, #tpu.memory_space<semaphore_mem>>) src(%dma_wait3A_494 : memref<2048xf32, #tpu.memory_space<hbm>>) dst(%dma_wait3A_491 : memref<2048xf32, #tpu.memory_space<vmem>>)
      %dma_wait3A_495 = arith.constant 6 : i32
      %dma_wait3A_496 = arith.constant 12288 : i32
      %dma_wait3A_497 = tpu.memref_slice %arg7[%dma_wait3A_496] : memref<32768xf32, #tpu.memory_space<vmem>> -> memref<2048xf32, #tpu.memory_space<vmem>>
      %dma_wait3A_498 = arith.constant 0 : i32
      %dma_wait3A_499 = tpu.memref_slice %arg2[%add3A_12, %dma_wait3A_495, %dma_wait3A_498] : memref<128x16x2048xf32, #tpu.memory_space<hbm>> -> memref<1x1x2048xf32, #tpu.memory_space<hbm>>
      %dma_wait3A_500 = tpu.memref_squeeze %dma_wait3A_499 : memref<1x1x2048xf32, #tpu.memory_space<hbm>> -> memref<2048xf32, #tpu.memory_space<hbm>>
      %dma_wait3A_501 = arith.constant 12288 : i32
      %dma_wait3A_502 = tpu.memref_slice %arg7[%dma_wait3A_501] : memref<32768xf32, #tpu.memory_space<vmem>> -> memref<2048xf32, #tpu.memory_space<vmem>>
      %dma_wait3A_503 = arith.constant 0 : i32
      %dma_wait3A_504 = tpu.memref_slice %arg2[%add3A_12, %dma_wait3A_495, %dma_wait3A_503] : memref<128x16x2048xf32, #tpu.memory_space<hbm>> -> memref<1x1x2048xf32, #tpu.memory_space<hbm>>
      %dma_wait3A_505 = tpu.memref_squeeze %dma_wait3A_504 : memref<1x1x2048xf32, #tpu.memory_space<hbm>> -> memref<2048xf32, #tpu.memory_space<hbm>>
      tpu.wait_dma2 semaphore(%arg9 : memref<!tpu.dma_semaphore, #tpu.memory_space<semaphore_mem>>) src(%dma_wait3A_505 : memref<2048xf32, #tpu.memory_space<hbm>>) dst(%dma_wait3A_502 : memref<2048xf32, #tpu.memory_space<vmem>>)
      %dma_wait3A_506 = arith.constant 6 : i32
      %dma_wait3A_507 = arith.constant 12288 : i32
      %dma_wait3A_508 = tpu.memref_slice %arg6[%dma_wait3A_507] : memref<32768xf32, #tpu.memory_space<vmem>> -> memref<2048xf32, #tpu.memory_space<vmem>>
      %dma_wait3A_509 = arith.constant 0 : i32
      %dma_wait3A_510 = tpu.memref_slice %arg3[%add3A_12, %dma_wait3A_506, %dma_wait3A_509] : memref<128x16x2048xf32, #tpu.memory_space<hbm>> -> memref<1x1x2048xf32, #tpu.memory_space<hbm>>
      %dma_wait3A_511 = tpu.memref_squeeze %dma_wait3A_510 : memref<1x1x2048xf32, #tpu.memory_space<hbm>> -> memref<2048xf32, #tpu.memory_space<hbm>>
      %dma_wait3A_512 = arith.constant 12288 : i32
      %dma_wait3A_513 = tpu.memref_slice %arg6[%dma_wait3A_512] : memref<32768xf32, #tpu.memory_space<vmem>> -> memref<2048xf32, #tpu.memory_space<vmem>>
      %dma_wait3A_514 = arith.constant 0 : i32
      %dma_wait3A_515 = tpu.memref_slice %arg3[%add3A_12, %dma_wait3A_506, %dma_wait3A_514] : memref<128x16x2048xf32, #tpu.memory_space<hbm>> -> memref<1x1x2048xf32, #tpu.memory_space<hbm>>
      %dma_wait3A_516 = tpu.memref_squeeze %dma_wait3A_515 : memref<1x1x2048xf32, #tpu.memory_space<hbm>> -> memref<2048xf32, #tpu.memory_space<hbm>>
      tpu.wait_dma2 semaphore(%arg9 : memref<!tpu.dma_semaphore, #tpu.memory_space<semaphore_mem>>) src(%dma_wait3A_516 : memref<2048xf32, #tpu.memory_space<hbm>>) dst(%dma_wait3A_513 : memref<2048xf32, #tpu.memory_space<vmem>>)
      %dma_wait3A_517 = arith.constant 7 : i32
      %dma_wait3A_518 = arith.constant 14336 : i32
      %dma_wait3A_519 = tpu.memref_slice %arg7[%dma_wait3A_518] : memref<32768xf32, #tpu.memory_space<vmem>> -> memref<2048xf32, #tpu.memory_space<vmem>>
      %dma_wait3A_520 = arith.constant 0 : i32
      %dma_wait3A_521 = tpu.memref_slice %arg2[%add3A_12, %dma_wait3A_517, %dma_wait3A_520] : memref<128x16x2048xf32, #tpu.memory_space<hbm>> -> memref<1x1x2048xf32, #tpu.memory_space<hbm>>
      %dma_wait3A_522 = tpu.memref_squeeze %dma_wait3A_521 : memref<1x1x2048xf32, #tpu.memory_space<hbm>> -> memref<2048xf32, #tpu.memory_space<hbm>>
      %dma_wait3A_523 = arith.constant 14336 : i32
      %dma_wait3A_524 = tpu.memref_slice %arg7[%dma_wait3A_523] : memref<32768xf32, #tpu.memory_space<vmem>> -> memref<2048xf32, #tpu.memory_space<vmem>>
      %dma_wait3A_525 = arith.constant 0 : i32
      %dma_wait3A_526 = tpu.memref_slice %arg2[%add3A_12, %dma_wait3A_517, %dma_wait3A_525] : memref<128x16x2048xf32, #tpu.memory_space<hbm>> -> memref<1x1x2048xf32, #tpu.memory_space<hbm>>
      %dma_wait3A_527 = tpu.memref_squeeze %dma_wait3A_526 : memref<1x1x2048xf32, #tpu.memory_space<hbm>> -> memref<2048xf32, #tpu.memory_space<hbm>>
      tpu.wait_dma2 semaphore(%arg9 : memref<!tpu.dma_semaphore, #tpu.memory_space<semaphore_mem>>) src(%dma_wait3A_527 : memref<2048xf32, #tpu.memory_space<hbm>>) dst(%dma_wait3A_524 : memref<2048xf32, #tpu.memory_space<vmem>>)
      %dma_wait3A_528 = arith.constant 7 : i32
      %dma_wait3A_529 = arith.constant 14336 : i32
      %dma_wait3A_530 = tpu.memref_slice %arg6[%dma_wait3A_529] : memref<32768xf32, #tpu.memory_space<vmem>> -> memref<2048xf32, #tpu.memory_space<vmem>>
      %dma_wait3A_531 = arith.constant 0 : i32
      %dma_wait3A_532 = tpu.memref_slice %arg3[%add3A_12, %dma_wait3A_528, %dma_wait3A_531] : memref<128x16x2048xf32, #tpu.memory_space<hbm>> -> memref<1x1x2048xf32, #tpu.memory_space<hbm>>
      %dma_wait3A_533 = tpu.memref_squeeze %dma_wait3A_532 : memref<1x1x2048xf32, #tpu.memory_space<hbm>> -> memref<2048xf32, #tpu.memory_space<hbm>>
      %dma_wait3A_534 = arith.constant 14336 : i32
      %dma_wait3A_535 = tpu.memref_slice %arg6[%dma_wait3A_534] : memref<32768xf32, #tpu.memory_space<vmem>> -> memref<2048xf32, #tpu.memory_space<vmem>>
      %dma_wait3A_536 = arith.constant 0 : i32
      %dma_wait3A_537 = tpu.memref_slice %arg3[%add3A_12, %dma_wait3A_528, %dma_wait3A_536] : memref<128x16x2048xf32, #tpu.memory_space<hbm>> -> memref<1x1x2048xf32, #tpu.memory_space<hbm>>
      %dma_wait3A_538 = tpu.memref_squeeze %dma_wait3A_537 : memref<1x1x2048xf32, #tpu.memory_space<hbm>> -> memref<2048xf32, #tpu.memory_space<hbm>>
      tpu.wait_dma2 semaphore(%arg9 : memref<!tpu.dma_semaphore, #tpu.memory_space<semaphore_mem>>) src(%dma_wait3A_538 : memref<2048xf32, #tpu.memory_space<hbm>>) dst(%dma_wait3A_535 : memref<2048xf32, #tpu.memory_space<vmem>>)
      %dma_wait3A_539 = arith.constant 8 : i32
      %dma_wait3A_540 = arith.constant 16384 : i32
      %dma_wait3A_541 = tpu.memref_slice %arg7[%dma_wait3A_540] : memref<32768xf32, #tpu.memory_space<vmem>> -> memref<2048xf32, #tpu.memory_space<vmem>>
      %dma_wait3A_542 = arith.constant 0 : i32
      %dma_wait3A_543 = tpu.memref_slice %arg2[%add3A_12, %dma_wait3A_539, %dma_wait3A_542] : memref<128x16x2048xf32, #tpu.memory_space<hbm>> -> memref<1x1x2048xf32, #tpu.memory_space<hbm>>
      %dma_wait3A_544 = tpu.memref_squeeze %dma_wait3A_543 : memref<1x1x2048xf32, #tpu.memory_space<hbm>> -> memref<2048xf32, #tpu.memory_space<hbm>>
      %dma_wait3A_545 = arith.constant 16384 : i32
      %dma_wait3A_546 = tpu.memref_slice %arg7[%dma_wait3A_545] : memref<32768xf32, #tpu.memory_space<vmem>> -> memref<2048xf32, #tpu.memory_space<vmem>>
      %dma_wait3A_547 = arith.constant 0 : i32
      %dma_wait3A_548 = tpu.memref_slice %arg2[%add3A_12, %dma_wait3A_539, %dma_wait3A_547] : memref<128x16x2048xf32, #tpu.memory_space<hbm>> -> memref<1x1x2048xf32, #tpu.memory_space<hbm>>
      %dma_wait3A_549 = tpu.memref_squeeze %dma_wait3A_548 : memref<1x1x2048xf32, #tpu.memory_space<hbm>> -> memref<2048xf32, #tpu.memory_space<hbm>>
      tpu.wait_dma2 semaphore(%arg9 : memref<!tpu.dma_semaphore, #tpu.memory_space<semaphore_mem>>) src(%dma_wait3A_549 : memref<2048xf32, #tpu.memory_space<hbm>>) dst(%dma_wait3A_546 : memref<2048xf32, #tpu.memory_space<vmem>>)
      %dma_wait3A_550 = arith.constant 8 : i32
      %dma_wait3A_551 = arith.constant 16384 : i32
      %dma_wait3A_552 = tpu.memref_slice %arg6[%dma_wait3A_551] : memref<32768xf32, #tpu.memory_space<vmem>> -> memref<2048xf32, #tpu.memory_space<vmem>>
      %dma_wait3A_553 = arith.constant 0 : i32
      %dma_wait3A_554 = tpu.memref_slice %arg3[%add3A_12, %dma_wait3A_550, %dma_wait3A_553] : memref<128x16x2048xf32, #tpu.memory_space<hbm>> -> memref<1x1x2048xf32, #tpu.memory_space<hbm>>
      %dma_wait3A_555 = tpu.memref_squeeze %dma_wait3A_554 : memref<1x1x2048xf32, #tpu.memory_space<hbm>> -> memref<2048xf32, #tpu.memory_space<hbm>>
      %dma_wait3A_556 = arith.constant 16384 : i32
      %dma_wait3A_557 = tpu.memref_slice %arg6[%dma_wait3A_556] : memref<32768xf32, #tpu.memory_space<vmem>> -> memref<2048xf32, #tpu.memory_space<vmem>>
      %dma_wait3A_558 = arith.constant 0 : i32
      %dma_wait3A_559 = tpu.memref_slice %arg3[%add3A_12, %dma_wait3A_550, %dma_wait3A_558] : memref<128x16x2048xf32, #tpu.memory_space<hbm>> -> memref<1x1x2048xf32, #tpu.memory_space<hbm>>
      %dma_wait3A_560 = tpu.memref_squeeze %dma_wait3A_559 : memref<1x1x2048xf32, #tpu.memory_space<hbm>> -> memref<2048xf32, #tpu.memory_space<hbm>>
      tpu.wait_dma2 semaphore(%arg9 : memref<!tpu.dma_semaphore, #tpu.memory_space<semaphore_mem>>) src(%dma_wait3A_560 : memref<2048xf32, #tpu.memory_space<hbm>>) dst(%dma_wait3A_557 : memref<2048xf32, #tpu.memory_space<vmem>>)
      %dma_wait3A_561 = arith.constant 9 : i32
      %dma_wait3A_562 = arith.constant 18432 : i32
      %dma_wait3A_563 = tpu.memref_slice %arg7[%dma_wait3A_562] : memref<32768xf32, #tpu.memory_space<vmem>> -> memref<2048xf32, #tpu.memory_space<vmem>>
      %dma_wait3A_564 = arith.constant 0 : i32
      %dma_wait3A_565 = tpu.memref_slice %arg2[%add3A_12, %dma_wait3A_561, %dma_wait3A_564] : memref<128x16x2048xf32, #tpu.memory_space<hbm>> -> memref<1x1x2048xf32, #tpu.memory_space<hbm>>
      %dma_wait3A_566 = tpu.memref_squeeze %dma_wait3A_565 : memref<1x1x2048xf32, #tpu.memory_space<hbm>> -> memref<2048xf32, #tpu.memory_space<hbm>>
      %dma_wait3A_567 = arith.constant 18432 : i32
      %dma_wait3A_568 = tpu.memref_slice %arg7[%dma_wait3A_567] : memref<32768xf32, #tpu.memory_space<vmem>> -> memref<2048xf32, #tpu.memory_space<vmem>>
      %dma_wait3A_569 = arith.constant 0 : i32
      %dma_wait3A_570 = tpu.memref_slice %arg2[%add3A_12, %dma_wait3A_561, %dma_wait3A_569] : memref<128x16x2048xf32, #tpu.memory_space<hbm>> -> memref<1x1x2048xf32, #tpu.memory_space<hbm>>
      %dma_wait3A_571 = tpu.memref_squeeze %dma_wait3A_570 : memref<1x1x2048xf32, #tpu.memory_space<hbm>> -> memref<2048xf32, #tpu.memory_space<hbm>>
      tpu.wait_dma2 semaphore(%arg9 : memref<!tpu.dma_semaphore, #tpu.memory_space<semaphore_mem>>) src(%dma_wait3A_571 : memref<2048xf32, #tpu.memory_space<hbm>>) dst(%dma_wait3A_568 : memref<2048xf32, #tpu.memory_space<vmem>>)
      %dma_wait3A_572 = arith.constant 9 : i32
      %dma_wait3A_573 = arith.constant 18432 : i32
      %dma_wait3A_574 = tpu.memref_slice %arg6[%dma_wait3A_573] : memref<32768xf32, #tpu.memory_space<vmem>> -> memref<2048xf32, #tpu.memory_space<vmem>>
      %dma_wait3A_575 = arith.constant 0 : i32
      %dma_wait3A_576 = tpu.memref_slice %arg3[%add3A_12, %dma_wait3A_572, %dma_wait3A_575] : memref<128x16x2048xf32, #tpu.memory_space<hbm>> -> memref<1x1x2048xf32, #tpu.memory_space<hbm>>
      %dma_wait3A_577 = tpu.memref_squeeze %dma_wait3A_576 : memref<1x1x2048xf32, #tpu.memory_space<hbm>> -> memref<2048xf32, #tpu.memory_space<hbm>>
      %dma_wait3A_578 = arith.constant 18432 : i32
      %dma_wait3A_579 = tpu.memref_slice %arg6[%dma_wait3A_578] : memref<32768xf32, #tpu.memory_space<vmem>> -> memref<2048xf32, #tpu.memory_space<vmem>>
      %dma_wait3A_580 = arith.constant 0 : i32
      %dma_wait3A_581 = tpu.memref_slice %arg3[%add3A_12, %dma_wait3A_572, %dma_wait3A_580] : memref<128x16x2048xf32, #tpu.memory_space<hbm>> -> memref<1x1x2048xf32, #tpu.memory_space<hbm>>
      %dma_wait3A_582 = tpu.memref_squeeze %dma_wait3A_581 : memref<1x1x2048xf32, #tpu.memory_space<hbm>> -> memref<2048xf32, #tpu.memory_space<hbm>>
      tpu.wait_dma2 semaphore(%arg9 : memref<!tpu.dma_semaphore, #tpu.memory_space<semaphore_mem>>) src(%dma_wait3A_582 : memref<2048xf32, #tpu.memory_space<hbm>>) dst(%dma_wait3A_579 : memref<2048xf32, #tpu.memory_space<vmem>>)
      %dma_wait3A_583 = arith.constant 10 : i32
      %dma_wait3A_584 = arith.constant 20480 : i32
      %dma_wait3A_585 = tpu.memref_slice %arg7[%dma_wait3A_584] : memref<32768xf32, #tpu.memory_space<vmem>> -> memref<2048xf32, #tpu.memory_space<vmem>>
      %dma_wait3A_586 = arith.constant 0 : i32
      %dma_wait3A_587 = tpu.memref_slice %arg2[%add3A_12, %dma_wait3A_583, %dma_wait3A_586] : memref<128x16x2048xf32, #tpu.memory_space<hbm>> -> memref<1x1x2048xf32, #tpu.memory_space<hbm>>
      %dma_wait3A_588 = tpu.memref_squeeze %dma_wait3A_587 : memref<1x1x2048xf32, #tpu.memory_space<hbm>> -> memref<2048xf32, #tpu.memory_space<hbm>>
      %dma_wait3A_589 = arith.constant 20480 : i32
      %dma_wait3A_590 = tpu.memref_slice %arg7[%dma_wait3A_589] : memref<32768xf32, #tpu.memory_space<vmem>> -> memref<2048xf32, #tpu.memory_space<vmem>>
      %dma_wait3A_591 = arith.constant 0 : i32
      %dma_wait3A_592 = tpu.memref_slice %arg2[%add3A_12, %dma_wait3A_583, %dma_wait3A_591] : memref<128x16x2048xf32, #tpu.memory_space<hbm>> -> memref<1x1x2048xf32, #tpu.memory_space<hbm>>
      %dma_wait3A_593 = tpu.memref_squeeze %dma_wait3A_592 : memref<1x1x2048xf32, #tpu.memory_space<hbm>> -> memref<2048xf32, #tpu.memory_space<hbm>>
      tpu.wait_dma2 semaphore(%arg9 : memref<!tpu.dma_semaphore, #tpu.memory_space<semaphore_mem>>) src(%dma_wait3A_593 : memref<2048xf32, #tpu.memory_space<hbm>>) dst(%dma_wait3A_590 : memref<2048xf32, #tpu.memory_space<vmem>>)
      %dma_wait3A_594 = arith.constant 10 : i32
      %dma_wait3A_595 = arith.constant 20480 : i32
      %dma_wait3A_596 = tpu.memref_slice %arg6[%dma_wait3A_595] : memref<32768xf32, #tpu.memory_space<vmem>> -> memref<2048xf32, #tpu.memory_space<vmem>>
      %dma_wait3A_597 = arith.constant 0 : i32
      %dma_wait3A_598 = tpu.memref_slice %arg3[%add3A_12, %dma_wait3A_594, %dma_wait3A_597] : memref<128x16x2048xf32, #tpu.memory_space<hbm>> -> memref<1x1x2048xf32, #tpu.memory_space<hbm>>
      %dma_wait3A_599 = tpu.memref_squeeze %dma_wait3A_598 : memref<1x1x2048xf32, #tpu.memory_space<hbm>> -> memref<2048xf32, #tpu.memory_space<hbm>>
      %dma_wait3A_600 = arith.constant 20480 : i32
      %dma_wait3A_601 = tpu.memref_slice %arg6[%dma_wait3A_600] : memref<32768xf32, #tpu.memory_space<vmem>> -> memref<2048xf32, #tpu.memory_space<vmem>>
      %dma_wait3A_602 = arith.constant 0 : i32
      %dma_wait3A_603 = tpu.memref_slice %arg3[%add3A_12, %dma_wait3A_594, %dma_wait3A_602] : memref<128x16x2048xf32, #tpu.memory_space<hbm>> -> memref<1x1x2048xf32, #tpu.memory_space<hbm>>
      %dma_wait3A_604 = tpu.memref_squeeze %dma_wait3A_603 : memref<1x1x2048xf32, #tpu.memory_space<hbm>> -> memref<2048xf32, #tpu.memory_space<hbm>>
      tpu.wait_dma2 semaphore(%arg9 : memref<!tpu.dma_semaphore, #tpu.memory_space<semaphore_mem>>) src(%dma_wait3A_604 : memref<2048xf32, #tpu.memory_space<hbm>>) dst(%dma_wait3A_601 : memref<2048xf32, #tpu.memory_space<vmem>>)
      %dma_wait3A_605 = arith.constant 11 : i32
      %dma_wait3A_606 = arith.constant 22528 : i32
      %dma_wait3A_607 = tpu.memref_slice %arg7[%dma_wait3A_606] : memref<32768xf32, #tpu.memory_space<vmem>> -> memref<2048xf32, #tpu.memory_space<vmem>>
      %dma_wait3A_608 = arith.constant 0 : i32
      %dma_wait3A_609 = tpu.memref_slice %arg2[%add3A_12, %dma_wait3A_605, %dma_wait3A_608] : memref<128x16x2048xf32, #tpu.memory_space<hbm>> -> memref<1x1x2048xf32, #tpu.memory_space<hbm>>
      %dma_wait3A_610 = tpu.memref_squeeze %dma_wait3A_609 : memref<1x1x2048xf32, #tpu.memory_space<hbm>> -> memref<2048xf32, #tpu.memory_space<hbm>>
      %dma_wait3A_611 = arith.constant 22528 : i32
      %dma_wait3A_612 = tpu.memref_slice %arg7[%dma_wait3A_611] : memref<32768xf32, #tpu.memory_space<vmem>> -> memref<2048xf32, #tpu.memory_space<vmem>>
      %dma_wait3A_613 = arith.constant 0 : i32
      %dma_wait3A_614 = tpu.memref_slice %arg2[%add3A_12, %dma_wait3A_605, %dma_wait3A_613] : memref<128x16x2048xf32, #tpu.memory_space<hbm>> -> memref<1x1x2048xf32, #tpu.memory_space<hbm>>
      %dma_wait3A_615 = tpu.memref_squeeze %dma_wait3A_614 : memref<1x1x2048xf32, #tpu.memory_space<hbm>> -> memref<2048xf32, #tpu.memory_space<hbm>>
      tpu.wait_dma2 semaphore(%arg9 : memref<!tpu.dma_semaphore, #tpu.memory_space<semaphore_mem>>) src(%dma_wait3A_615 : memref<2048xf32, #tpu.memory_space<hbm>>) dst(%dma_wait3A_612 : memref<2048xf32, #tpu.memory_space<vmem>>)
      %dma_wait3A_616 = arith.constant 11 : i32
      %dma_wait3A_617 = arith.constant 22528 : i32
      %dma_wait3A_618 = tpu.memref_slice %arg6[%dma_wait3A_617] : memref<32768xf32, #tpu.memory_space<vmem>> -> memref<2048xf32, #tpu.memory_space<vmem>>
      %dma_wait3A_619 = arith.constant 0 : i32
      %dma_wait3A_620 = tpu.memref_slice %arg3[%add3A_12, %dma_wait3A_616, %dma_wait3A_619] : memref<128x16x2048xf32, #tpu.memory_space<hbm>> -> memref<1x1x2048xf32, #tpu.memory_space<hbm>>
      %dma_wait3A_621 = tpu.memref_squeeze %dma_wait3A_620 : memref<1x1x2048xf32, #tpu.memory_space<hbm>> -> memref<2048xf32, #tpu.memory_space<hbm>>
      %dma_wait3A_622 = arith.constant 22528 : i32
      %dma_wait3A_623 = tpu.memref_slice %arg6[%dma_wait3A_622] : memref<32768xf32, #tpu.memory_space<vmem>> -> memref<2048xf32, #tpu.memory_space<vmem>>
      %dma_wait3A_624 = arith.constant 0 : i32
      %dma_wait3A_625 = tpu.memref_slice %arg3[%add3A_12, %dma_wait3A_616, %dma_wait3A_624] : memref<128x16x2048xf32, #tpu.memory_space<hbm>> -> memref<1x1x2048xf32, #tpu.memory_space<hbm>>
      %dma_wait3A_626 = tpu.memref_squeeze %dma_wait3A_625 : memref<1x1x2048xf32, #tpu.memory_space<hbm>> -> memref<2048xf32, #tpu.memory_space<hbm>>
      tpu.wait_dma2 semaphore(%arg9 : memref<!tpu.dma_semaphore, #tpu.memory_space<semaphore_mem>>) src(%dma_wait3A_626 : memref<2048xf32, #tpu.memory_space<hbm>>) dst(%dma_wait3A_623 : memref<2048xf32, #tpu.memory_space<vmem>>)
      %dma_wait3A_627 = arith.constant 12 : i32
      %dma_wait3A_628 = arith.constant 24576 : i32
      %dma_wait3A_629 = tpu.memref_slice %arg7[%dma_wait3A_628] : memref<32768xf32, #tpu.memory_space<vmem>> -> memref<2048xf32, #tpu.memory_space<vmem>>
      %dma_wait3A_630 = arith.constant 0 : i32
      %dma_wait3A_631 = tpu.memref_slice %arg2[%add3A_12, %dma_wait3A_627, %dma_wait3A_630] : memref<128x16x2048xf32, #tpu.memory_space<hbm>> -> memref<1x1x2048xf32, #tpu.memory_space<hbm>>
      %dma_wait3A_632 = tpu.memref_squeeze %dma_wait3A_631 : memref<1x1x2048xf32, #tpu.memory_space<hbm>> -> memref<2048xf32, #tpu.memory_space<hbm>>
      %dma_wait3A_633 = arith.constant 24576 : i32
      %dma_wait3A_634 = tpu.memref_slice %arg7[%dma_wait3A_633] : memref<32768xf32, #tpu.memory_space<vmem>> -> memref<2048xf32, #tpu.memory_space<vmem>>
      %dma_wait3A_635 = arith.constant 0 : i32
      %dma_wait3A_636 = tpu.memref_slice %arg2[%add3A_12, %dma_wait3A_627, %dma_wait3A_635] : memref<128x16x2048xf32, #tpu.memory_space<hbm>> -> memref<1x1x2048xf32, #tpu.memory_space<hbm>>
      %dma_wait3A_637 = tpu.memref_squeeze %dma_wait3A_636 : memref<1x1x2048xf32, #tpu.memory_space<hbm>> -> memref<2048xf32, #tpu.memory_space<hbm>>
      tpu.wait_dma2 semaphore(%arg9 : memref<!tpu.dma_semaphore, #tpu.memory_space<semaphore_mem>>) src(%dma_wait3A_637 : memref<2048xf32, #tpu.memory_space<hbm>>) dst(%dma_wait3A_634 : memref<2048xf32, #tpu.memory_space<vmem>>)
      %dma_wait3A_638 = arith.constant 12 : i32
      %dma_wait3A_639 = arith.constant 24576 : i32
      %dma_wait3A_640 = tpu.memref_slice %arg6[%dma_wait3A_639] : memref<32768xf32, #tpu.memory_space<vmem>> -> memref<2048xf32, #tpu.memory_space<vmem>>
      %dma_wait3A_641 = arith.constant 0 : i32
      %dma_wait3A_642 = tpu.memref_slice %arg3[%add3A_12, %dma_wait3A_638, %dma_wait3A_641] : memref<128x16x2048xf32, #tpu.memory_space<hbm>> -> memref<1x1x2048xf32, #tpu.memory_space<hbm>>
      %dma_wait3A_643 = tpu.memref_squeeze %dma_wait3A_642 : memref<1x1x2048xf32, #tpu.memory_space<hbm>> -> memref<2048xf32, #tpu.memory_space<hbm>>
      %dma_wait3A_644 = arith.constant 24576 : i32
      %dma_wait3A_645 = tpu.memref_slice %arg6[%dma_wait3A_644] : memref<32768xf32, #tpu.memory_space<vmem>> -> memref<2048xf32, #tpu.memory_space<vmem>>
      %dma_wait3A_646 = arith.constant 0 : i32
      %dma_wait3A_647 = tpu.memref_slice %arg3[%add3A_12, %dma_wait3A_638, %dma_wait3A_646] : memref<128x16x2048xf32, #tpu.memory_space<hbm>> -> memref<1x1x2048xf32, #tpu.memory_space<hbm>>
      %dma_wait3A_648 = tpu.memref_squeeze %dma_wait3A_647 : memref<1x1x2048xf32, #tpu.memory_space<hbm>> -> memref<2048xf32, #tpu.memory_space<hbm>>
      tpu.wait_dma2 semaphore(%arg9 : memref<!tpu.dma_semaphore, #tpu.memory_space<semaphore_mem>>) src(%dma_wait3A_648 : memref<2048xf32, #tpu.memory_space<hbm>>) dst(%dma_wait3A_645 : memref<2048xf32, #tpu.memory_space<vmem>>)
      %dma_wait3A_649 = arith.constant 13 : i32
      %dma_wait3A_650 = arith.constant 26624 : i32
      %dma_wait3A_651 = tpu.memref_slice %arg7[%dma_wait3A_650] : memref<32768xf32, #tpu.memory_space<vmem>> -> memref<2048xf32, #tpu.memory_space<vmem>>
      %dma_wait3A_652 = arith.constant 0 : i32
      %dma_wait3A_653 = tpu.memref_slice %arg2[%add3A_12, %dma_wait3A_649, %dma_wait3A_652] : memref<128x16x2048xf32, #tpu.memory_space<hbm>> -> memref<1x1x2048xf32, #tpu.memory_space<hbm>>
      %dma_wait3A_654 = tpu.memref_squeeze %dma_wait3A_653 : memref<1x1x2048xf32, #tpu.memory_space<hbm>> -> memref<2048xf32, #tpu.memory_space<hbm>>
      %dma_wait3A_655 = arith.constant 26624 : i32
      %dma_wait3A_656 = tpu.memref_slice %arg7[%dma_wait3A_655] : memref<32768xf32, #tpu.memory_space<vmem>> -> memref<2048xf32, #tpu.memory_space<vmem>>
      %dma_wait3A_657 = arith.constant 0 : i32
      %dma_wait3A_658 = tpu.memref_slice %arg2[%add3A_12, %dma_wait3A_649, %dma_wait3A_657] : memref<128x16x2048xf32, #tpu.memory_space<hbm>> -> memref<1x1x2048xf32, #tpu.memory_space<hbm>>
      %dma_wait3A_659 = tpu.memref_squeeze %dma_wait3A_658 : memref<1x1x2048xf32, #tpu.memory_space<hbm>> -> memref<2048xf32, #tpu.memory_space<hbm>>
      tpu.wait_dma2 semaphore(%arg9 : memref<!tpu.dma_semaphore, #tpu.memory_space<semaphore_mem>>) src(%dma_wait3A_659 : memref<2048xf32, #tpu.memory_space<hbm>>) dst(%dma_wait3A_656 : memref<2048xf32, #tpu.memory_space<vmem>>)
      %dma_wait3A_660 = arith.constant 13 : i32
      %dma_wait3A_661 = arith.constant 26624 : i32
      %dma_wait3A_662 = tpu.memref_slice %arg6[%dma_wait3A_661] : memref<32768xf32, #tpu.memory_space<vmem>> -> memref<2048xf32, #tpu.memory_space<vmem>>
      %dma_wait3A_663 = arith.constant 0 : i32
      %dma_wait3A_664 = tpu.memref_slice %arg3[%add3A_12, %dma_wait3A_660, %dma_wait3A_663] : memref<128x16x2048xf32, #tpu.memory_space<hbm>> -> memref<1x1x2048xf32, #tpu.memory_space<hbm>>
      %dma_wait3A_665 = tpu.memref_squeeze %dma_wait3A_664 : memref<1x1x2048xf32, #tpu.memory_space<hbm>> -> memref<2048xf32, #tpu.memory_space<hbm>>
      %dma_wait3A_666 = arith.constant 26624 : i32
      %dma_wait3A_667 = tpu.memref_slice %arg6[%dma_wait3A_666] : memref<32768xf32, #tpu.memory_space<vmem>> -> memref<2048xf32, #tpu.memory_space<vmem>>
      %dma_wait3A_668 = arith.constant 0 : i32
      %dma_wait3A_669 = tpu.memref_slice %arg3[%add3A_12, %dma_wait3A_660, %dma_wait3A_668] : memref<128x16x2048xf32, #tpu.memory_space<hbm>> -> memref<1x1x2048xf32, #tpu.memory_space<hbm>>
      %dma_wait3A_670 = tpu.memref_squeeze %dma_wait3A_669 : memref<1x1x2048xf32, #tpu.memory_space<hbm>> -> memref<2048xf32, #tpu.memory_space<hbm>>
      tpu.wait_dma2 semaphore(%arg9 : memref<!tpu.dma_semaphore, #tpu.memory_space<semaphore_mem>>) src(%dma_wait3A_670 : memref<2048xf32, #tpu.memory_space<hbm>>) dst(%dma_wait3A_667 : memref<2048xf32, #tpu.memory_space<vmem>>)
      %dma_wait3A_671 = arith.constant 14 : i32
      %dma_wait3A_672 = arith.constant 28672 : i32
      %dma_wait3A_673 = tpu.memref_slice %arg7[%dma_wait3A_672] : memref<32768xf32, #tpu.memory_space<vmem>> -> memref<2048xf32, #tpu.memory_space<vmem>>
      %dma_wait3A_674 = arith.constant 0 : i32
      %dma_wait3A_675 = tpu.memref_slice %arg2[%add3A_12, %dma_wait3A_671, %dma_wait3A_674] : memref<128x16x2048xf32, #tpu.memory_space<hbm>> -> memref<1x1x2048xf32, #tpu.memory_space<hbm>>
      %dma_wait3A_676 = tpu.memref_squeeze %dma_wait3A_675 : memref<1x1x2048xf32, #tpu.memory_space<hbm>> -> memref<2048xf32, #tpu.memory_space<hbm>>
      %dma_wait3A_677 = arith.constant 28672 : i32
      %dma_wait3A_678 = tpu.memref_slice %arg7[%dma_wait3A_677] : memref<32768xf32, #tpu.memory_space<vmem>> -> memref<2048xf32, #tpu.memory_space<vmem>>
      %dma_wait3A_679 = arith.constant 0 : i32
      %dma_wait3A_680 = tpu.memref_slice %arg2[%add3A_12, %dma_wait3A_671, %dma_wait3A_679] : memref<128x16x2048xf32, #tpu.memory_space<hbm>> -> memref<1x1x2048xf32, #tpu.memory_space<hbm>>
      %dma_wait3A_681 = tpu.memref_squeeze %dma_wait3A_680 : memref<1x1x2048xf32, #tpu.memory_space<hbm>> -> memref<2048xf32, #tpu.memory_space<hbm>>
      tpu.wait_dma2 semaphore(%arg9 : memref<!tpu.dma_semaphore, #tpu.memory_space<semaphore_mem>>) src(%dma_wait3A_681 : memref<2048xf32, #tpu.memory_space<hbm>>) dst(%dma_wait3A_678 : memref<2048xf32, #tpu.memory_space<vmem>>)
      %dma_wait3A_682 = arith.constant 14 : i32
      %dma_wait3A_683 = arith.constant 28672 : i32
      %dma_wait3A_684 = tpu.memref_slice %arg6[%dma_wait3A_683] : memref<32768xf32, #tpu.memory_space<vmem>> -> memref<2048xf32, #tpu.memory_space<vmem>>
      %dma_wait3A_685 = arith.constant 0 : i32
      %dma_wait3A_686 = tpu.memref_slice %arg3[%add3A_12, %dma_wait3A_682, %dma_wait3A_685] : memref<128x16x2048xf32, #tpu.memory_space<hbm>> -> memref<1x1x2048xf32, #tpu.memory_space<hbm>>
      %dma_wait3A_687 = tpu.memref_squeeze %dma_wait3A_686 : memref<1x1x2048xf32, #tpu.memory_space<hbm>> -> memref<2048xf32, #tpu.memory_space<hbm>>
      %dma_wait3A_688 = arith.constant 28672 : i32
      %dma_wait3A_689 = tpu.memref_slice %arg6[%dma_wait3A_688] : memref<32768xf32, #tpu.memory_space<vmem>> -> memref<2048xf32, #tpu.memory_space<vmem>>
      %dma_wait3A_690 = arith.constant 0 : i32
      %dma_wait3A_691 = tpu.memref_slice %arg3[%add3A_12, %dma_wait3A_682, %dma_wait3A_690] : memref<128x16x2048xf32, #tpu.memory_space<hbm>> -> memref<1x1x2048xf32, #tpu.memory_space<hbm>>
      %dma_wait3A_692 = tpu.memref_squeeze %dma_wait3A_691 : memref<1x1x2048xf32, #tpu.memory_space<hbm>> -> memref<2048xf32, #tpu.memory_space<hbm>>
      tpu.wait_dma2 semaphore(%arg9 : memref<!tpu.dma_semaphore, #tpu.memory_space<semaphore_mem>>) src(%dma_wait3A_692 : memref<2048xf32, #tpu.memory_space<hbm>>) dst(%dma_wait3A_689 : memref<2048xf32, #tpu.memory_space<vmem>>)
      %dma_wait3A_693 = arith.constant 15 : i32
      %dma_wait3A_694 = arith.constant 30720 : i32
      %dma_wait3A_695 = tpu.memref_slice %arg7[%dma_wait3A_694] : memref<32768xf32, #tpu.memory_space<vmem>> -> memref<2048xf32, #tpu.memory_space<vmem>>
      %dma_wait3A_696 = arith.constant 0 : i32
      %dma_wait3A_697 = tpu.memref_slice %arg2[%add3A_12, %dma_wait3A_693, %dma_wait3A_696] : memref<128x16x2048xf32, #tpu.memory_space<hbm>> -> memref<1x1x2048xf32, #tpu.memory_space<hbm>>
      %dma_wait3A_698 = tpu.memref_squeeze %dma_wait3A_697 : memref<1x1x2048xf32, #tpu.memory_space<hbm>> -> memref<2048xf32, #tpu.memory_space<hbm>>
      %dma_wait3A_699 = arith.constant 30720 : i32
      %dma_wait3A_700 = tpu.memref_slice %arg7[%dma_wait3A_699] : memref<32768xf32, #tpu.memory_space<vmem>> -> memref<2048xf32, #tpu.memory_space<vmem>>
      %dma_wait3A_701 = arith.constant 0 : i32
      %dma_wait3A_702 = tpu.memref_slice %arg2[%add3A_12, %dma_wait3A_693, %dma_wait3A_701] : memref<128x16x2048xf32, #tpu.memory_space<hbm>> -> memref<1x1x2048xf32, #tpu.memory_space<hbm>>
      %dma_wait3A_703 = tpu.memref_squeeze %dma_wait3A_702 : memref<1x1x2048xf32, #tpu.memory_space<hbm>> -> memref<2048xf32, #tpu.memory_space<hbm>>
      tpu.wait_dma2 semaphore(%arg9 : memref<!tpu.dma_semaphore, #tpu.memory_space<semaphore_mem>>) src(%dma_wait3A_703 : memref<2048xf32, #tpu.memory_space<hbm>>) dst(%dma_wait3A_700 : memref<2048xf32, #tpu.memory_space<vmem>>)
      %dma_wait3A_704 = arith.constant 15 : i32
      %dma_wait3A_705 = arith.constant 30720 : i32
      %dma_wait3A_706 = tpu.memref_slice %arg6[%dma_wait3A_705] : memref<32768xf32, #tpu.memory_space<vmem>> -> memref<2048xf32, #tpu.memory_space<vmem>>
      %dma_wait3A_707 = arith.constant 0 : i32
      %dma_wait3A_708 = tpu.memref_slice %arg3[%add3A_12, %dma_wait3A_704, %dma_wait3A_707] : memref<128x16x2048xf32, #tpu.memory_space<hbm>> -> memref<1x1x2048xf32, #tpu.memory_space<hbm>>
      %dma_wait3A_709 = tpu.memref_squeeze %dma_wait3A_708 : memref<1x1x2048xf32, #tpu.memory_space<hbm>> -> memref<2048xf32, #tpu.memory_space<hbm>>
      %dma_wait3A_710 = arith.constant 30720 : i32
      %dma_wait3A_711 = tpu.memref_slice %arg6[%dma_wait3A_710] : memref<32768xf32, #tpu.memory_space<vmem>> -> memref<2048xf32, #tpu.memory_space<vmem>>
      %dma_wait3A_712 = arith.constant 0 : i32
      %dma_wait3A_713 = tpu.memref_slice %arg3[%add3A_12, %dma_wait3A_704, %dma_wait3A_712] : memref<128x16x2048xf32, #tpu.memory_space<hbm>> -> memref<1x1x2048xf32, #tpu.memory_space<hbm>>
      %dma_wait3A_714 = tpu.memref_squeeze %dma_wait3A_713 : memref<1x1x2048xf32, #tpu.memory_space<hbm>> -> memref<2048xf32, #tpu.memory_space<hbm>>
      tpu.wait_dma2 semaphore(%arg9 : memref<!tpu.dma_semaphore, #tpu.memory_space<semaphore_mem>>) src(%dma_wait3A_714 : memref<2048xf32, #tpu.memory_space<hbm>>) dst(%dma_wait3A_711 : memref<2048xf32, #tpu.memory_space<vmem>>)
      %get3A = arith.constant 0 : index
      %get3A_715 = tpu.vector_load %arg8[%get3A] {strides = array<i32>} : memref<16xf32, #tpu.memory_space<vmem>>, vector<16xf32>,
      %sub3A = arith.constant 1.000000e+00 : f32
      %sub3A_716 = arith.constant 2.000000e-02 : f32
      %sub3A_717 = arith.subf %sub3A, %sub3A_716 : f32
      %sub3A_718 = vector.broadcast %sub3A_717 : f32 to vector<16xf32>
      %sub3A_719 = arith.subf %sub3A_718, %get3A_715 : vector<16xf32>
      %max3A = arith.constant 0.000000e+00 : f32
      %max3A_720 = vector.broadcast %max3A : f32 to vector<16xf32>
      %max3A_721 = arith.maximumf %sub3A_719, %max3A_720 : vector<16xf32>
      %add3A_722 = arith.constant 1.000000e+00 : f32
      %add3A_723 = arith.constant 2.000000e-02 : f32
      %add3A_724 = arith.addf %add3A_722, %add3A_723 : f32
      %sub3A_725 = vector.broadcast %add3A_724 : f32 to vector<16xf32>
      %sub3A_726 = arith.subf %sub3A_725, %get3A_715 : vector<16xf32>
      %min3A = arith.constant 1.000000e+00 : f32
      %min3A_727 = vector.broadcast %min3A : f32 to vector<16xf32>
      %min3A_728 = arith.minimumf %sub3A_726, %min3A_727 : vector<16xf32>
      %bitcast3A = vector.bitcast %max3A_721 : vector<16xf32> to vector<16xi32>
      %bitcast3A_729 = vector.bitcast %min3A_728 : vector<16xf32> to vector<16xi32>
      %parallel_loop3A = arith.constant 0 : i32
      %parallel_loop3A_730 = arith.constant 2048 : i32
      %parallel_loop3A_731 = arith.constant 1 : i32
      %parallel_loop3A_732:3 = scf.for %parallel_loop3A_1152 = %parallel_loop3A to %parallel_loop3A_730 step %parallel_loop3A_731 iter_args(%parallel_loop3A_1153 = %broadcast_in_dim3A_0, %parallel_loop3A_1154 = %broadcast_in_dim3A_0, %parallel_loop3A_1155 = %broadcast_in_dim3A_0) -> (vector<16xi32>, vector<16xi32>, vector<16xi32>)  : i32 {
        %parallel_loop3A_1156 = arith.constant 16 : i32
        %parallel_loop3A_1157 = arith.muli %parallel_loop3A_1152, %parallel_loop3A_1156 : i32
        %parallel_loop3A_1158 = arith.index_cast %parallel_loop3A_1157 : i32 to index
        %parallel_loop3A_1159 = tpu.vector_load %arg7[%parallel_loop3A_1158] {strides = array<i32>} : memref<32768xf32, #tpu.memory_space<vmem>>, vector<16xf32>,
        %parallel_loop3A_1160 = arith.constant 16 : i32
        %parallel_loop3A_1161 = arith.muli %parallel_loop3A_1152, %parallel_loop3A_1160 : i32
        %parallel_loop3A_1162 = arith.index_cast %parallel_loop3A_1161 : i32 to index
        %parallel_loop3A_1163 = tpu.vector_load %arg6[%parallel_loop3A_1162] {strides = array<i32>} : memref<32768xf32, #tpu.memory_space<vmem>>, vector<16xf32>,
        %parallel_loop3A_1164 = arith.mulf %parallel_loop3A_1163, %parallel_loop3A_1159 : vector<16xf32>
        %parallel_loop3A_1165 = arith.constant 16 : i32
        %parallel_loop3A_1166 = arith.muli %parallel_loop3A_1152, %parallel_loop3A_1165 : i32
        %parallel_loop3A_1167 = arith.index_cast %parallel_loop3A_1166 : i32 to index
        %parallel_loop3A_1168 = tpu.vector_load %arg6[%parallel_loop3A_1167] {strides = array<i32>} : memref<32768xf32, #tpu.memory_space<vmem>>, vector<16xf32>,
        tpu.vector_store %arg6[%parallel_loop3A_1167], %parallel_loop3A_1164 {strides = array<i32>} : memref<32768xf32, #tpu.memory_space<vmem>>, vector<16xf32>,
        %parallel_loop3A_1169 = vector.bitcast %parallel_loop3A_1164 : vector<16xf32> to vector<16xi32>
        %parallel_loop3A_1170 = arith.constant 0.000000e+00 : f32
        %parallel_loop3A_1171 = vector.broadcast %parallel_loop3A_1170 : f32 to vector<16xf32>
        %parallel_loop3A_1172 = arith.cmpf ogt, %parallel_loop3A_1159, %parallel_loop3A_1171 : vector<16xf32>
        %parallel_loop3A_1173 = vector.broadcast %scan3A_4 : i32 to vector<16xi32>
        %parallel_loop3A_1174 = vector.broadcast %scan3A_5 : i32 to vector<16xi32>
        %parallel_loop3A_1175 = arith.select %parallel_loop3A_1172, %parallel_loop3A_1173, %parallel_loop3A_1174 : vector<16xi1>, vector<16xi32>
        %parallel_loop3A_1176 = arith.addi %parallel_loop3A_1153, %parallel_loop3A_1175 : vector<16xi32>
        %parallel_loop3A_1177 = arith.cmpi sge, %parallel_loop3A_1169, %bitcast3A : vector<16xi32>
        %parallel_loop3A_1178 = vector.broadcast %scan3A_4 : i32 to vector<16xi32>
        %parallel_loop3A_1179 = vector.broadcast %scan3A_5 : i32 to vector<16xi32>
        %parallel_loop3A_1180 = arith.select %parallel_loop3A_1177, %parallel_loop3A_1178, %parallel_loop3A_1179 : vector<16xi1>, vector<16xi32>
        %parallel_loop3A_1181 = arith.addi %parallel_loop3A_1154, %parallel_loop3A_1180 : vector<16xi32>
        %parallel_loop3A_1182 = arith.cmpi sge, %parallel_loop3A_1169, %bitcast3A_729 : vector<16xi32>
        %parallel_loop3A_1183 = vector.broadcast %scan3A_4 : i32 to vector<16xi32>
        %parallel_loop3A_1184 = vector.broadcast %scan3A_5 : i32 to vector<16xi32>
        %parallel_loop3A_1185 = arith.select %parallel_loop3A_1182, %parallel_loop3A_1183, %parallel_loop3A_1184 : vector<16xi1>, vector<16xi32>
        %parallel_loop3A_1186 = arith.addi %parallel_loop3A_1155, %parallel_loop3A_1185 : vector<16xi32>
        scf.yield %parallel_loop3A_1176, %parallel_loop3A_1181, %parallel_loop3A_1186 : vector<16xi32>, vector<16xi32>, vector<16xi32>
      } {sc.loop_unroll_factor = 8 : i64, sc.parallel_access}
      %reduce_sum3A = arith.constant true
      %reduce_sum3A_733 = vector.broadcast %reduce_sum3A : i1 to vector<16xi1>
      %reduce_sum3A_734 = tpu.scan <sum>, %parallel_loop3A_732#0 masked %reduce_sum3A_733 : vector<16xi32>, vector<16xi1> -> vector<16xi32>
      %reduce_sum3A_735 = vector.extract %reduce_sum3A_734[15] : i32 from vector<16xi32>
      %broadcast_in_dim3A_736 = vector.broadcast %reduce_sum3A_735 : i32 to vector<16xi32>
      %reduce_sum3A_737 = arith.constant true
      %reduce_sum3A_738 = vector.broadcast %reduce_sum3A_737 : i1 to vector<16xi1>
      %reduce_sum3A_739 = tpu.scan <sum>, %parallel_loop3A_732#1 masked %reduce_sum3A_738 : vector<16xi32>, vector<16xi1> -> vector<16xi32>
      %reduce_sum3A_740 = vector.extract %reduce_sum3A_739[15] : i32 from vector<16xi32>
      %broadcast_in_dim3A_741 = vector.broadcast %reduce_sum3A_740 : i32 to vector<16xi32>
      %reduce_sum3A_742 = arith.constant true
      %reduce_sum3A_743 = vector.broadcast %reduce_sum3A_742 : i1 to vector<16xi1>
      %reduce_sum3A_744 = tpu.scan <sum>, %parallel_loop3A_732#2 masked %reduce_sum3A_743 : vector<16xi32>, vector<16xi1> -> vector<16xi32>
      %reduce_sum3A_745 = vector.extract %reduce_sum3A_744[15] : i32 from vector<16xi32>
      %broadcast_in_dim3A_746 = vector.broadcast %reduce_sum3A_745 : i32 to vector<16xi32>
      %convert_element_type3A = arith.sitofp %broadcast_in_dim3A_736 : vector<16xi32> to vector<16xf32>
      %mul3A_747 = arith.mulf %convert_element_type3A, %get3A_715 : vector<16xf32>
      %convert_element_type3A_748 = arith.fptosi %mul3A_747 : vector<16xf32> to vector<16xi32>
      %convert_element_type3A_749 = arith.sitofp %convert_element_type3A_748 : vector<16xi32> to vector<16xf32>
      %sub3A_750 = arith.subf %mul3A_747, %convert_element_type3A_749 : vector<16xf32>
      %gt3A = arith.constant 5.000000e-01 : f32
      %gt3A_751 = vector.broadcast %gt3A : f32 to vector<16xf32>
      %gt3A_752 = arith.cmpf ogt, %sub3A_750, %gt3A_751 : vector<16xf32>
      %eq3A = arith.constant 5.000000e-01 : f32
      %eq3A_753 = vector.broadcast %eq3A : f32 to vector<16xf32>
      %eq3A_754 = arith.cmpf oeq, %sub3A_750, %eq3A_753 : vector<16xf32>
      %and3A = arith.constant 1 : i32
      %and3A_755 = vector.broadcast %and3A : i32 to vector<16xi32>
      %and3A_756 = arith.andi %convert_element_type3A_748, %and3A_755 : vector<16xi32>
      %broadcast_in_dim3A_757 = vector.broadcast %scan3A_5 : i32 to vector<16xi32>
      %select_n3A = arith.select %eq3A_754, %and3A_756, %broadcast_in_dim3A_757 : vector<16xi1>, vector<16xi32>
      %broadcast_in_dim3A_758 = vector.broadcast %scan3A_4 : i32 to vector<16xi32>
      %select_n3A_759 = arith.select %gt3A_752, %broadcast_in_dim3A_758, %select_n3A : vector<16xi1>, vector<16xi32>
      %add3A_760 = arith.addi %convert_element_type3A_748, %select_n3A_759 : vector<16xi32>
      %broadcast_in_dim3A_761 = arith.constant 1065353216 : i32
      %broadcast_in_dim3A_762 = vector.broadcast %broadcast_in_dim3A_761 : i32 to vector<16xi32>
      %broadcast_in_dim3A_763 = arith.constant 32768 : i32
      %broadcast_in_dim3A_764 = vector.broadcast %broadcast_in_dim3A_763 : i32 to vector<16xi32>
      %ge3A = arith.cmpi sge, %broadcast_in_dim3A_741, %add3A_760 : vector<16xi32>
      %ge3A_765 = arith.cmpi sge, %broadcast_in_dim3A_746, %add3A_760 : vector<16xi32>
      %select_n3A_766 = arith.select %ge3A_765, %bitcast3A_729, %bitcast3A : vector<16xi1>, vector<16xi32>
      %select_n3A_767 = arith.select %ge3A, %select_n3A_766, %broadcast_in_dim3A_0 : vector<16xi1>, vector<16xi32>
      %select_n3A_768 = arith.select %ge3A_765, %broadcast_in_dim3A_762, %bitcast3A_729 : vector<16xi1>, vector<16xi32>
      %select_n3A_769 = arith.select %ge3A, %select_n3A_768, %bitcast3A : vector<16xi1>, vector<16xi32>
      %select_n3A_770 = arith.select %ge3A_765, %broadcast_in_dim3A_0, %broadcast_in_dim3A_746 : vector<16xi1>, vector<16xi32>
      %select_n3A_771 = arith.select %ge3A, %select_n3A_770, %broadcast_in_dim3A_741 : vector<16xi1>, vector<16xi32>
      %select_n3A_772 = arith.select %ge3A_765, %broadcast_in_dim3A_746, %broadcast_in_dim3A_741 : vector<16xi1>, vector<16xi32>
      %select_n3A_773 = arith.select %ge3A, %select_n3A_772, %broadcast_in_dim3A_764 : vector<16xi1>, vector<16xi32>
      %parallel_loop3A_774 = arith.constant 0 : i32
      %parallel_loop3A_775 = arith.constant 2048 : i32
      %parallel_loop3A_776 = arith.constant 1 : i32
      %parallel_loop3A_777 = scf.for %parallel_loop3A_1152 = %parallel_loop3A_774 to %parallel_loop3A_775 step %parallel_loop3A_776 iter_args(%parallel_loop3A_1153 = %broadcast_in_dim3A_0) -> (vector<16xi32>)  : i32 {
        %parallel_loop3A_1154 = arith.constant 16 : i32
        %parallel_loop3A_1155 = arith.muli %parallel_loop3A_1152, %parallel_loop3A_1154 : i32
        %parallel_loop3A_1156 = arith.index_cast %parallel_loop3A_1155 : i32 to index
        %parallel_loop3A_1157 = tpu.vector_load %arg6[%parallel_loop3A_1156] {strides = array<i32>} : memref<32768xf32, #tpu.memory_space<vmem>>, vector<16xf32>,
        %parallel_loop3A_1158 = vector.bitcast %parallel_loop3A_1157 : vector<16xf32> to vector<16xi32>
        %parallel_loop3A_1159 = arith.cmpi sge, %parallel_loop3A_1158, %select_n3A_767 : vector<16xi32>
        %parallel_loop3A_1160 = arith.cmpi slt, %parallel_loop3A_1158, %select_n3A_769 : vector<16xi32>
        %parallel_loop3A_1161 = arith.andi %parallel_loop3A_1159, %parallel_loop3A_1160 : vector<16xi1>
        %parallel_loop3A_1162 = arith.constant 4 : i32
        %parallel_loop3A_1163 = vector.broadcast %parallel_loop3A_1162 : i32 to vector<16xi32>
        %parallel_loop3A_1164 = arith.shli %parallel_loop3A_1153, %parallel_loop3A_1163 : vector<16xi32>
        %parallel_loop3A_1165 = arith.addi %parallel_loop3A_1164, %iota3A : vector<16xi32>
        tpu.vector_store_idx %arg7[%parallel_loop3A_1165], %parallel_loop3A_1157 masked %parallel_loop3A_1161 : memref<32768xf32, #tpu.memory_space<vmem>>[vector<16xi32>], vector<16xf32>, vector<16xi1>
        %parallel_loop3A_1166 = vector.broadcast %scan3A_4 : i32 to vector<16xi32>
        %parallel_loop3A_1167 = vector.broadcast %scan3A_5 : i32 to vector<16xi32>
        %parallel_loop3A_1168 = arith.select %parallel_loop3A_1161, %parallel_loop3A_1166, %parallel_loop3A_1167 : vector<16xi1>, vector<16xi32>
        %parallel_loop3A_1169 = arith.addi %parallel_loop3A_1153, %parallel_loop3A_1168 : vector<16xi32>
        scf.yield %parallel_loop3A_1169 : vector<16xi32>
      } {sc.loop_unroll_factor = 8 : i64, sc.parallel_access}
      %broadcast_in_dim3A_778 = arith.constant true
      %broadcast_in_dim3A_779 = vector.broadcast %broadcast_in_dim3A_778 : i1 to vector<16xi1>
      %masked_cummax3A = arith.constant -2147483648 : i32
      %masked_cummax3A_780 = vector.broadcast %masked_cummax3A : i32 to vector<16xi32>
      %masked_cummax3A_781 = arith.xori %parallel_loop3A_777, %masked_cummax3A_780 : vector<16xi32>
      %masked_cummax3A_782 = tpu.scan <max>, %masked_cummax3A_781 masked %broadcast_in_dim3A_779 : vector<16xi32>, vector<16xi1> -> vector<16xi32>
      %masked_cummax3A_783 = arith.xori %masked_cummax3A_782, %masked_cummax3A_780 : vector<16xi32>
      %slice3A = vector.extract_strided_slice %masked_cummax3A_783 {offsets = [15], sizes = [1], strides = [1]} : vector<16xi32> to vector<1xi32>
      %squeeze3A = vector.extract %slice3A[0] : i32 from vector<1xi32>
      %add3A_784 = arith.constant 7 : i32
      %add3A_785 = arith.addi %squeeze3A, %add3A_784 : i32
      %shift_right_arithmetic3A = arith.constant 3 : i32
      %shift_right_arithmetic3A_786 = arith.shrsi %add3A_785, %shift_right_arithmetic3A : i32
      %while3A:4 = scf.while (%while3A_1152 = %select_n3A_767, %while3A_1153 = %select_n3A_769, %while3A_1154 = %select_n3A_771, %while3A_1155 = %select_n3A_773) : (vector<16xi32>, vector<16xi32>, vector<16xi32>, vector<16xi32>) -> (vector<16xi32>, vector<16xi32>, vector<16xi32>, vector<16xi32>) {
        %slice3A_1156 = vector.extract_strided_slice %while3A_1153 {offsets = [0], sizes = [1], strides = [1]} : vector<16xi32> to vector<1xi32>
        %squeeze3A_1157 = vector.extract %slice3A_1156[0] : i32 from vector<1xi32>
        %slice3A_1158 = vector.extract_strided_slice %while3A_1152 {offsets = [0], sizes = [1], strides = [1]} : vector<16xi32> to vector<1xi32>
        %squeeze3A_1159 = vector.extract %slice3A_1158[0] : i32 from vector<1xi32>
        %sub3A_1160 = arith.subi %squeeze3A_1157, %squeeze3A_1159 : i32
        %gt3A_1161 = arith.constant 1 : i32
        %gt3A_1162 = arith.cmpi sgt, %sub3A_1160, %gt3A_1161 : i32
        scf.condition(%gt3A_1162) %while3A_1152, %while3A_1153, %while3A_1154, %while3A_1155 : vector<16xi32>, vector<16xi32>, vector<16xi32>, vector<16xi32>
      } do {
      ^bb0(%while3A_1152: vector<16xi32>, %while3A_1153: vector<16xi32>, %while3A_1154: vector<16xi32>, %while3A_1155: vector<16xi32>):
        %add3A_1156 = arith.addi %while3A_1152, %while3A_1153 : vector<16xi32>
        %shift_right_arithmetic3A_1157 = arith.constant 1 : i32
        %shift_right_arithmetic3A_1158 = vector.broadcast %shift_right_arithmetic3A_1157 : i32 to vector<16xi32>
        %shift_right_arithmetic3A_1159 = arith.shrsi %add3A_1156, %shift_right_arithmetic3A_1158 : vector<16xi32>
        %parallel_loop3A_1160 = arith.constant 0 : i32
        %parallel_loop3A_1161 = arith.constant 1 : i32
        %parallel_loop3A_1162 = scf.for %parallel_loop3A_1174 = %parallel_loop3A_1160 to %shift_right_arithmetic3A_786 step %parallel_loop3A_1161 iter_args(%parallel_loop3A_1175 = %broadcast_in_dim3A_0) -> (vector<16xi32>)  : i32 {
          %parallel_loop3A_1176 = arith.constant 8 : i32
          %parallel_loop3A_1177 = arith.muli %parallel_loop3A_1174, %parallel_loop3A_1176 : i32
          %parallel_loop3A_1178 = arith.constant 0 : i32
          %parallel_loop3A_1179 = arith.addi %parallel_loop3A_1177, %parallel_loop3A_1178 : i32
          %parallel_loop3A_1180 = arith.constant 16 : i32
          %parallel_loop3A_1181 = arith.muli %parallel_loop3A_1179, %parallel_loop3A_1180 : i32
          %parallel_loop3A_1182 = arith.index_cast %parallel_loop3A_1181 : i32 to index
          %parallel_loop3A_1183 = tpu.vector_load %arg7[%parallel_loop3A_1182] {strides = array<i32>} : memref<32768xf32, #tpu.memory_space<vmem>>, vector<16xf32>,
          %parallel_loop3A_1184 = vector.bitcast %parallel_loop3A_1183 : vector<16xf32> to vector<16xi32>
          %parallel_loop3A_1185 = arith.constant 0 : i32
          %parallel_loop3A_1186 = arith.addi %parallel_loop3A_1177, %parallel_loop3A_1185 : i32
          %parallel_loop3A_1187 = vector.broadcast %parallel_loop3A_1186 : i32 to vector<16xi32>
          %parallel_loop3A_1188 = arith.cmpi slt, %parallel_loop3A_1187, %parallel_loop3A_777 : vector<16xi32>
          %parallel_loop3A_1189 = arith.cmpi sge, %parallel_loop3A_1184, %shift_right_arithmetic3A_1159 : vector<16xi32>
          %parallel_loop3A_1190 = arith.andi %parallel_loop3A_1188, %parallel_loop3A_1189 : vector<16xi1>
          %parallel_loop3A_1191 = vector.broadcast %scan3A_4 : i32 to vector<16xi32>
          %parallel_loop3A_1192 = vector.broadcast %scan3A_5 : i32 to vector<16xi32>
          %parallel_loop3A_1193 = arith.select %parallel_loop3A_1190, %parallel_loop3A_1191, %parallel_loop3A_1192 : vector<16xi1>, vector<16xi32>
          %parallel_loop3A_1194 = arith.addi %parallel_loop3A_1175, %parallel_loop3A_1193 : vector<16xi32>
          %parallel_loop3A_1195 = arith.constant 1 : i32
          %parallel_loop3A_1196 = arith.addi %parallel_loop3A_1177, %parallel_loop3A_1195 : i32
          %parallel_loop3A_1197 = arith.constant 16 : i32
          %parallel_loop3A_1198 = arith.muli %parallel_loop3A_1196, %parallel_loop3A_1197 : i32
          %parallel_loop3A_1199 = arith.index_cast %parallel_loop3A_1198 : i32 to index
          %parallel_loop3A_1200 = tpu.vector_load %arg7[%parallel_loop3A_1199] {strides = array<i32>} : memref<32768xf32, #tpu.memory_space<vmem>>, vector<16xf32>,
          %parallel_loop3A_1201 = vector.bitcast %parallel_loop3A_1200 : vector<16xf32> to vector<16xi32>
          %parallel_loop3A_1202 = arith.constant 1 : i32
          %parallel_loop3A_1203 = arith.addi %parallel_loop3A_1177, %parallel_loop3A_1202 : i32
          %parallel_loop3A_1204 = vector.broadcast %parallel_loop3A_1203 : i32 to vector<16xi32>
          %parallel_loop3A_1205 = arith.cmpi slt, %parallel_loop3A_1204, %parallel_loop3A_777 : vector<16xi32>
          %parallel_loop3A_1206 = arith.cmpi sge, %parallel_loop3A_1201, %shift_right_arithmetic3A_1159 : vector<16xi32>
          %parallel_loop3A_1207 = arith.andi %parallel_loop3A_1205, %parallel_loop3A_1206 : vector<16xi1>
          %parallel_loop3A_1208 = vector.broadcast %scan3A_4 : i32 to vector<16xi32>
          %parallel_loop3A_1209 = vector.broadcast %scan3A_5 : i32 to vector<16xi32>
          %parallel_loop3A_1210 = arith.select %parallel_loop3A_1207, %parallel_loop3A_1208, %parallel_loop3A_1209 : vector<16xi1>, vector<16xi32>
          %parallel_loop3A_1211 = arith.addi %parallel_loop3A_1194, %parallel_loop3A_1210 : vector<16xi32>
          %parallel_loop3A_1212 = arith.constant 2 : i32
          %parallel_loop3A_1213 = arith.addi %parallel_loop3A_1177, %parallel_loop3A_1212 : i32
          %parallel_loop3A_1214 = arith.constant 16 : i32
          %parallel_loop3A_1215 = arith.muli %parallel_loop3A_1213, %parallel_loop3A_1214 : i32
          %parallel_loop3A_1216 = arith.index_cast %parallel_loop3A_1215 : i32 to index
          %parallel_loop3A_1217 = tpu.vector_load %arg7[%parallel_loop3A_1216] {strides = array<i32>} : memref<32768xf32, #tpu.memory_space<vmem>>, vector<16xf32>,
          %parallel_loop3A_1218 = vector.bitcast %parallel_loop3A_1217 : vector<16xf32> to vector<16xi32>
          %parallel_loop3A_1219 = arith.constant 2 : i32
          %parallel_loop3A_1220 = arith.addi %parallel_loop3A_1177, %parallel_loop3A_1219 : i32
          %parallel_loop3A_1221 = vector.broadcast %parallel_loop3A_1220 : i32 to vector<16xi32>
          %parallel_loop3A_1222 = arith.cmpi slt, %parallel_loop3A_1221, %parallel_loop3A_777 : vector<16xi32>
          %parallel_loop3A_1223 = arith.cmpi sge, %parallel_loop3A_1218, %shift_right_arithmetic3A_1159 : vector<16xi32>
          %parallel_loop3A_1224 = arith.andi %parallel_loop3A_1222, %parallel_loop3A_1223 : vector<16xi1>
          %parallel_loop3A_1225 = vector.broadcast %scan3A_4 : i32 to vector<16xi32>
          %parallel_loop3A_1226 = vector.broadcast %scan3A_5 : i32 to vector<16xi32>
          %parallel_loop3A_1227 = arith.select %parallel_loop3A_1224, %parallel_loop3A_1225, %parallel_loop3A_1226 : vector<16xi1>, vector<16xi32>
          %parallel_loop3A_1228 = arith.addi %parallel_loop3A_1211, %parallel_loop3A_1227 : vector<16xi32>
          %parallel_loop3A_1229 = arith.constant 3 : i32
          %parallel_loop3A_1230 = arith.addi %parallel_loop3A_1177, %parallel_loop3A_1229 : i32
          %parallel_loop3A_1231 = arith.constant 16 : i32
          %parallel_loop3A_1232 = arith.muli %parallel_loop3A_1230, %parallel_loop3A_1231 : i32
          %parallel_loop3A_1233 = arith.index_cast %parallel_loop3A_1232 : i32 to index
          %parallel_loop3A_1234 = tpu.vector_load %arg7[%parallel_loop3A_1233] {strides = array<i32>} : memref<32768xf32, #tpu.memory_space<vmem>>, vector<16xf32>,
          %parallel_loop3A_1235 = vector.bitcast %parallel_loop3A_1234 : vector<16xf32> to vector<16xi32>
          %parallel_loop3A_1236 = arith.constant 3 : i32
          %parallel_loop3A_1237 = arith.addi %parallel_loop3A_1177, %parallel_loop3A_1236 : i32
          %parallel_loop3A_1238 = vector.broadcast %parallel_loop3A_1237 : i32 to vector<16xi32>
          %parallel_loop3A_1239 = arith.cmpi slt, %parallel_loop3A_1238, %parallel_loop3A_777 : vector<16xi32>
          %parallel_loop3A_1240 = arith.cmpi sge, %parallel_loop3A_1235, %shift_right_arithmetic3A_1159 : vector<16xi32>
          %parallel_loop3A_1241 = arith.andi %parallel_loop3A_1239, %parallel_loop3A_1240 : vector<16xi1>
          %parallel_loop3A_1242 = vector.broadcast %scan3A_4 : i32 to vector<16xi32>
          %parallel_loop3A_1243 = vector.broadcast %scan3A_5 : i32 to vector<16xi32>
          %parallel_loop3A_1244 = arith.select %parallel_loop3A_1241, %parallel_loop3A_1242, %parallel_loop3A_1243 : vector<16xi1>, vector<16xi32>
          %parallel_loop3A_1245 = arith.addi %parallel_loop3A_1228, %parallel_loop3A_1244 : vector<16xi32>
          %parallel_loop3A_1246 = arith.constant 4 : i32
          %parallel_loop3A_1247 = arith.addi %parallel_loop3A_1177, %parallel_loop3A_1246 : i32
          %parallel_loop3A_1248 = arith.constant 16 : i32
          %parallel_loop3A_1249 = arith.muli %parallel_loop3A_1247, %parallel_loop3A_1248 : i32
          %parallel_loop3A_1250 = arith.index_cast %parallel_loop3A_1249 : i32 to index
          %parallel_loop3A_1251 = tpu.vector_load %arg7[%parallel_loop3A_1250] {strides = array<i32>} : memref<32768xf32, #tpu.memory_space<vmem>>, vector<16xf32>,
          %parallel_loop3A_1252 = vector.bitcast %parallel_loop3A_1251 : vector<16xf32> to vector<16xi32>
          %parallel_loop3A_1253 = arith.constant 4 : i32
          %parallel_loop3A_1254 = arith.addi %parallel_loop3A_1177, %parallel_loop3A_1253 : i32
          %parallel_loop3A_1255 = vector.broadcast %parallel_loop3A_1254 : i32 to vector<16xi32>
          %parallel_loop3A_1256 = arith.cmpi slt, %parallel_loop3A_1255, %parallel_loop3A_777 : vector<16xi32>
          %parallel_loop3A_1257 = arith.cmpi sge, %parallel_loop3A_1252, %shift_right_arithmetic3A_1159 : vector<16xi32>
          %parallel_loop3A_1258 = arith.andi %parallel_loop3A_1256, %parallel_loop3A_1257 : vector<16xi1>
          %parallel_loop3A_1259 = vector.broadcast %scan3A_4 : i32 to vector<16xi32>
          %parallel_loop3A_1260 = vector.broadcast %scan3A_5 : i32 to vector<16xi32>
          %parallel_loop3A_1261 = arith.select %parallel_loop3A_1258, %parallel_loop3A_1259, %parallel_loop3A_1260 : vector<16xi1>, vector<16xi32>
          %parallel_loop3A_1262 = arith.addi %parallel_loop3A_1245, %parallel_loop3A_1261 : vector<16xi32>
          %parallel_loop3A_1263 = arith.constant 5 : i32
          %parallel_loop3A_1264 = arith.addi %parallel_loop3A_1177, %parallel_loop3A_1263 : i32
          %parallel_loop3A_1265 = arith.constant 16 : i32
          %parallel_loop3A_1266 = arith.muli %parallel_loop3A_1264, %parallel_loop3A_1265 : i32
          %parallel_loop3A_1267 = arith.index_cast %parallel_loop3A_1266 : i32 to index
          %parallel_loop3A_1268 = tpu.vector_load %arg7[%parallel_loop3A_1267] {strides = array<i32>} : memref<32768xf32, #tpu.memory_space<vmem>>, vector<16xf32>,
          %parallel_loop3A_1269 = vector.bitcast %parallel_loop3A_1268 : vector<16xf32> to vector<16xi32>
          %parallel_loop3A_1270 = arith.constant 5 : i32
          %parallel_loop3A_1271 = arith.addi %parallel_loop3A_1177, %parallel_loop3A_1270 : i32
          %parallel_loop3A_1272 = vector.broadcast %parallel_loop3A_1271 : i32 to vector<16xi32>
          %parallel_loop3A_1273 = arith.cmpi slt, %parallel_loop3A_1272, %parallel_loop3A_777 : vector<16xi32>
          %parallel_loop3A_1274 = arith.cmpi sge, %parallel_loop3A_1269, %shift_right_arithmetic3A_1159 : vector<16xi32>
          %parallel_loop3A_1275 = arith.andi %parallel_loop3A_1273, %parallel_loop3A_1274 : vector<16xi1>
          %parallel_loop3A_1276 = vector.broadcast %scan3A_4 : i32 to vector<16xi32>
          %parallel_loop3A_1277 = vector.broadcast %scan3A_5 : i32 to vector<16xi32>
          %parallel_loop3A_1278 = arith.select %parallel_loop3A_1275, %parallel_loop3A_1276, %parallel_loop3A_1277 : vector<16xi1>, vector<16xi32>
          %parallel_loop3A_1279 = arith.addi %parallel_loop3A_1262, %parallel_loop3A_1278 : vector<16xi32>
          %parallel_loop3A_1280 = arith.constant 6 : i32
          %parallel_loop3A_1281 = arith.addi %parallel_loop3A_1177, %parallel_loop3A_1280 : i32
          %parallel_loop3A_1282 = arith.constant 16 : i32
          %parallel_loop3A_1283 = arith.muli %parallel_loop3A_1281, %parallel_loop3A_1282 : i32
          %parallel_loop3A_1284 = arith.index_cast %parallel_loop3A_1283 : i32 to index
          %parallel_loop3A_1285 = tpu.vector_load %arg7[%parallel_loop3A_1284] {strides = array<i32>} : memref<32768xf32, #tpu.memory_space<vmem>>, vector<16xf32>,
          %parallel_loop3A_1286 = vector.bitcast %parallel_loop3A_1285 : vector<16xf32> to vector<16xi32>
          %parallel_loop3A_1287 = arith.constant 6 : i32
          %parallel_loop3A_1288 = arith.addi %parallel_loop3A_1177, %parallel_loop3A_1287 : i32
          %parallel_loop3A_1289 = vector.broadcast %parallel_loop3A_1288 : i32 to vector<16xi32>
          %parallel_loop3A_1290 = arith.cmpi slt, %parallel_loop3A_1289, %parallel_loop3A_777 : vector<16xi32>
          %parallel_loop3A_1291 = arith.cmpi sge, %parallel_loop3A_1286, %shift_right_arithmetic3A_1159 : vector<16xi32>
          %parallel_loop3A_1292 = arith.andi %parallel_loop3A_1290, %parallel_loop3A_1291 : vector<16xi1>
          %parallel_loop3A_1293 = vector.broadcast %scan3A_4 : i32 to vector<16xi32>
          %parallel_loop3A_1294 = vector.broadcast %scan3A_5 : i32 to vector<16xi32>
          %parallel_loop3A_1295 = arith.select %parallel_loop3A_1292, %parallel_loop3A_1293, %parallel_loop3A_1294 : vector<16xi1>, vector<16xi32>
          %parallel_loop3A_1296 = arith.addi %parallel_loop3A_1279, %parallel_loop3A_1295 : vector<16xi32>
          %parallel_loop3A_1297 = arith.constant 7 : i32
          %parallel_loop3A_1298 = arith.addi %parallel_loop3A_1177, %parallel_loop3A_1297 : i32
          %parallel_loop3A_1299 = arith.constant 16 : i32
          %parallel_loop3A_1300 = arith.muli %parallel_loop3A_1298, %parallel_loop3A_1299 : i32
          %parallel_loop3A_1301 = arith.index_cast %parallel_loop3A_1300 : i32 to index
          %parallel_loop3A_1302 = tpu.vector_load %arg7[%parallel_loop3A_1301] {strides = array<i32>} : memref<32768xf32, #tpu.memory_space<vmem>>, vector<16xf32>,
          %parallel_loop3A_1303 = vector.bitcast %parallel_loop3A_1302 : vector<16xf32> to vector<16xi32>
          %parallel_loop3A_1304 = arith.constant 7 : i32
          %parallel_loop3A_1305 = arith.addi %parallel_loop3A_1177, %parallel_loop3A_1304 : i32
          %parallel_loop3A_1306 = vector.broadcast %parallel_loop3A_1305 : i32 to vector<16xi32>
          %parallel_loop3A_1307 = arith.cmpi slt, %parallel_loop3A_1306, %parallel_loop3A_777 : vector<16xi32>
          %parallel_loop3A_1308 = arith.cmpi sge, %parallel_loop3A_1303, %shift_right_arithmetic3A_1159 : vector<16xi32>
          %parallel_loop3A_1309 = arith.andi %parallel_loop3A_1307, %parallel_loop3A_1308 : vector<16xi1>
          %parallel_loop3A_1310 = vector.broadcast %scan3A_4 : i32 to vector<16xi32>
          %parallel_loop3A_1311 = vector.broadcast %scan3A_5 : i32 to vector<16xi32>
          %parallel_loop3A_1312 = arith.select %parallel_loop3A_1309, %parallel_loop3A_1310, %parallel_loop3A_1311 : vector<16xi1>, vector<16xi32>
          %parallel_loop3A_1313 = arith.addi %parallel_loop3A_1296, %parallel_loop3A_1312 : vector<16xi32>
          scf.yield %parallel_loop3A_1313 : vector<16xi32>
        } {sc.loop_unroll_factor = 2 : i64, sc.parallel_access}
        %reduce_sum3A_1163 = arith.constant true
        %reduce_sum3A_1164 = vector.broadcast %reduce_sum3A_1163 : i1 to vector<16xi1>
        %reduce_sum3A_1165 = tpu.scan <sum>, %parallel_loop3A_1162 masked %reduce_sum3A_1164 : vector<16xi32>, vector<16xi1> -> vector<16xi32>
        %reduce_sum3A_1166 = vector.extract %reduce_sum3A_1165[15] : i32 from vector<16xi32>
        %broadcast_in_dim3A_1167 = vector.broadcast %reduce_sum3A_1166 : i32 to vector<16xi32>
        %add3A_1168 = arith.addi %select_n3A_771, %broadcast_in_dim3A_1167 : vector<16xi32>
        %ge3A_1169 = arith.cmpi sge, %add3A_1168, %add3A_760 : vector<16xi32>
        %select_n3A_1170 = arith.select %ge3A_1169, %shift_right_arithmetic3A_1159, %while3A_1152 : vector<16xi1>, vector<16xi32>
        %select_n3A_1171 = arith.select %ge3A_1169, %while3A_1153, %shift_right_arithmetic3A_1159 : vector<16xi1>, vector<16xi32>
        %select_n3A_1172 = arith.select %ge3A_1169, %while3A_1154, %add3A_1168 : vector<16xi1>, vector<16xi32>
        %select_n3A_1173 = arith.select %ge3A_1169, %add3A_1168, %while3A_1155 : vector<16xi1>, vector<16xi32>
        scf.yield %select_n3A_1170, %select_n3A_1171, %select_n3A_1172, %select_n3A_1173 : vector<16xi32>, vector<16xi32>, vector<16xi32>, vector<16xi32>
      }
      %sub3A_787 = arith.subi %add3A_760, %while3A#2 : vector<16xi32>
      %sub3A_788 = arith.subi %while3A#3, %while3A#2 : vector<16xi32>
      %eq3A_789 = arith.constant 0 : i32
      %eq3A_790 = vector.broadcast %eq3A_789 : i32 to vector<16xi32>
      %eq3A_791 = arith.cmpi eq, %sub3A_787, %eq3A_790 : vector<16xi32>
      %eq3A_792 = arith.cmpi eq, %sub3A_787, %sub3A_788 : vector<16xi32>
      %or3A = arith.ori %eq3A_791, %eq3A_792 : vector<16xi1>
      %convert_element_type3A_793 = arith.extui %or3A : vector<16xi1> to vector<16xi32>
      %slice3A_794 = vector.extract_strided_slice %convert_element_type3A_793 {offsets = [0], sizes = [1], strides = [1]} : vector<16xi32> to vector<1xi32>
      %squeeze3A_795 = vector.extract %slice3A_794[0] : i32 from vector<1xi32>
      %eq3A_796 = arith.constant 1 : i32
      %eq3A_797 = arith.cmpi eq, %squeeze3A_795, %eq3A_796 : i32
      %convert_element_type3A_798 = arith.extui %eq3A_797 : i1 to i32
      %cond3A = arith.constant 0 : i32
      %cond3A_799 = arith.cmpi ne, %convert_element_type3A_798, %cond3A : i32
      scf.if %cond3A_799 {
        %eq3A_1152 = arith.cmpi eq, %sub3A_787, %sub3A_788 : vector<16xi32>
        %parallel_loop3A_1153 = arith.constant 0 : i32
        %parallel_loop3A_1154 = arith.constant 2048 : i32
        %parallel_loop3A_1155 = arith.constant 1 : i32
        %parallel_loop3A_1156 = scf.for %parallel_loop3A_1157 = %parallel_loop3A_1153 to %parallel_loop3A_1154 step %parallel_loop3A_1155 iter_args(%parallel_loop3A_1158 = %scan3A_5) -> (i32)  : i32 {
          %parallel_loop3A_1159 = arith.constant 16 : i32
          %parallel_loop3A_1160 = arith.muli %parallel_loop3A_1157, %parallel_loop3A_1159 : i32
          %parallel_loop3A_1161 = arith.index_cast %parallel_loop3A_1160 : i32 to index
          %parallel_loop3A_1162 = tpu.vector_load %arg6[%parallel_loop3A_1161] {strides = array<i32>} : memref<32768xf32, #tpu.memory_space<vmem>>, vector<16xf32>,
          %parallel_loop3A_1163 = vector.bitcast %parallel_loop3A_1162 : vector<16xf32> to vector<16xi32>
          %parallel_loop3A_1164 = arith.cmpi eq, %parallel_loop3A_1163, %while3A#0 : vector<16xi32>
          %parallel_loop3A_1165 = arith.andi %parallel_loop3A_1164, %eq3A_1152 : vector<16xi1>
          %parallel_loop3A_1166 = arith.constant 0.000000e+00 : f32
          %parallel_loop3A_1167 = vector.broadcast %parallel_loop3A_1166 : f32 to vector<16xf32>
          %parallel_loop3A_1168 = arith.cmpf ogt, %parallel_loop3A_1162, %parallel_loop3A_1167 : vector<16xf32>
          %parallel_loop3A_1169 = arith.cmpi sgt, %parallel_loop3A_1163, %while3A#0 : vector<16xi32>
          %parallel_loop3A_1170 = arith.ori %parallel_loop3A_1169, %parallel_loop3A_1165 : vector<16xi1>
          %parallel_loop3A_1171 = arith.constant dense<true> : vector<16xi1>
          %parallel_loop3A_1172 = arith.xori %parallel_loop3A_1170, %parallel_loop3A_1171 : vector<16xi1>
          %parallel_loop3A_1173 = arith.andi %parallel_loop3A_1168, %parallel_loop3A_1172 : vector<16xi1>
          %parallel_loop3A_1174 = arith.constant 1.000000e+00 : f32
          %parallel_loop3A_1175 = arith.constant 0.000000e+00 : f32
          %parallel_loop3A_1176 = vector.broadcast %parallel_loop3A_1174 : f32 to vector<16xf32>
          %parallel_loop3A_1177 = vector.broadcast %parallel_loop3A_1175 : f32 to vector<16xf32>
          %parallel_loop3A_1178 = arith.select %parallel_loop3A_1173, %parallel_loop3A_1176, %parallel_loop3A_1177 : vector<16xi1>, vector<16xf32>
          %parallel_loop3A_1179 = arith.constant 16 : i32
          %parallel_loop3A_1180 = arith.muli %parallel_loop3A_1157, %parallel_loop3A_1179 : i32
          %parallel_loop3A_1181 = arith.index_cast %parallel_loop3A_1180 : i32 to index
          %parallel_loop3A_1182 = tpu.vector_load %arg7[%parallel_loop3A_1181] {strides = array<i32>} : memref<32768xf32, #tpu.memory_space<vmem>>, vector<16xf32>,
          tpu.vector_store %arg7[%parallel_loop3A_1181], %parallel_loop3A_1178 {strides = array<i32>} : memref<32768xf32, #tpu.memory_space<vmem>>, vector<16xf32>,
          scf.yield %parallel_loop3A_1158 : i32
        } {sc.loop_unroll_factor = 8 : i64, sc.parallel_access}
      } else {
        %parallel_loop3A_1152 = arith.constant 0 : i32
        %parallel_loop3A_1153 = arith.constant 2048 : i32
        %parallel_loop3A_1154 = arith.constant 1 : i32
        %parallel_loop3A_1155 = scf.for %parallel_loop3A_1156 = %parallel_loop3A_1152 to %parallel_loop3A_1153 step %parallel_loop3A_1154 iter_args(%parallel_loop3A_1157 = %broadcast_in_dim3A_0) -> (vector<16xi32>)  : i32 {
          %parallel_loop3A_1158 = arith.constant 16 : i32
          %parallel_loop3A_1159 = arith.muli %parallel_loop3A_1156, %parallel_loop3A_1158 : i32
          %parallel_loop3A_1160 = arith.index_cast %parallel_loop3A_1159 : i32 to index
          %parallel_loop3A_1161 = tpu.vector_load %arg6[%parallel_loop3A_1160] {strides = array<i32>} : memref<32768xf32, #tpu.memory_space<vmem>>, vector<16xf32>,
          %parallel_loop3A_1162 = vector.bitcast %parallel_loop3A_1161 : vector<16xf32> to vector<16xi32>
          %parallel_loop3A_1163 = arith.cmpi eq, %parallel_loop3A_1162, %while3A#0 : vector<16xi32>
          %parallel_loop3A_1164 = arith.extui %parallel_loop3A_1163 : vector<16xi1> to vector<16xi32>
          %parallel_loop3A_1165 = arith.constant true
          %parallel_loop3A_1166 = vector.broadcast %parallel_loop3A_1165 : i1 to vector<16xi1>
          %parallel_loop3A_1167 = tpu.scan <sum>, %parallel_loop3A_1164 masked %parallel_loop3A_1166 : vector<16xi32>, vector<16xi1> -> vector<16xi32>
          %parallel_loop3A_1168 = arith.addi %parallel_loop3A_1167, %parallel_loop3A_1157 : vector<16xi32>
          %parallel_loop3A_1169 = arith.cmpi sle, %parallel_loop3A_1168, %sub3A_787 : vector<16xi32>
          %parallel_loop3A_1170 = arith.andi %parallel_loop3A_1163, %parallel_loop3A_1169 : vector<16xi1>
          %parallel_loop3A_1171 = arith.constant 0.000000e+00 : f32
          %parallel_loop3A_1172 = vector.broadcast %parallel_loop3A_1171 : f32 to vector<16xf32>
          %parallel_loop3A_1173 = arith.cmpf ogt, %parallel_loop3A_1161, %parallel_loop3A_1172 : vector<16xf32>
          %parallel_loop3A_1174 = arith.cmpi sgt, %parallel_loop3A_1162, %while3A#0 : vector<16xi32>
          %parallel_loop3A_1175 = arith.ori %parallel_loop3A_1174, %parallel_loop3A_1170 : vector<16xi1>
          %parallel_loop3A_1176 = arith.constant dense<true> : vector<16xi1>
          %parallel_loop3A_1177 = arith.xori %parallel_loop3A_1175, %parallel_loop3A_1176 : vector<16xi1>
          %parallel_loop3A_1178 = arith.andi %parallel_loop3A_1173, %parallel_loop3A_1177 : vector<16xi1>
          %parallel_loop3A_1179 = arith.constant 1.000000e+00 : f32
          %parallel_loop3A_1180 = arith.constant 0.000000e+00 : f32
          %parallel_loop3A_1181 = vector.broadcast %parallel_loop3A_1179 : f32 to vector<16xf32>
          %parallel_loop3A_1182 = vector.broadcast %parallel_loop3A_1180 : f32 to vector<16xf32>
          %parallel_loop3A_1183 = arith.select %parallel_loop3A_1178, %parallel_loop3A_1181, %parallel_loop3A_1182 : vector<16xi1>, vector<16xf32>
          %parallel_loop3A_1184 = arith.constant 16 : i32
          %parallel_loop3A_1185 = arith.muli %parallel_loop3A_1156, %parallel_loop3A_1184 : i32
          %parallel_loop3A_1186 = arith.index_cast %parallel_loop3A_1185 : i32 to index
          %parallel_loop3A_1187 = tpu.vector_load %arg7[%parallel_loop3A_1186] {strides = array<i32>} : memref<32768xf32, #tpu.memory_space<vmem>>, vector<16xf32>,
          tpu.vector_store %arg7[%parallel_loop3A_1186], %parallel_loop3A_1183 {strides = array<i32>} : memref<32768xf32, #tpu.memory_space<vmem>>, vector<16xf32>,
          %parallel_loop3A_1188 = tpu.all_reduce %parallel_loop3A_1163 {dim = 0 : i64, kind = #tpu.reduction_kind<sum>} : vector<16xi1> -> vector<16xi32>
          %parallel_loop3A_1189 = arith.addi %parallel_loop3A_1157, %parallel_loop3A_1188 : vector<16xi32>
          scf.yield %parallel_loop3A_1189 : vector<16xi32>
        } {sc.loop_unroll_factor = 8 : i64, sc.parallel_access}
      }
      %dma_start3A_800 = arith.constant 0 : i32
      %dma_start3A_801 = arith.constant 0 : i32
      %dma_start3A_802 = tpu.memref_slice %arg7[%dma_start3A_801] : memref<32768xf32, #tpu.memory_space<vmem>> -> memref<2048xf32, #tpu.memory_space<vmem>>
      %dma_start3A_803 = arith.constant 0 : i32
      %dma_start3A_804 = tpu.memref_slice %arg5[%add3A_12, %dma_start3A_800, %dma_start3A_803] : memref<128x16x2048xf32, #tpu.memory_space<hbm>> -> memref<1x1x2048xf32, #tpu.memory_space<hbm>>
      %dma_start3A_805 = tpu.memref_squeeze %dma_start3A_804 : memref<1x1x2048xf32, #tpu.memory_space<hbm>> -> memref<2048xf32, #tpu.memory_space<hbm>>
      %dma_start3A_806 = arith.constant 0 : i32
      %dma_start3A_807 = tpu.memref_slice %arg5[%add3A_12, %dma_start3A_800, %dma_start3A_806] : memref<128x16x2048xf32, #tpu.memory_space<hbm>> -> memref<1x1x2048xf32, #tpu.memory_space<hbm>>
      %dma_start3A_808 = tpu.memref_squeeze %dma_start3A_807 : memref<1x1x2048xf32, #tpu.memory_space<hbm>> -> memref<2048xf32, #tpu.memory_space<hbm>>
      %dma_start3A_809 = arith.constant 0 : i32
      %dma_start3A_810 = tpu.memref_slice %arg7[%dma_start3A_809] : memref<32768xf32, #tpu.memory_space<vmem>> -> memref<2048xf32, #tpu.memory_space<vmem>>
      tpu.enqueue_dma source(%dma_start3A_810 : memref<2048xf32, #tpu.memory_space<vmem>>) target(%dma_start3A_808 : memref<2048xf32, #tpu.memory_space<hbm>>) target_semaphore(%arg10 : memref<!tpu.dma_semaphore, #tpu.memory_space<semaphore_mem>>)
      %dma_start3A_811 = arith.constant 1 : i32
      %dma_start3A_812 = arith.constant 2048 : i32
      %dma_start3A_813 = tpu.memref_slice %arg7[%dma_start3A_812] : memref<32768xf32, #tpu.memory_space<vmem>> -> memref<2048xf32, #tpu.memory_space<vmem>>
      %dma_start3A_814 = arith.constant 0 : i32
      %dma_start3A_815 = tpu.memref_slice %arg5[%add3A_12, %dma_start3A_811, %dma_start3A_814] : memref<128x16x2048xf32, #tpu.memory_space<hbm>> -> memref<1x1x2048xf32, #tpu.memory_space<hbm>>
      %dma_start3A_816 = tpu.memref_squeeze %dma_start3A_815 : memref<1x1x2048xf32, #tpu.memory_space<hbm>> -> memref<2048xf32, #tpu.memory_space<hbm>>
      %dma_start3A_817 = arith.constant 0 : i32
      %dma_start3A_818 = tpu.memref_slice %arg5[%add3A_12, %dma_start3A_811, %dma_start3A_817] : memref<128x16x2048xf32, #tpu.memory_space<hbm>> -> memref<1x1x2048xf32, #tpu.memory_space<hbm>>
      %dma_start3A_819 = tpu.memref_squeeze %dma_start3A_818 : memref<1x1x2048xf32, #tpu.memory_space<hbm>> -> memref<2048xf32, #tpu.memory_space<hbm>>
      %dma_start3A_820 = arith.constant 2048 : i32
      %dma_start3A_821 = tpu.memref_slice %arg7[%dma_start3A_820] : memref<32768xf32, #tpu.memory_space<vmem>> -> memref<2048xf32, #tpu.memory_space<vmem>>
      tpu.enqueue_dma source(%dma_start3A_821 : memref<2048xf32, #tpu.memory_space<vmem>>) target(%dma_start3A_819 : memref<2048xf32, #tpu.memory_space<hbm>>) target_semaphore(%arg10 : memref<!tpu.dma_semaphore, #tpu.memory_space<semaphore_mem>>)
      %dma_start3A_822 = arith.constant 2 : i32
      %dma_start3A_823 = arith.constant 4096 : i32
      %dma_start3A_824 = tpu.memref_slice %arg7[%dma_start3A_823] : memref<32768xf32, #tpu.memory_space<vmem>> -> memref<2048xf32, #tpu.memory_space<vmem>>
      %dma_start3A_825 = arith.constant 0 : i32
      %dma_start3A_826 = tpu.memref_slice %arg5[%add3A_12, %dma_start3A_822, %dma_start3A_825] : memref<128x16x2048xf32, #tpu.memory_space<hbm>> -> memref<1x1x2048xf32, #tpu.memory_space<hbm>>
      %dma_start3A_827 = tpu.memref_squeeze %dma_start3A_826 : memref<1x1x2048xf32, #tpu.memory_space<hbm>> -> memref<2048xf32, #tpu.memory_space<hbm>>
      %dma_start3A_828 = arith.constant 0 : i32
      %dma_start3A_829 = tpu.memref_slice %arg5[%add3A_12, %dma_start3A_822, %dma_start3A_828] : memref<128x16x2048xf32, #tpu.memory_space<hbm>> -> memref<1x1x2048xf32, #tpu.memory_space<hbm>>
      %dma_start3A_830 = tpu.memref_squeeze %dma_start3A_829 : memref<1x1x2048xf32, #tpu.memory_space<hbm>> -> memref<2048xf32, #tpu.memory_space<hbm>>
      %dma_start3A_831 = arith.constant 4096 : i32
      %dma_start3A_832 = tpu.memref_slice %arg7[%dma_start3A_831] : memref<32768xf32, #tpu.memory_space<vmem>> -> memref<2048xf32, #tpu.memory_space<vmem>>
      tpu.enqueue_dma source(%dma_start3A_832 : memref<2048xf32, #tpu.memory_space<vmem>>) target(%dma_start3A_830 : memref<2048xf32, #tpu.memory_space<hbm>>) target_semaphore(%arg10 : memref<!tpu.dma_semaphore, #tpu.memory_space<semaphore_mem>>)
      %dma_start3A_833 = arith.constant 3 : i32
      %dma_start3A_834 = arith.constant 6144 : i32
      %dma_start3A_835 = tpu.memref_slice %arg7[%dma_start3A_834] : memref<32768xf32, #tpu.memory_space<vmem>> -> memref<2048xf32, #tpu.memory_space<vmem>>
      %dma_start3A_836 = arith.constant 0 : i32
      %dma_start3A_837 = tpu.memref_slice %arg5[%add3A_12, %dma_start3A_833, %dma_start3A_836] : memref<128x16x2048xf32, #tpu.memory_space<hbm>> -> memref<1x1x2048xf32, #tpu.memory_space<hbm>>
      %dma_start3A_838 = tpu.memref_squeeze %dma_start3A_837 : memref<1x1x2048xf32, #tpu.memory_space<hbm>> -> memref<2048xf32, #tpu.memory_space<hbm>>
      %dma_start3A_839 = arith.constant 0 : i32
      %dma_start3A_840 = tpu.memref_slice %arg5[%add3A_12, %dma_start3A_833, %dma_start3A_839] : memref<128x16x2048xf32, #tpu.memory_space<hbm>> -> memref<1x1x2048xf32, #tpu.memory_space<hbm>>
      %dma_start3A_841 = tpu.memref_squeeze %dma_start3A_840 : memref<1x1x2048xf32, #tpu.memory_space<hbm>> -> memref<2048xf32, #tpu.memory_space<hbm>>
      %dma_start3A_842 = arith.constant 6144 : i32
      %dma_start3A_843 = tpu.memref_slice %arg7[%dma_start3A_842] : memref<32768xf32, #tpu.memory_space<vmem>> -> memref<2048xf32, #tpu.memory_space<vmem>>
      tpu.enqueue_dma source(%dma_start3A_843 : memref<2048xf32, #tpu.memory_space<vmem>>) target(%dma_start3A_841 : memref<2048xf32, #tpu.memory_space<hbm>>) target_semaphore(%arg10 : memref<!tpu.dma_semaphore, #tpu.memory_space<semaphore_mem>>)
      %dma_start3A_844 = arith.constant 4 : i32
      %dma_start3A_845 = arith.constant 8192 : i32
      %dma_start3A_846 = tpu.memref_slice %arg7[%dma_start3A_845] : memref<32768xf32, #tpu.memory_space<vmem>> -> memref<2048xf32, #tpu.memory_space<vmem>>
      %dma_start3A_847 = arith.constant 0 : i32
      %dma_start3A_848 = tpu.memref_slice %arg5[%add3A_12, %dma_start3A_844, %dma_start3A_847] : memref<128x16x2048xf32, #tpu.memory_space<hbm>> -> memref<1x1x2048xf32, #tpu.memory_space<hbm>>
      %dma_start3A_849 = tpu.memref_squeeze %dma_start3A_848 : memref<1x1x2048xf32, #tpu.memory_space<hbm>> -> memref<2048xf32, #tpu.memory_space<hbm>>
      %dma_start3A_850 = arith.constant 0 : i32
      %dma_start3A_851 = tpu.memref_slice %arg5[%add3A_12, %dma_start3A_844, %dma_start3A_850] : memref<128x16x2048xf32, #tpu.memory_space<hbm>> -> memref<1x1x2048xf32, #tpu.memory_space<hbm>>
      %dma_start3A_852 = tpu.memref_squeeze %dma_start3A_851 : memref<1x1x2048xf32, #tpu.memory_space<hbm>> -> memref<2048xf32, #tpu.memory_space<hbm>>
      %dma_start3A_853 = arith.constant 8192 : i32
      %dma_start3A_854 = tpu.memref_slice %arg7[%dma_start3A_853] : memref<32768xf32, #tpu.memory_space<vmem>> -> memref<2048xf32, #tpu.memory_space<vmem>>
      tpu.enqueue_dma source(%dma_start3A_854 : memref<2048xf32, #tpu.memory_space<vmem>>) target(%dma_start3A_852 : memref<2048xf32, #tpu.memory_space<hbm>>) target_semaphore(%arg10 : memref<!tpu.dma_semaphore, #tpu.memory_space<semaphore_mem>>)
      %dma_start3A_855 = arith.constant 5 : i32
      %dma_start3A_856 = arith.constant 10240 : i32
      %dma_start3A_857 = tpu.memref_slice %arg7[%dma_start3A_856] : memref<32768xf32, #tpu.memory_space<vmem>> -> memref<2048xf32, #tpu.memory_space<vmem>>
      %dma_start3A_858 = arith.constant 0 : i32
      %dma_start3A_859 = tpu.memref_slice %arg5[%add3A_12, %dma_start3A_855, %dma_start3A_858] : memref<128x16x2048xf32, #tpu.memory_space<hbm>> -> memref<1x1x2048xf32, #tpu.memory_space<hbm>>
      %dma_start3A_860 = tpu.memref_squeeze %dma_start3A_859 : memref<1x1x2048xf32, #tpu.memory_space<hbm>> -> memref<2048xf32, #tpu.memory_space<hbm>>
      %dma_start3A_861 = arith.constant 0 : i32
      %dma_start3A_862 = tpu.memref_slice %arg5[%add3A_12, %dma_start3A_855, %dma_start3A_861] : memref<128x16x2048xf32, #tpu.memory_space<hbm>> -> memref<1x1x2048xf32, #tpu.memory_space<hbm>>
      %dma_start3A_863 = tpu.memref_squeeze %dma_start3A_862 : memref<1x1x2048xf32, #tpu.memory_space<hbm>> -> memref<2048xf32, #tpu.memory_space<hbm>>
      %dma_start3A_864 = arith.constant 10240 : i32
      %dma_start3A_865 = tpu.memref_slice %arg7[%dma_start3A_864] : memref<32768xf32, #tpu.memory_space<vmem>> -> memref<2048xf32, #tpu.memory_space<vmem>>
      tpu.enqueue_dma source(%dma_start3A_865 : memref<2048xf32, #tpu.memory_space<vmem>>) target(%dma_start3A_863 : memref<2048xf32, #tpu.memory_space<hbm>>) target_semaphore(%arg10 : memref<!tpu.dma_semaphore, #tpu.memory_space<semaphore_mem>>)
      %dma_start3A_866 = arith.constant 6 : i32
      %dma_start3A_867 = arith.constant 12288 : i32
      %dma_start3A_868 = tpu.memref_slice %arg7[%dma_start3A_867] : memref<32768xf32, #tpu.memory_space<vmem>> -> memref<2048xf32, #tpu.memory_space<vmem>>
      %dma_start3A_869 = arith.constant 0 : i32
      %dma_start3A_870 = tpu.memref_slice %arg5[%add3A_12, %dma_start3A_866, %dma_start3A_869] : memref<128x16x2048xf32, #tpu.memory_space<hbm>> -> memref<1x1x2048xf32, #tpu.memory_space<hbm>>
      %dma_start3A_871 = tpu.memref_squeeze %dma_start3A_870 : memref<1x1x2048xf32, #tpu.memory_space<hbm>> -> memref<2048xf32, #tpu.memory_space<hbm>>
      %dma_start3A_872 = arith.constant 0 : i32
      %dma_start3A_873 = tpu.memref_slice %arg5[%add3A_12, %dma_start3A_866, %dma_start3A_872] : memref<128x16x2048xf32, #tpu.memory_space<hbm>> -> memref<1x1x2048xf32, #tpu.memory_space<hbm>>
      %dma_start3A_874 = tpu.memref_squeeze %dma_start3A_873 : memref<1x1x2048xf32, #tpu.memory_space<hbm>> -> memref<2048xf32, #tpu.memory_space<hbm>>
      %dma_start3A_875 = arith.constant 12288 : i32
      %dma_start3A_876 = tpu.memref_slice %arg7[%dma_start3A_875] : memref<32768xf32, #tpu.memory_space<vmem>> -> memref<2048xf32, #tpu.memory_space<vmem>>
      tpu.enqueue_dma source(%dma_start3A_876 : memref<2048xf32, #tpu.memory_space<vmem>>) target(%dma_start3A_874 : memref<2048xf32, #tpu.memory_space<hbm>>) target_semaphore(%arg10 : memref<!tpu.dma_semaphore, #tpu.memory_space<semaphore_mem>>)
      %dma_start3A_877 = arith.constant 7 : i32
      %dma_start3A_878 = arith.constant 14336 : i32
      %dma_start3A_879 = tpu.memref_slice %arg7[%dma_start3A_878] : memref<32768xf32, #tpu.memory_space<vmem>> -> memref<2048xf32, #tpu.memory_space<vmem>>
      %dma_start3A_880 = arith.constant 0 : i32
      %dma_start3A_881 = tpu.memref_slice %arg5[%add3A_12, %dma_start3A_877, %dma_start3A_880] : memref<128x16x2048xf32, #tpu.memory_space<hbm>> -> memref<1x1x2048xf32, #tpu.memory_space<hbm>>
      %dma_start3A_882 = tpu.memref_squeeze %dma_start3A_881 : memref<1x1x2048xf32, #tpu.memory_space<hbm>> -> memref<2048xf32, #tpu.memory_space<hbm>>
      %dma_start3A_883 = arith.constant 0 : i32
      %dma_start3A_884 = tpu.memref_slice %arg5[%add3A_12, %dma_start3A_877, %dma_start3A_883] : memref<128x16x2048xf32, #tpu.memory_space<hbm>> -> memref<1x1x2048xf32, #tpu.memory_space<hbm>>
      %dma_start3A_885 = tpu.memref_squeeze %dma_start3A_884 : memref<1x1x2048xf32, #tpu.memory_space<hbm>> -> memref<2048xf32, #tpu.memory_space<hbm>>
      %dma_start3A_886 = arith.constant 14336 : i32
      %dma_start3A_887 = tpu.memref_slice %arg7[%dma_start3A_886] : memref<32768xf32, #tpu.memory_space<vmem>> -> memref<2048xf32, #tpu.memory_space<vmem>>
      tpu.enqueue_dma source(%dma_start3A_887 : memref<2048xf32, #tpu.memory_space<vmem>>) target(%dma_start3A_885 : memref<2048xf32, #tpu.memory_space<hbm>>) target_semaphore(%arg10 : memref<!tpu.dma_semaphore, #tpu.memory_space<semaphore_mem>>)
      %dma_start3A_888 = arith.constant 8 : i32
      %dma_start3A_889 = arith.constant 16384 : i32
      %dma_start3A_890 = tpu.memref_slice %arg7[%dma_start3A_889] : memref<32768xf32, #tpu.memory_space<vmem>> -> memref<2048xf32, #tpu.memory_space<vmem>>
      %dma_start3A_891 = arith.constant 0 : i32
      %dma_start3A_892 = tpu.memref_slice %arg5[%add3A_12, %dma_start3A_888, %dma_start3A_891] : memref<128x16x2048xf32, #tpu.memory_space<hbm>> -> memref<1x1x2048xf32, #tpu.memory_space<hbm>>
      %dma_start3A_893 = tpu.memref_squeeze %dma_start3A_892 : memref<1x1x2048xf32, #tpu.memory_space<hbm>> -> memref<2048xf32, #tpu.memory_space<hbm>>
      %dma_start3A_894 = arith.constant 0 : i32
      %dma_start3A_895 = tpu.memref_slice %arg5[%add3A_12, %dma_start3A_888, %dma_start3A_894] : memref<128x16x2048xf32, #tpu.memory_space<hbm>> -> memref<1x1x2048xf32, #tpu.memory_space<hbm>>
      %dma_start3A_896 = tpu.memref_squeeze %dma_start3A_895 : memref<1x1x2048xf32, #tpu.memory_space<hbm>> -> memref<2048xf32, #tpu.memory_space<hbm>>
      %dma_start3A_897 = arith.constant 16384 : i32
      %dma_start3A_898 = tpu.memref_slice %arg7[%dma_start3A_897] : memref<32768xf32, #tpu.memory_space<vmem>> -> memref<2048xf32, #tpu.memory_space<vmem>>
      tpu.enqueue_dma source(%dma_start3A_898 : memref<2048xf32, #tpu.memory_space<vmem>>) target(%dma_start3A_896 : memref<2048xf32, #tpu.memory_space<hbm>>) target_semaphore(%arg10 : memref<!tpu.dma_semaphore, #tpu.memory_space<semaphore_mem>>)
      %dma_start3A_899 = arith.constant 9 : i32
      %dma_start3A_900 = arith.constant 18432 : i32
      %dma_start3A_901 = tpu.memref_slice %arg7[%dma_start3A_900] : memref<32768xf32, #tpu.memory_space<vmem>> -> memref<2048xf32, #tpu.memory_space<vmem>>
      %dma_start3A_902 = arith.constant 0 : i32
      %dma_start3A_903 = tpu.memref_slice %arg5[%add3A_12, %dma_start3A_899, %dma_start3A_902] : memref<128x16x2048xf32, #tpu.memory_space<hbm>> -> memref<1x1x2048xf32, #tpu.memory_space<hbm>>
      %dma_start3A_904 = tpu.memref_squeeze %dma_start3A_903 : memref<1x1x2048xf32, #tpu.memory_space<hbm>> -> memref<2048xf32, #tpu.memory_space<hbm>>
      %dma_start3A_905 = arith.constant 0 : i32
      %dma_start3A_906 = tpu.memref_slice %arg5[%add3A_12, %dma_start3A_899, %dma_start3A_905] : memref<128x16x2048xf32, #tpu.memory_space<hbm>> -> memref<1x1x2048xf32, #tpu.memory_space<hbm>>
      %dma_start3A_907 = tpu.memref_squeeze %dma_start3A_906 : memref<1x1x2048xf32, #tpu.memory_space<hbm>> -> memref<2048xf32, #tpu.memory_space<hbm>>
      %dma_start3A_908 = arith.constant 18432 : i32
      %dma_start3A_909 = tpu.memref_slice %arg7[%dma_start3A_908] : memref<32768xf32, #tpu.memory_space<vmem>> -> memref<2048xf32, #tpu.memory_space<vmem>>
      tpu.enqueue_dma source(%dma_start3A_909 : memref<2048xf32, #tpu.memory_space<vmem>>) target(%dma_start3A_907 : memref<2048xf32, #tpu.memory_space<hbm>>) target_semaphore(%arg10 : memref<!tpu.dma_semaphore, #tpu.memory_space<semaphore_mem>>)
      %dma_start3A_910 = arith.constant 10 : i32
      %dma_start3A_911 = arith.constant 20480 : i32
      %dma_start3A_912 = tpu.memref_slice %arg7[%dma_start3A_911] : memref<32768xf32, #tpu.memory_space<vmem>> -> memref<2048xf32, #tpu.memory_space<vmem>>
      %dma_start3A_913 = arith.constant 0 : i32
      %dma_start3A_914 = tpu.memref_slice %arg5[%add3A_12, %dma_start3A_910, %dma_start3A_913] : memref<128x16x2048xf32, #tpu.memory_space<hbm>> -> memref<1x1x2048xf32, #tpu.memory_space<hbm>>
      %dma_start3A_915 = tpu.memref_squeeze %dma_start3A_914 : memref<1x1x2048xf32, #tpu.memory_space<hbm>> -> memref<2048xf32, #tpu.memory_space<hbm>>
      %dma_start3A_916 = arith.constant 0 : i32
      %dma_start3A_917 = tpu.memref_slice %arg5[%add3A_12, %dma_start3A_910, %dma_start3A_916] : memref<128x16x2048xf32, #tpu.memory_space<hbm>> -> memref<1x1x2048xf32, #tpu.memory_space<hbm>>
      %dma_start3A_918 = tpu.memref_squeeze %dma_start3A_917 : memref<1x1x2048xf32, #tpu.memory_space<hbm>> -> memref<2048xf32, #tpu.memory_space<hbm>>
      %dma_start3A_919 = arith.constant 20480 : i32
      %dma_start3A_920 = tpu.memref_slice %arg7[%dma_start3A_919] : memref<32768xf32, #tpu.memory_space<vmem>> -> memref<2048xf32, #tpu.memory_space<vmem>>
      tpu.enqueue_dma source(%dma_start3A_920 : memref<2048xf32, #tpu.memory_space<vmem>>) target(%dma_start3A_918 : memref<2048xf32, #tpu.memory_space<hbm>>) target_semaphore(%arg10 : memref<!tpu.dma_semaphore, #tpu.memory_space<semaphore_mem>>)
      %dma_start3A_921 = arith.constant 11 : i32
      %dma_start3A_922 = arith.constant 22528 : i32
      %dma_start3A_923 = tpu.memref_slice %arg7[%dma_start3A_922] : memref<32768xf32, #tpu.memory_space<vmem>> -> memref<2048xf32, #tpu.memory_space<vmem>>
      %dma_start3A_924 = arith.constant 0 : i32
      %dma_start3A_925 = tpu.memref_slice %arg5[%add3A_12, %dma_start3A_921, %dma_start3A_924] : memref<128x16x2048xf32, #tpu.memory_space<hbm>> -> memref<1x1x2048xf32, #tpu.memory_space<hbm>>
      %dma_start3A_926 = tpu.memref_squeeze %dma_start3A_925 : memref<1x1x2048xf32, #tpu.memory_space<hbm>> -> memref<2048xf32, #tpu.memory_space<hbm>>
      %dma_start3A_927 = arith.constant 0 : i32
      %dma_start3A_928 = tpu.memref_slice %arg5[%add3A_12, %dma_start3A_921, %dma_start3A_927] : memref<128x16x2048xf32, #tpu.memory_space<hbm>> -> memref<1x1x2048xf32, #tpu.memory_space<hbm>>
      %dma_start3A_929 = tpu.memref_squeeze %dma_start3A_928 : memref<1x1x2048xf32, #tpu.memory_space<hbm>> -> memref<2048xf32, #tpu.memory_space<hbm>>
      %dma_start3A_930 = arith.constant 22528 : i32
      %dma_start3A_931 = tpu.memref_slice %arg7[%dma_start3A_930] : memref<32768xf32, #tpu.memory_space<vmem>> -> memref<2048xf32, #tpu.memory_space<vmem>>
      tpu.enqueue_dma source(%dma_start3A_931 : memref<2048xf32, #tpu.memory_space<vmem>>) target(%dma_start3A_929 : memref<2048xf32, #tpu.memory_space<hbm>>) target_semaphore(%arg10 : memref<!tpu.dma_semaphore, #tpu.memory_space<semaphore_mem>>)
      %dma_start3A_932 = arith.constant 12 : i32
      %dma_start3A_933 = arith.constant 24576 : i32
      %dma_start3A_934 = tpu.memref_slice %arg7[%dma_start3A_933] : memref<32768xf32, #tpu.memory_space<vmem>> -> memref<2048xf32, #tpu.memory_space<vmem>>
      %dma_start3A_935 = arith.constant 0 : i32
      %dma_start3A_936 = tpu.memref_slice %arg5[%add3A_12, %dma_start3A_932, %dma_start3A_935] : memref<128x16x2048xf32, #tpu.memory_space<hbm>> -> memref<1x1x2048xf32, #tpu.memory_space<hbm>>
      %dma_start3A_937 = tpu.memref_squeeze %dma_start3A_936 : memref<1x1x2048xf32, #tpu.memory_space<hbm>> -> memref<2048xf32, #tpu.memory_space<hbm>>
      %dma_start3A_938 = arith.constant 0 : i32
      %dma_start3A_939 = tpu.memref_slice %arg5[%add3A_12, %dma_start3A_932, %dma_start3A_938] : memref<128x16x2048xf32, #tpu.memory_space<hbm>> -> memref<1x1x2048xf32, #tpu.memory_space<hbm>>
      %dma_start3A_940 = tpu.memref_squeeze %dma_start3A_939 : memref<1x1x2048xf32, #tpu.memory_space<hbm>> -> memref<2048xf32, #tpu.memory_space<hbm>>
      %dma_start3A_941 = arith.constant 24576 : i32
      %dma_start3A_942 = tpu.memref_slice %arg7[%dma_start3A_941] : memref<32768xf32, #tpu.memory_space<vmem>> -> memref<2048xf32, #tpu.memory_space<vmem>>
      tpu.enqueue_dma source(%dma_start3A_942 : memref<2048xf32, #tpu.memory_space<vmem>>) target(%dma_start3A_940 : memref<2048xf32, #tpu.memory_space<hbm>>) target_semaphore(%arg10 : memref<!tpu.dma_semaphore, #tpu.memory_space<semaphore_mem>>)
      %dma_start3A_943 = arith.constant 13 : i32
      %dma_start3A_944 = arith.constant 26624 : i32
      %dma_start3A_945 = tpu.memref_slice %arg7[%dma_start3A_944] : memref<32768xf32, #tpu.memory_space<vmem>> -> memref<2048xf32, #tpu.memory_space<vmem>>
      %dma_start3A_946 = arith.constant 0 : i32
      %dma_start3A_947 = tpu.memref_slice %arg5[%add3A_12, %dma_start3A_943, %dma_start3A_946] : memref<128x16x2048xf32, #tpu.memory_space<hbm>> -> memref<1x1x2048xf32, #tpu.memory_space<hbm>>
      %dma_start3A_948 = tpu.memref_squeeze %dma_start3A_947 : memref<1x1x2048xf32, #tpu.memory_space<hbm>> -> memref<2048xf32, #tpu.memory_space<hbm>>
      %dma_start3A_949 = arith.constant 0 : i32
      %dma_start3A_950 = tpu.memref_slice %arg5[%add3A_12, %dma_start3A_943, %dma_start3A_949] : memref<128x16x2048xf32, #tpu.memory_space<hbm>> -> memref<1x1x2048xf32, #tpu.memory_space<hbm>>
      %dma_start3A_951 = tpu.memref_squeeze %dma_start3A_950 : memref<1x1x2048xf32, #tpu.memory_space<hbm>> -> memref<2048xf32, #tpu.memory_space<hbm>>
      %dma_start3A_952 = arith.constant 26624 : i32
      %dma_start3A_953 = tpu.memref_slice %arg7[%dma_start3A_952] : memref<32768xf32, #tpu.memory_space<vmem>> -> memref<2048xf32, #tpu.memory_space<vmem>>
      tpu.enqueue_dma source(%dma_start3A_953 : memref<2048xf32, #tpu.memory_space<vmem>>) target(%dma_start3A_951 : memref<2048xf32, #tpu.memory_space<hbm>>) target_semaphore(%arg10 : memref<!tpu.dma_semaphore, #tpu.memory_space<semaphore_mem>>)
      %dma_start3A_954 = arith.constant 14 : i32
      %dma_start3A_955 = arith.constant 28672 : i32
      %dma_start3A_956 = tpu.memref_slice %arg7[%dma_start3A_955] : memref<32768xf32, #tpu.memory_space<vmem>> -> memref<2048xf32, #tpu.memory_space<vmem>>
      %dma_start3A_957 = arith.constant 0 : i32
      %dma_start3A_958 = tpu.memref_slice %arg5[%add3A_12, %dma_start3A_954, %dma_start3A_957] : memref<128x16x2048xf32, #tpu.memory_space<hbm>> -> memref<1x1x2048xf32, #tpu.memory_space<hbm>>
      %dma_start3A_959 = tpu.memref_squeeze %dma_start3A_958 : memref<1x1x2048xf32, #tpu.memory_space<hbm>> -> memref<2048xf32, #tpu.memory_space<hbm>>
      %dma_start3A_960 = arith.constant 0 : i32
      %dma_start3A_961 = tpu.memref_slice %arg5[%add3A_12, %dma_start3A_954, %dma_start3A_960] : memref<128x16x2048xf32, #tpu.memory_space<hbm>> -> memref<1x1x2048xf32, #tpu.memory_space<hbm>>
      %dma_start3A_962 = tpu.memref_squeeze %dma_start3A_961 : memref<1x1x2048xf32, #tpu.memory_space<hbm>> -> memref<2048xf32, #tpu.memory_space<hbm>>
      %dma_start3A_963 = arith.constant 28672 : i32
      %dma_start3A_964 = tpu.memref_slice %arg7[%dma_start3A_963] : memref<32768xf32, #tpu.memory_space<vmem>> -> memref<2048xf32, #tpu.memory_space<vmem>>
      tpu.enqueue_dma source(%dma_start3A_964 : memref<2048xf32, #tpu.memory_space<vmem>>) target(%dma_start3A_962 : memref<2048xf32, #tpu.memory_space<hbm>>) target_semaphore(%arg10 : memref<!tpu.dma_semaphore, #tpu.memory_space<semaphore_mem>>)
      %dma_start3A_965 = arith.constant 15 : i32
      %dma_start3A_966 = arith.constant 30720 : i32
      %dma_start3A_967 = tpu.memref_slice %arg7[%dma_start3A_966] : memref<32768xf32, #tpu.memory_space<vmem>> -> memref<2048xf32, #tpu.memory_space<vmem>>
      %dma_start3A_968 = arith.constant 0 : i32
      %dma_start3A_969 = tpu.memref_slice %arg5[%add3A_12, %dma_start3A_965, %dma_start3A_968] : memref<128x16x2048xf32, #tpu.memory_space<hbm>> -> memref<1x1x2048xf32, #tpu.memory_space<hbm>>
      %dma_start3A_970 = tpu.memref_squeeze %dma_start3A_969 : memref<1x1x2048xf32, #tpu.memory_space<hbm>> -> memref<2048xf32, #tpu.memory_space<hbm>>
      %dma_start3A_971 = arith.constant 0 : i32
      %dma_start3A_972 = tpu.memref_slice %arg5[%add3A_12, %dma_start3A_965, %dma_start3A_971] : memref<128x16x2048xf32, #tpu.memory_space<hbm>> -> memref<1x1x2048xf32, #tpu.memory_space<hbm>>
      %dma_start3A_973 = tpu.memref_squeeze %dma_start3A_972 : memref<1x1x2048xf32, #tpu.memory_space<hbm>> -> memref<2048xf32, #tpu.memory_space<hbm>>
      %dma_start3A_974 = arith.constant 30720 : i32
      %dma_start3A_975 = tpu.memref_slice %arg7[%dma_start3A_974] : memref<32768xf32, #tpu.memory_space<vmem>> -> memref<2048xf32, #tpu.memory_space<vmem>>
      tpu.enqueue_dma source(%dma_start3A_975 : memref<2048xf32, #tpu.memory_space<vmem>>) target(%dma_start3A_973 : memref<2048xf32, #tpu.memory_space<hbm>>) target_semaphore(%arg10 : memref<!tpu.dma_semaphore, #tpu.memory_space<semaphore_mem>>)
      %dma_wait3A_976 = arith.constant 0 : i32
      %dma_wait3A_977 = arith.constant 0 : i32
      %dma_wait3A_978 = tpu.memref_slice %arg7[%dma_wait3A_977] : memref<32768xf32, #tpu.memory_space<vmem>> -> memref<2048xf32, #tpu.memory_space<vmem>>
      %dma_wait3A_979 = arith.constant 0 : i32
      %dma_wait3A_980 = tpu.memref_slice %arg5[%add3A_12, %dma_wait3A_976, %dma_wait3A_979] : memref<128x16x2048xf32, #tpu.memory_space<hbm>> -> memref<1x1x2048xf32, #tpu.memory_space<hbm>>
      %dma_wait3A_981 = tpu.memref_squeeze %dma_wait3A_980 : memref<1x1x2048xf32, #tpu.memory_space<hbm>> -> memref<2048xf32, #tpu.memory_space<hbm>>
      %dma_wait3A_982 = arith.constant 0 : i32
      %dma_wait3A_983 = tpu.memref_slice %arg5[%add3A_12, %dma_wait3A_976, %dma_wait3A_982] : memref<128x16x2048xf32, #tpu.memory_space<hbm>> -> memref<1x1x2048xf32, #tpu.memory_space<hbm>>
      %dma_wait3A_984 = tpu.memref_squeeze %dma_wait3A_983 : memref<1x1x2048xf32, #tpu.memory_space<hbm>> -> memref<2048xf32, #tpu.memory_space<hbm>>
      %dma_wait3A_985 = arith.constant 0 : i32
      %dma_wait3A_986 = tpu.memref_slice %arg7[%dma_wait3A_985] : memref<32768xf32, #tpu.memory_space<vmem>> -> memref<2048xf32, #tpu.memory_space<vmem>>
      tpu.wait_dma2 semaphore(%arg10 : memref<!tpu.dma_semaphore, #tpu.memory_space<semaphore_mem>>) src(%dma_wait3A_986 : memref<2048xf32, #tpu.memory_space<vmem>>) dst(%dma_wait3A_984 : memref<2048xf32, #tpu.memory_space<hbm>>)
      %dma_wait3A_987 = arith.constant 1 : i32
      %dma_wait3A_988 = arith.constant 2048 : i32
      %dma_wait3A_989 = tpu.memref_slice %arg7[%dma_wait3A_988] : memref<32768xf32, #tpu.memory_space<vmem>> -> memref<2048xf32, #tpu.memory_space<vmem>>
      %dma_wait3A_990 = arith.constant 0 : i32
      %dma_wait3A_991 = tpu.memref_slice %arg5[%add3A_12, %dma_wait3A_987, %dma_wait3A_990] : memref<128x16x2048xf32, #tpu.memory_space<hbm>> -> memref<1x1x2048xf32, #tpu.memory_space<hbm>>
      %dma_wait3A_992 = tpu.memref_squeeze %dma_wait3A_991 : memref<1x1x2048xf32, #tpu.memory_space<hbm>> -> memref<2048xf32, #tpu.memory_space<hbm>>
      %dma_wait3A_993 = arith.constant 0 : i32
      %dma_wait3A_994 = tpu.memref_slice %arg5[%add3A_12, %dma_wait3A_987, %dma_wait3A_993] : memref<128x16x2048xf32, #tpu.memory_space<hbm>> -> memref<1x1x2048xf32, #tpu.memory_space<hbm>>
      %dma_wait3A_995 = tpu.memref_squeeze %dma_wait3A_994 : memref<1x1x2048xf32, #tpu.memory_space<hbm>> -> memref<2048xf32, #tpu.memory_space<hbm>>
      %dma_wait3A_996 = arith.constant 2048 : i32
      %dma_wait3A_997 = tpu.memref_slice %arg7[%dma_wait3A_996] : memref<32768xf32, #tpu.memory_space<vmem>> -> memref<2048xf32, #tpu.memory_space<vmem>>
      tpu.wait_dma2 semaphore(%arg10 : memref<!tpu.dma_semaphore, #tpu.memory_space<semaphore_mem>>) src(%dma_wait3A_997 : memref<2048xf32, #tpu.memory_space<vmem>>) dst(%dma_wait3A_995 : memref<2048xf32, #tpu.memory_space<hbm>>)
      %dma_wait3A_998 = arith.constant 2 : i32
      %dma_wait3A_999 = arith.constant 4096 : i32
      %dma_wait3A_1000 = tpu.memref_slice %arg7[%dma_wait3A_999] : memref<32768xf32, #tpu.memory_space<vmem>> -> memref<2048xf32, #tpu.memory_space<vmem>>
      %dma_wait3A_1001 = arith.constant 0 : i32
      %dma_wait3A_1002 = tpu.memref_slice %arg5[%add3A_12, %dma_wait3A_998, %dma_wait3A_1001] : memref<128x16x2048xf32, #tpu.memory_space<hbm>> -> memref<1x1x2048xf32, #tpu.memory_space<hbm>>
      %dma_wait3A_1003 = tpu.memref_squeeze %dma_wait3A_1002 : memref<1x1x2048xf32, #tpu.memory_space<hbm>> -> memref<2048xf32, #tpu.memory_space<hbm>>
      %dma_wait3A_1004 = arith.constant 0 : i32
      %dma_wait3A_1005 = tpu.memref_slice %arg5[%add3A_12, %dma_wait3A_998, %dma_wait3A_1004] : memref<128x16x2048xf32, #tpu.memory_space<hbm>> -> memref<1x1x2048xf32, #tpu.memory_space<hbm>>
      %dma_wait3A_1006 = tpu.memref_squeeze %dma_wait3A_1005 : memref<1x1x2048xf32, #tpu.memory_space<hbm>> -> memref<2048xf32, #tpu.memory_space<hbm>>
      %dma_wait3A_1007 = arith.constant 4096 : i32
      %dma_wait3A_1008 = tpu.memref_slice %arg7[%dma_wait3A_1007] : memref<32768xf32, #tpu.memory_space<vmem>> -> memref<2048xf32, #tpu.memory_space<vmem>>
      tpu.wait_dma2 semaphore(%arg10 : memref<!tpu.dma_semaphore, #tpu.memory_space<semaphore_mem>>) src(%dma_wait3A_1008 : memref<2048xf32, #tpu.memory_space<vmem>>) dst(%dma_wait3A_1006 : memref<2048xf32, #tpu.memory_space<hbm>>)
      %dma_wait3A_1009 = arith.constant 3 : i32
      %dma_wait3A_1010 = arith.constant 6144 : i32
      %dma_wait3A_1011 = tpu.memref_slice %arg7[%dma_wait3A_1010] : memref<32768xf32, #tpu.memory_space<vmem>> -> memref<2048xf32, #tpu.memory_space<vmem>>
      %dma_wait3A_1012 = arith.constant 0 : i32
      %dma_wait3A_1013 = tpu.memref_slice %arg5[%add3A_12, %dma_wait3A_1009, %dma_wait3A_1012] : memref<128x16x2048xf32, #tpu.memory_space<hbm>> -> memref<1x1x2048xf32, #tpu.memory_space<hbm>>
      %dma_wait3A_1014 = tpu.memref_squeeze %dma_wait3A_1013 : memref<1x1x2048xf32, #tpu.memory_space<hbm>> -> memref<2048xf32, #tpu.memory_space<hbm>>
      %dma_wait3A_1015 = arith.constant 0 : i32
      %dma_wait3A_1016 = tpu.memref_slice %arg5[%add3A_12, %dma_wait3A_1009, %dma_wait3A_1015] : memref<128x16x2048xf32, #tpu.memory_space<hbm>> -> memref<1x1x2048xf32, #tpu.memory_space<hbm>>
      %dma_wait3A_1017 = tpu.memref_squeeze %dma_wait3A_1016 : memref<1x1x2048xf32, #tpu.memory_space<hbm>> -> memref<2048xf32, #tpu.memory_space<hbm>>
      %dma_wait3A_1018 = arith.constant 6144 : i32
      %dma_wait3A_1019 = tpu.memref_slice %arg7[%dma_wait3A_1018] : memref<32768xf32, #tpu.memory_space<vmem>> -> memref<2048xf32, #tpu.memory_space<vmem>>
      tpu.wait_dma2 semaphore(%arg10 : memref<!tpu.dma_semaphore, #tpu.memory_space<semaphore_mem>>) src(%dma_wait3A_1019 : memref<2048xf32, #tpu.memory_space<vmem>>) dst(%dma_wait3A_1017 : memref<2048xf32, #tpu.memory_space<hbm>>)
      %dma_wait3A_1020 = arith.constant 4 : i32
      %dma_wait3A_1021 = arith.constant 8192 : i32
      %dma_wait3A_1022 = tpu.memref_slice %arg7[%dma_wait3A_1021] : memref<32768xf32, #tpu.memory_space<vmem>> -> memref<2048xf32, #tpu.memory_space<vmem>>
      %dma_wait3A_1023 = arith.constant 0 : i32
      %dma_wait3A_1024 = tpu.memref_slice %arg5[%add3A_12, %dma_wait3A_1020, %dma_wait3A_1023] : memref<128x16x2048xf32, #tpu.memory_space<hbm>> -> memref<1x1x2048xf32, #tpu.memory_space<hbm>>
      %dma_wait3A_1025 = tpu.memref_squeeze %dma_wait3A_1024 : memref<1x1x2048xf32, #tpu.memory_space<hbm>> -> memref<2048xf32, #tpu.memory_space<hbm>>
      %dma_wait3A_1026 = arith.constant 0 : i32
      %dma_wait3A_1027 = tpu.memref_slice %arg5[%add3A_12, %dma_wait3A_1020, %dma_wait3A_1026] : memref<128x16x2048xf32, #tpu.memory_space<hbm>> -> memref<1x1x2048xf32, #tpu.memory_space<hbm>>
      %dma_wait3A_1028 = tpu.memref_squeeze %dma_wait3A_1027 : memref<1x1x2048xf32, #tpu.memory_space<hbm>> -> memref<2048xf32, #tpu.memory_space<hbm>>
      %dma_wait3A_1029 = arith.constant 8192 : i32
      %dma_wait3A_1030 = tpu.memref_slice %arg7[%dma_wait3A_1029] : memref<32768xf32, #tpu.memory_space<vmem>> -> memref<2048xf32, #tpu.memory_space<vmem>>
      tpu.wait_dma2 semaphore(%arg10 : memref<!tpu.dma_semaphore, #tpu.memory_space<semaphore_mem>>) src(%dma_wait3A_1030 : memref<2048xf32, #tpu.memory_space<vmem>>) dst(%dma_wait3A_1028 : memref<2048xf32, #tpu.memory_space<hbm>>)
      %dma_wait3A_1031 = arith.constant 5 : i32
      %dma_wait3A_1032 = arith.constant 10240 : i32
      %dma_wait3A_1033 = tpu.memref_slice %arg7[%dma_wait3A_1032] : memref<32768xf32, #tpu.memory_space<vmem>> -> memref<2048xf32, #tpu.memory_space<vmem>>
      %dma_wait3A_1034 = arith.constant 0 : i32
      %dma_wait3A_1035 = tpu.memref_slice %arg5[%add3A_12, %dma_wait3A_1031, %dma_wait3A_1034] : memref<128x16x2048xf32, #tpu.memory_space<hbm>> -> memref<1x1x2048xf32, #tpu.memory_space<hbm>>
      %dma_wait3A_1036 = tpu.memref_squeeze %dma_wait3A_1035 : memref<1x1x2048xf32, #tpu.memory_space<hbm>> -> memref<2048xf32, #tpu.memory_space<hbm>>
      %dma_wait3A_1037 = arith.constant 0 : i32
      %dma_wait3A_1038 = tpu.memref_slice %arg5[%add3A_12, %dma_wait3A_1031, %dma_wait3A_1037] : memref<128x16x2048xf32, #tpu.memory_space<hbm>> -> memref<1x1x2048xf32, #tpu.memory_space<hbm>>
      %dma_wait3A_1039 = tpu.memref_squeeze %dma_wait3A_1038 : memref<1x1x2048xf32, #tpu.memory_space<hbm>> -> memref<2048xf32, #tpu.memory_space<hbm>>
      %dma_wait3A_1040 = arith.constant 10240 : i32
      %dma_wait3A_1041 = tpu.memref_slice %arg7[%dma_wait3A_1040] : memref<32768xf32, #tpu.memory_space<vmem>> -> memref<2048xf32, #tpu.memory_space<vmem>>
      tpu.wait_dma2 semaphore(%arg10 : memref<!tpu.dma_semaphore, #tpu.memory_space<semaphore_mem>>) src(%dma_wait3A_1041 : memref<2048xf32, #tpu.memory_space<vmem>>) dst(%dma_wait3A_1039 : memref<2048xf32, #tpu.memory_space<hbm>>)
      %dma_wait3A_1042 = arith.constant 6 : i32
      %dma_wait3A_1043 = arith.constant 12288 : i32
      %dma_wait3A_1044 = tpu.memref_slice %arg7[%dma_wait3A_1043] : memref<32768xf32, #tpu.memory_space<vmem>> -> memref<2048xf32, #tpu.memory_space<vmem>>
      %dma_wait3A_1045 = arith.constant 0 : i32
      %dma_wait3A_1046 = tpu.memref_slice %arg5[%add3A_12, %dma_wait3A_1042, %dma_wait3A_1045] : memref<128x16x2048xf32, #tpu.memory_space<hbm>> -> memref<1x1x2048xf32, #tpu.memory_space<hbm>>
      %dma_wait3A_1047 = tpu.memref_squeeze %dma_wait3A_1046 : memref<1x1x2048xf32, #tpu.memory_space<hbm>> -> memref<2048xf32, #tpu.memory_space<hbm>>
      %dma_wait3A_1048 = arith.constant 0 : i32
      %dma_wait3A_1049 = tpu.memref_slice %arg5[%add3A_12, %dma_wait3A_1042, %dma_wait3A_1048] : memref<128x16x2048xf32, #tpu.memory_space<hbm>> -> memref<1x1x2048xf32, #tpu.memory_space<hbm>>
      %dma_wait3A_1050 = tpu.memref_squeeze %dma_wait3A_1049 : memref<1x1x2048xf32, #tpu.memory_space<hbm>> -> memref<2048xf32, #tpu.memory_space<hbm>>
      %dma_wait3A_1051 = arith.constant 12288 : i32
      %dma_wait3A_1052 = tpu.memref_slice %arg7[%dma_wait3A_1051] : memref<32768xf32, #tpu.memory_space<vmem>> -> memref<2048xf32, #tpu.memory_space<vmem>>
      tpu.wait_dma2 semaphore(%arg10 : memref<!tpu.dma_semaphore, #tpu.memory_space<semaphore_mem>>) src(%dma_wait3A_1052 : memref<2048xf32, #tpu.memory_space<vmem>>) dst(%dma_wait3A_1050 : memref<2048xf32, #tpu.memory_space<hbm>>)
      %dma_wait3A_1053 = arith.constant 7 : i32
      %dma_wait3A_1054 = arith.constant 14336 : i32
      %dma_wait3A_1055 = tpu.memref_slice %arg7[%dma_wait3A_1054] : memref<32768xf32, #tpu.memory_space<vmem>> -> memref<2048xf32, #tpu.memory_space<vmem>>
      %dma_wait3A_1056 = arith.constant 0 : i32
      %dma_wait3A_1057 = tpu.memref_slice %arg5[%add3A_12, %dma_wait3A_1053, %dma_wait3A_1056] : memref<128x16x2048xf32, #tpu.memory_space<hbm>> -> memref<1x1x2048xf32, #tpu.memory_space<hbm>>
      %dma_wait3A_1058 = tpu.memref_squeeze %dma_wait3A_1057 : memref<1x1x2048xf32, #tpu.memory_space<hbm>> -> memref<2048xf32, #tpu.memory_space<hbm>>
      %dma_wait3A_1059 = arith.constant 0 : i32
      %dma_wait3A_1060 = tpu.memref_slice %arg5[%add3A_12, %dma_wait3A_1053, %dma_wait3A_1059] : memref<128x16x2048xf32, #tpu.memory_space<hbm>> -> memref<1x1x2048xf32, #tpu.memory_space<hbm>>
      %dma_wait3A_1061 = tpu.memref_squeeze %dma_wait3A_1060 : memref<1x1x2048xf32, #tpu.memory_space<hbm>> -> memref<2048xf32, #tpu.memory_space<hbm>>
      %dma_wait3A_1062 = arith.constant 14336 : i32
      %dma_wait3A_1063 = tpu.memref_slice %arg7[%dma_wait3A_1062] : memref<32768xf32, #tpu.memory_space<vmem>> -> memref<2048xf32, #tpu.memory_space<vmem>>
      tpu.wait_dma2 semaphore(%arg10 : memref<!tpu.dma_semaphore, #tpu.memory_space<semaphore_mem>>) src(%dma_wait3A_1063 : memref<2048xf32, #tpu.memory_space<vmem>>) dst(%dma_wait3A_1061 : memref<2048xf32, #tpu.memory_space<hbm>>)
      %dma_wait3A_1064 = arith.constant 8 : i32
      %dma_wait3A_1065 = arith.constant 16384 : i32
      %dma_wait3A_1066 = tpu.memref_slice %arg7[%dma_wait3A_1065] : memref<32768xf32, #tpu.memory_space<vmem>> -> memref<2048xf32, #tpu.memory_space<vmem>>
      %dma_wait3A_1067 = arith.constant 0 : i32
      %dma_wait3A_1068 = tpu.memref_slice %arg5[%add3A_12, %dma_wait3A_1064, %dma_wait3A_1067] : memref<128x16x2048xf32, #tpu.memory_space<hbm>> -> memref<1x1x2048xf32, #tpu.memory_space<hbm>>
      %dma_wait3A_1069 = tpu.memref_squeeze %dma_wait3A_1068 : memref<1x1x2048xf32, #tpu.memory_space<hbm>> -> memref<2048xf32, #tpu.memory_space<hbm>>
      %dma_wait3A_1070 = arith.constant 0 : i32
      %dma_wait3A_1071 = tpu.memref_slice %arg5[%add3A_12, %dma_wait3A_1064, %dma_wait3A_1070] : memref<128x16x2048xf32, #tpu.memory_space<hbm>> -> memref<1x1x2048xf32, #tpu.memory_space<hbm>>
      %dma_wait3A_1072 = tpu.memref_squeeze %dma_wait3A_1071 : memref<1x1x2048xf32, #tpu.memory_space<hbm>> -> memref<2048xf32, #tpu.memory_space<hbm>>
      %dma_wait3A_1073 = arith.constant 16384 : i32
      %dma_wait3A_1074 = tpu.memref_slice %arg7[%dma_wait3A_1073] : memref<32768xf32, #tpu.memory_space<vmem>> -> memref<2048xf32, #tpu.memory_space<vmem>>
      tpu.wait_dma2 semaphore(%arg10 : memref<!tpu.dma_semaphore, #tpu.memory_space<semaphore_mem>>) src(%dma_wait3A_1074 : memref<2048xf32, #tpu.memory_space<vmem>>) dst(%dma_wait3A_1072 : memref<2048xf32, #tpu.memory_space<hbm>>)
      %dma_wait3A_1075 = arith.constant 9 : i32
      %dma_wait3A_1076 = arith.constant 18432 : i32
      %dma_wait3A_1077 = tpu.memref_slice %arg7[%dma_wait3A_1076] : memref<32768xf32, #tpu.memory_space<vmem>> -> memref<2048xf32, #tpu.memory_space<vmem>>
      %dma_wait3A_1078 = arith.constant 0 : i32
      %dma_wait3A_1079 = tpu.memref_slice %arg5[%add3A_12, %dma_wait3A_1075, %dma_wait3A_1078] : memref<128x16x2048xf32, #tpu.memory_space<hbm>> -> memref<1x1x2048xf32, #tpu.memory_space<hbm>>
      %dma_wait3A_1080 = tpu.memref_squeeze %dma_wait3A_1079 : memref<1x1x2048xf32, #tpu.memory_space<hbm>> -> memref<2048xf32, #tpu.memory_space<hbm>>
      %dma_wait3A_1081 = arith.constant 0 : i32
      %dma_wait3A_1082 = tpu.memref_slice %arg5[%add3A_12, %dma_wait3A_1075, %dma_wait3A_1081] : memref<128x16x2048xf32, #tpu.memory_space<hbm>> -> memref<1x1x2048xf32, #tpu.memory_space<hbm>>
      %dma_wait3A_1083 = tpu.memref_squeeze %dma_wait3A_1082 : memref<1x1x2048xf32, #tpu.memory_space<hbm>> -> memref<2048xf32, #tpu.memory_space<hbm>>
      %dma_wait3A_1084 = arith.constant 18432 : i32
      %dma_wait3A_1085 = tpu.memref_slice %arg7[%dma_wait3A_1084] : memref<32768xf32, #tpu.memory_space<vmem>> -> memref<2048xf32, #tpu.memory_space<vmem>>
      tpu.wait_dma2 semaphore(%arg10 : memref<!tpu.dma_semaphore, #tpu.memory_space<semaphore_mem>>) src(%dma_wait3A_1085 : memref<2048xf32, #tpu.memory_space<vmem>>) dst(%dma_wait3A_1083 : memref<2048xf32, #tpu.memory_space<hbm>>)
      %dma_wait3A_1086 = arith.constant 10 : i32
      %dma_wait3A_1087 = arith.constant 20480 : i32
      %dma_wait3A_1088 = tpu.memref_slice %arg7[%dma_wait3A_1087] : memref<32768xf32, #tpu.memory_space<vmem>> -> memref<2048xf32, #tpu.memory_space<vmem>>
      %dma_wait3A_1089 = arith.constant 0 : i32
      %dma_wait3A_1090 = tpu.memref_slice %arg5[%add3A_12, %dma_wait3A_1086, %dma_wait3A_1089] : memref<128x16x2048xf32, #tpu.memory_space<hbm>> -> memref<1x1x2048xf32, #tpu.memory_space<hbm>>
      %dma_wait3A_1091 = tpu.memref_squeeze %dma_wait3A_1090 : memref<1x1x2048xf32, #tpu.memory_space<hbm>> -> memref<2048xf32, #tpu.memory_space<hbm>>
      %dma_wait3A_1092 = arith.constant 0 : i32
      %dma_wait3A_1093 = tpu.memref_slice %arg5[%add3A_12, %dma_wait3A_1086, %dma_wait3A_1092] : memref<128x16x2048xf32, #tpu.memory_space<hbm>> -> memref<1x1x2048xf32, #tpu.memory_space<hbm>>
      %dma_wait3A_1094 = tpu.memref_squeeze %dma_wait3A_1093 : memref<1x1x2048xf32, #tpu.memory_space<hbm>> -> memref<2048xf32, #tpu.memory_space<hbm>>
      %dma_wait3A_1095 = arith.constant 20480 : i32
      %dma_wait3A_1096 = tpu.memref_slice %arg7[%dma_wait3A_1095] : memref<32768xf32, #tpu.memory_space<vmem>> -> memref<2048xf32, #tpu.memory_space<vmem>>
      tpu.wait_dma2 semaphore(%arg10 : memref<!tpu.dma_semaphore, #tpu.memory_space<semaphore_mem>>) src(%dma_wait3A_1096 : memref<2048xf32, #tpu.memory_space<vmem>>) dst(%dma_wait3A_1094 : memref<2048xf32, #tpu.memory_space<hbm>>)
      %dma_wait3A_1097 = arith.constant 11 : i32
      %dma_wait3A_1098 = arith.constant 22528 : i32
      %dma_wait3A_1099 = tpu.memref_slice %arg7[%dma_wait3A_1098] : memref<32768xf32, #tpu.memory_space<vmem>> -> memref<2048xf32, #tpu.memory_space<vmem>>
      %dma_wait3A_1100 = arith.constant 0 : i32
      %dma_wait3A_1101 = tpu.memref_slice %arg5[%add3A_12, %dma_wait3A_1097, %dma_wait3A_1100] : memref<128x16x2048xf32, #tpu.memory_space<hbm>> -> memref<1x1x2048xf32, #tpu.memory_space<hbm>>
      %dma_wait3A_1102 = tpu.memref_squeeze %dma_wait3A_1101 : memref<1x1x2048xf32, #tpu.memory_space<hbm>> -> memref<2048xf32, #tpu.memory_space<hbm>>
      %dma_wait3A_1103 = arith.constant 0 : i32
      %dma_wait3A_1104 = tpu.memref_slice %arg5[%add3A_12, %dma_wait3A_1097, %dma_wait3A_1103] : memref<128x16x2048xf32, #tpu.memory_space<hbm>> -> memref<1x1x2048xf32, #tpu.memory_space<hbm>>
      %dma_wait3A_1105 = tpu.memref_squeeze %dma_wait3A_1104 : memref<1x1x2048xf32, #tpu.memory_space<hbm>> -> memref<2048xf32, #tpu.memory_space<hbm>>
      %dma_wait3A_1106 = arith.constant 22528 : i32
      %dma_wait3A_1107 = tpu.memref_slice %arg7[%dma_wait3A_1106] : memref<32768xf32, #tpu.memory_space<vmem>> -> memref<2048xf32, #tpu.memory_space<vmem>>
      tpu.wait_dma2 semaphore(%arg10 : memref<!tpu.dma_semaphore, #tpu.memory_space<semaphore_mem>>) src(%dma_wait3A_1107 : memref<2048xf32, #tpu.memory_space<vmem>>) dst(%dma_wait3A_1105 : memref<2048xf32, #tpu.memory_space<hbm>>)
      %dma_wait3A_1108 = arith.constant 12 : i32
      %dma_wait3A_1109 = arith.constant 24576 : i32
      %dma_wait3A_1110 = tpu.memref_slice %arg7[%dma_wait3A_1109] : memref<32768xf32, #tpu.memory_space<vmem>> -> memref<2048xf32, #tpu.memory_space<vmem>>
      %dma_wait3A_1111 = arith.constant 0 : i32
      %dma_wait3A_1112 = tpu.memref_slice %arg5[%add3A_12, %dma_wait3A_1108, %dma_wait3A_1111] : memref<128x16x2048xf32, #tpu.memory_space<hbm>> -> memref<1x1x2048xf32, #tpu.memory_space<hbm>>
      %dma_wait3A_1113 = tpu.memref_squeeze %dma_wait3A_1112 : memref<1x1x2048xf32, #tpu.memory_space<hbm>> -> memref<2048xf32, #tpu.memory_space<hbm>>
      %dma_wait3A_1114 = arith.constant 0 : i32
      %dma_wait3A_1115 = tpu.memref_slice %arg5[%add3A_12, %dma_wait3A_1108, %dma_wait3A_1114] : memref<128x16x2048xf32, #tpu.memory_space<hbm>> -> memref<1x1x2048xf32, #tpu.memory_space<hbm>>
      %dma_wait3A_1116 = tpu.memref_squeeze %dma_wait3A_1115 : memref<1x1x2048xf32, #tpu.memory_space<hbm>> -> memref<2048xf32, #tpu.memory_space<hbm>>
      %dma_wait3A_1117 = arith.constant 24576 : i32
      %dma_wait3A_1118 = tpu.memref_slice %arg7[%dma_wait3A_1117] : memref<32768xf32, #tpu.memory_space<vmem>> -> memref<2048xf32, #tpu.memory_space<vmem>>
      tpu.wait_dma2 semaphore(%arg10 : memref<!tpu.dma_semaphore, #tpu.memory_space<semaphore_mem>>) src(%dma_wait3A_1118 : memref<2048xf32, #tpu.memory_space<vmem>>) dst(%dma_wait3A_1116 : memref<2048xf32, #tpu.memory_space<hbm>>)
      %dma_wait3A_1119 = arith.constant 13 : i32
      %dma_wait3A_1120 = arith.constant 26624 : i32
      %dma_wait3A_1121 = tpu.memref_slice %arg7[%dma_wait3A_1120] : memref<32768xf32, #tpu.memory_space<vmem>> -> memref<2048xf32, #tpu.memory_space<vmem>>
      %dma_wait3A_1122 = arith.constant 0 : i32
      %dma_wait3A_1123 = tpu.memref_slice %arg5[%add3A_12, %dma_wait3A_1119, %dma_wait3A_1122] : memref<128x16x2048xf32, #tpu.memory_space<hbm>> -> memref<1x1x2048xf32, #tpu.memory_space<hbm>>
      %dma_wait3A_1124 = tpu.memref_squeeze %dma_wait3A_1123 : memref<1x1x2048xf32, #tpu.memory_space<hbm>> -> memref<2048xf32, #tpu.memory_space<hbm>>
      %dma_wait3A_1125 = arith.constant 0 : i32
      %dma_wait3A_1126 = tpu.memref_slice %arg5[%add3A_12, %dma_wait3A_1119, %dma_wait3A_1125] : memref<128x16x2048xf32, #tpu.memory_space<hbm>> -> memref<1x1x2048xf32, #tpu.memory_space<hbm>>
      %dma_wait3A_1127 = tpu.memref_squeeze %dma_wait3A_1126 : memref<1x1x2048xf32, #tpu.memory_space<hbm>> -> memref<2048xf32, #tpu.memory_space<hbm>>
      %dma_wait3A_1128 = arith.constant 26624 : i32
      %dma_wait3A_1129 = tpu.memref_slice %arg7[%dma_wait3A_1128] : memref<32768xf32, #tpu.memory_space<vmem>> -> memref<2048xf32, #tpu.memory_space<vmem>>
      tpu.wait_dma2 semaphore(%arg10 : memref<!tpu.dma_semaphore, #tpu.memory_space<semaphore_mem>>) src(%dma_wait3A_1129 : memref<2048xf32, #tpu.memory_space<vmem>>) dst(%dma_wait3A_1127 : memref<2048xf32, #tpu.memory_space<hbm>>)
      %dma_wait3A_1130 = arith.constant 14 : i32
      %dma_wait3A_1131 = arith.constant 28672 : i32
      %dma_wait3A_1132 = tpu.memref_slice %arg7[%dma_wait3A_1131] : memref<32768xf32, #tpu.memory_space<vmem>> -> memref<2048xf32, #tpu.memory_space<vmem>>
      %dma_wait3A_1133 = arith.constant 0 : i32
      %dma_wait3A_1134 = tpu.memref_slice %arg5[%add3A_12, %dma_wait3A_1130, %dma_wait3A_1133] : memref<128x16x2048xf32, #tpu.memory_space<hbm>> -> memref<1x1x2048xf32, #tpu.memory_space<hbm>>
      %dma_wait3A_1135 = tpu.memref_squeeze %dma_wait3A_1134 : memref<1x1x2048xf32, #tpu.memory_space<hbm>> -> memref<2048xf32, #tpu.memory_space<hbm>>
      %dma_wait3A_1136 = arith.constant 0 : i32
      %dma_wait3A_1137 = tpu.memref_slice %arg5[%add3A_12, %dma_wait3A_1130, %dma_wait3A_1136] : memref<128x16x2048xf32, #tpu.memory_space<hbm>> -> memref<1x1x2048xf32, #tpu.memory_space<hbm>>
      %dma_wait3A_1138 = tpu.memref_squeeze %dma_wait3A_1137 : memref<1x1x2048xf32, #tpu.memory_space<hbm>> -> memref<2048xf32, #tpu.memory_space<hbm>>
      %dma_wait3A_1139 = arith.constant 28672 : i32
      %dma_wait3A_1140 = tpu.memref_slice %arg7[%dma_wait3A_1139] : memref<32768xf32, #tpu.memory_space<vmem>> -> memref<2048xf32, #tpu.memory_space<vmem>>
      tpu.wait_dma2 semaphore(%arg10 : memref<!tpu.dma_semaphore, #tpu.memory_space<semaphore_mem>>) src(%dma_wait3A_1140 : memref<2048xf32, #tpu.memory_space<vmem>>) dst(%dma_wait3A_1138 : memref<2048xf32, #tpu.memory_space<hbm>>)
      %dma_wait3A_1141 = arith.constant 15 : i32
      %dma_wait3A_1142 = arith.constant 30720 : i32
      %dma_wait3A_1143 = tpu.memref_slice %arg7[%dma_wait3A_1142] : memref<32768xf32, #tpu.memory_space<vmem>> -> memref<2048xf32, #tpu.memory_space<vmem>>
      %dma_wait3A_1144 = arith.constant 0 : i32
      %dma_wait3A_1145 = tpu.memref_slice %arg5[%add3A_12, %dma_wait3A_1141, %dma_wait3A_1144] : memref<128x16x2048xf32, #tpu.memory_space<hbm>> -> memref<1x1x2048xf32, #tpu.memory_space<hbm>>
      %dma_wait3A_1146 = tpu.memref_squeeze %dma_wait3A_1145 : memref<1x1x2048xf32, #tpu.memory_space<hbm>> -> memref<2048xf32, #tpu.memory_space<hbm>>
      %dma_wait3A_1147 = arith.constant 0 : i32
      %dma_wait3A_1148 = tpu.memref_slice %arg5[%add3A_12, %dma_wait3A_1141, %dma_wait3A_1147] : memref<128x16x2048xf32, #tpu.memory_space<hbm>> -> memref<1x1x2048xf32, #tpu.memory_space<hbm>>
      %dma_wait3A_1149 = tpu.memref_squeeze %dma_wait3A_1148 : memref<1x1x2048xf32, #tpu.memory_space<hbm>> -> memref<2048xf32, #tpu.memory_space<hbm>>
      %dma_wait3A_1150 = arith.constant 30720 : i32
      %dma_wait3A_1151 = tpu.memref_slice %arg7[%dma_wait3A_1150] : memref<32768xf32, #tpu.memory_space<vmem>> -> memref<2048xf32, #tpu.memory_space<vmem>>
      tpu.wait_dma2 semaphore(%arg10 : memref<!tpu.dma_semaphore, #tpu.memory_space<semaphore_mem>>) src(%dma_wait3A_1151 : memref<2048xf32, #tpu.memory_space<vmem>>) dst(%dma_wait3A_1149 : memref<2048xf32, #tpu.memory_space<hbm>>)
    }
    %scan3A_10 = arith.constant 4 : i32
    return
  }
}

</mosaic_0001>

<sc_bundles>
// kernel: kernel.3.cloned.1.call-start
scs
__scs_entry_jumppad:
0x0: {  	(pc) =	sbr.rel $0x88, $3  }
0x1: {  	(tag) =	ssettag $0x0;
	lr =	simm.s32 $0x1  }
0x2: {  	[smem:$0x3F9E] =	sst lr;
	_ =	strace $0xD0000000  }
0x3: {  	_ = 	snop  }
0x4: {  	_ = 	snop  }
0x5: {  	_ = 	snop  }
0x6: {  	_ = 	snop  }
0x7: {  	_ = 	snop  }
__scs_overlays_trampoline_lowered:
0x8: {  	[smem:$0x3FAD] =	sst s0  }
0x9: {  	[smem:$0x3FAE] =	sst s1  }
0xa: {  	[smem:$0x3FAF] =	sst s2  }
0xb: {  	[smem:$0x3FB0] =	sst s3  }
0xc: {  	[smem:$0x3FB1] =	sst s4  }
0xd: {  	[smem:$0x3FB2] =	sst s5  }
0xe: {  	[smem:$0x3FB3] =	sst s6  }
0xf: {  	[smem:$0x3FB4] =	sst s7  }
0x10: {  	[smem:$0x3FB5] =	sst s8  }
0x11: {  	[smem:$0x3FB6] =	sst s9;
	s0 =	simm.s32 @!p0 $0x0  }
0x12: {  	s1 =	sld [smem:$0x3F9C];
	s0 =	simm.s32 @p0 $0x1  }
0x13: {  	[smem:$0x3FB7] =	sst s0;
	s0 =	simm.s32 @!p1 $0x0  }
0x14: {  	s2 =	sld [smem:$0x3F9B];
	s0 =	simm.s32 @p1 $0x1  }
0x15: {  	[smem:$0x3FB8] =	sst s0;
	s0 =	simm.s32 @!p2 $0x0  }
0x16: {  	s3 =	sld [smem:$0x3FDB];
	s0 =	simm.s32 @p2 $0x1  }
0x17: {  	s4 =	simm.s32 $0x1BF5;
	[smem:$0x3FBA] =	sst s0  }
0x18: {  	s0 =	sld [smem:$0x3F9D];
	_ =	swait.ge [sflag:s4], $0x0  }
0x19: {  	s7 =	sld [smem:$0x3F9E]  }
0x1a: {  	s8 =	sadd.s32 $0xFFFFE003, lr  }
0x1b: {  	s9 =	sadd.s32 $0xFFFFFEF7, lr;
	s5 =	simm.s32 $0xFFFFFFFF;
	p2 =	slt.u32 s8, $0xFFFFF086  }
0x1c: {  	p1 =	slt.u32 s9, $0xF7A;
	s5 =	simm.s32 @!p2 $0x0  }
0x1d: {  	s5 =	simm.s32 @p1 $0x1;
	p0 =	seq.s32 s7, s2  }
0x1e: {  	s7 =	smul.u32 @!p0 $0xF7A, s2;
	p2 =	seq.s32 @!p0 s5, $0x0  }
0x1f: {  	s9 =	smul.u32 $0xF7A, s1;
	s8 =	simm.s32 @!p0 $0x1BF5;
	p2 =	por !p2, p0  }
0x20: {  	[sflag:s8] =	ssyncset.s32 @!p0 $0xFFFFF086;
	s6 =	sadd.s32 @!p0 s3, s7;
	s7 =	simm.s32 @!p0 $0x108  }
0x21: {  	s3 =	sadd.s32 s3, s9;
	s6 =	sadd.s32 @!p0 $0x88, s6;
	s7 =	simm.s32 @p2 $0x1082  }
0x22: {  	[simem:s7], [sflag:s8] =	dma.local @!p0 [hbm:s6], $0xF7A  }
0x23: {  	s9 =	sor.u32 $0xD0000000, s2;
	s6 =	simm.s32 $0x108;
	_ =	swait.ge @!p0 [sflag:s8], $0x0  }
0x24: {  	s3 =	sadd.s32 $0x88, s3;
	s6 =	simm.s32 @!p1 $0x1082;
	[sflag:s4] =	ssyncset.s32 $0xFFFFF086  }
0x25: {  	[simem:s6], [sflag:s4] =	dma.local [hbm:s3], $0xF7A  }
0x26: {  	[smem:$0x3F9E] =	sst s1;
	(tag) =	ssettag s2;
	_ =	strace s9  }
0x27: {  	s1 =	sld [smem:$0x3FAE]  }
0x28: {  	s2 =	sld [smem:$0x3FAF]  }
0x29: {  	s4 =	sld [smem:$0x3FB1]  }
0x2a: {  	p0 =	seq.s32 s5, $0x0;
	s5 =	sld [smem:$0x3FB2]  }
0x2b: {  	s6 =	sld [smem:$0x3FB3]  }
0x2c: {  	s7 =	sld [smem:$0x3FB4]  }
0x2d: {  	s3 =	simm.s32 $0x108;
	s8 =	sld [smem:$0x3FB5]  }
0x2e: {  	s3 =	simm.s32 @!p0 $0x1082;
	s9 =	sld [smem:$0x3FB6]  }
0x2f: {  	lr =	sadd.s32 s0, s3;
	s0 =	sld [smem:$0x3FAD]  }
0x30: {  	s3 =	sld [smem:$0x3FB0]  }
0x31: {  	[smem:$0x3FB9] =	sst s10  }
0x32: {  	s10 =	sld [smem:$0x3FB7];
	_ =	sdelay $0x3  }
0x33: {  	p0 =	seq.s32 s10, $0x1;
	s10 =	sld [smem:$0x3FB9];
	_ =	sdelay $0x3  }
0x34: {  	[smem:$0x3FB9] =	sst s10  }
0x35: {  	s10 =	sld [smem:$0x3FB8];
	_ =	sdelay $0x3  }
0x36: {  	p1 =	seq.s32 s10, $0x1;
	s10 =	sld [smem:$0x3FB9];
	_ =	sdelay $0x3  }
0x37: {  	[smem:$0x3FB9] =	sst s10  }
0x38: {  	s10 =	sld [smem:$0x3FBA]  }
0x39: {  	_ = 	snop;
	(pc) =	sbr.ind lr, $3  }
0x3a: {  	_ = 	snop  }
0x3b: {  	_ = 	snop  }
0x3c: {  	p2 =	seq.s32 s10, $0x1;
	s10 =	sld [smem:$0x3FB9]  }
0x3d: {  	_ =	shalt  }
0x3e: {  	_ =	shalt  }
0x3f: {  	_ =	shalt  }
0x40: {  	_ =	shalt  }
0x41: {  	_ =	shalt  }
0x42: {  	_ =	shalt  }
0x43: {  	_ =	shalt  }
0x44: {  	_ =	shalt  }
0x45: {  	_ =	shalt  }
0x46: {  	_ =	shalt  }
0x47: {  	_ =	shalt  }
0x48: {  	_ =	shalt  }
0x49: {  	_ =	shalt  }
0x4a: {  	_ =	shalt  }
0x4b: {  	_ =	shalt  }
0x4c: {  	_ =	shalt  }
0x4d: {  	_ =	shalt  }
0x4e: {  	_ =	shalt  }
0x4f: {  	_ =	shalt  }
0x50: {  	_ =	shalt  }
0x51: {  	_ =	shalt  }
0x52: {  	_ =	shalt  }
0x53: {  	_ =	shalt  }
0x54: {  	_ =	shalt  }
0x55: {  	_ =	shalt  }
0x56: {  	_ =	shalt  }
0x57: {  	_ =	shalt  }
0x58: {  	_ =	shalt  }
0x59: {  	_ =	shalt  }
0x5a: {  	_ =	shalt  }
0x5b: {  	_ =	shalt  }
0x5c: {  	_ =	shalt  }
0x5d: {  	_ =	shalt  }
0x5e: {  	_ =	shalt  }
0x5f: {  	_ =	shalt  }
0x60: {  	_ =	shalt  }
0x61: {  	_ =	shalt  }
0x62: {  	_ =	shalt  }
0x63: {  	_ =	shalt  }
0x64: {  	_ =	shalt  }
0x65: {  	_ =	shalt  }
0x66: {  	_ =	shalt  }
0x67: {  	_ =	shalt  }
0x68: {  	_ =	shalt  }
0x69: {  	_ =	shalt  }
0x6a: {  	_ =	shalt  }
0x6b: {  	_ =	shalt  }
0x6c: {  	_ =	shalt  }
0x6d: {  	_ =	shalt  }
0x6e: {  	_ =	shalt  }
0x6f: {  	_ =	shalt  }
0x70: {  	_ =	shalt  }
0x71: {  	_ =	shalt  }
0x72: {  	_ =	shalt  }
0x73: {  	_ =	shalt  }
0x74: {  	_ =	shalt  }
0x75: {  	_ =	shalt  }
0x76: {  	_ =	shalt  }
0x77: {  	_ =	shalt  }
0x78: {  	_ =	shalt  }
0x79: {  	_ =	shalt  }
0x7a: {  	_ =	shalt  }
0x7b: {  	_ =	shalt  }
0x7c: {  	_ =	shalt  }
0x7d: {  	_ =	shalt  }
0x7e: {  	_ =	shalt  }
0x7f: {  	_ =	shalt  }
0x80: {  	_ =	shalt  }
0x81: {  	_ =	shalt  }
0x82: {  	_ =	shalt  }
0x83: {  	_ =	shalt  }
0x84: {  	_ =	shalt  }
0x85: {  	_ =	shalt  }
0x86: {  	_ =	shalt  }
0x87: {  	_ =	shalt  }
.Lfunc_end0:
.L_simem_size_0:
called_computation_lowered:
.L_overlay_start_0:
0x88: {  	s2 =	sld [smem:$0x3FD9]  }
0x89: {  	s3 =	sld [smem:$0x3FFE];
	_ =	sdelay $0x1  }
0x8a: {  	s1 =	srdreg.scid  }
0x8b: {  	s0 =	sand.u32 $0x1, s1  }
0x8c: {  	s17 =	sshll.u32 s0, $0xA;
	s2 =	sadd.s32 s3, s2  }
0x8d: {  	s2 =	sadd.s32 s2, s17  }
0x8e: {  	[smem:$0x3FC5] =	sst s2  }
0x8f: {  	_ = 	snop  }
0x90: {  	s2 =	sld [smem:$0x3FC9]  }
0x91: {  	s18 =	sld [smem:$0x3FC8]  }
0x92: {  	s4 =	sld [smem:$0x3FD0];
	(tm) =	ssettm $0x1  }
0x93: {  	s5 =	sld [smem:$0x3FFB];
	_ =	sdelay $0x3  }
0x94: {  	_ =	strace s5  }
0x95: {  	s5 =	sld [smem:$0x3FFC];
	_ =	sdelay $0x3  }
0x96: {  	_ =	strace s5  }
0x97: {  	s5 =	sld [smem:$0x3FFD];
	_ =	sdelay $0x3  }
0x98: {  	_ =	strace s5  }
0x99: {  	_ =	strace $0x8FFFFFFF  }
0x9a: {  	s19 =	sld [smem:$0x3FDB];
	_ =	sdelay $0x1  }
0x9b: {  	s6 =	simm.s32 $_scs_section_size  }
0x9c: {  	s7 =	simm.s32 $_size__tile_overlayer_lowered;
	s8 =	simm.s32 $_tile_overlayer_lowered  }
0x9d: {  	s22 =	simm.s32 $0x1BFF;
	s21 =	sshll.u32 s8, $0x1;
	s5 =	sadd.s32 s6, s19  }
0x9e: {  	s9 =	simm.s32 $0x0;
	s20 =	sshll.u32 s7, $0x1;
	s7 =	sadd.s32 s21, s5  }
0x9f: {  	[timem:s9], [sflag:s22] =	dma.local [hbm:s7], s20  }
0xa0: {  	_ =	swait.ge [sflag:s22], s20  }
0xa1: {  	s6 =	ssub.s32 $0x0, s20;
	[sflag:s22] =	ssyncset.done $0x0  }
0xa2: {  	[sflag:s22] =	ssyncadd.s32 s6;
	_ =	sdelay $0x1  }
0xa3: {  	s23 =	simm.s32 $0x1B8B  }
0xa4: {  	_ =	swait.ge [sflag:s23], $0x1  }
0xa5: {  	[sflag:s23] =	ssyncset.done $0x0  }
0xa6: {  	s25 =	simm.s32 $0x1B8E;
	s24 =	sld [smem:$0x3FFE];
	[sflag:s23] =	ssyncadd.s32 $0xFFFFFFFF  }
0xa7: {  	s26 =	simm.s32 $execute0_lowered;
	[smem:$0x3FD2] =	sst s25  }
0xa8: {  	s7 =	sshll.u32 s26, $0x1;
	_ =	strace $0x80000046;
	[dreg:$0x1] =	wrdreg $0xFFFFFFFF  }
0xa9: {  	s28 =	simm.s32 $_size_execute0_lowered;
	s5 =	sadd.s32 s5, s7;
	[dreg:$0x0] =	wrdreg $0x0  }
0xaa: {  	s7 =	sshll.u32 s28, $0x1;
	[dreg:$0x2] =	wrdreg s5  }
0xab: {  	[dreg:$0x3] =	wrdreg s7  }
0xac: {  	[dreg:$0x4] =	wrdreg $0xC0  }
0xad: {  	_ =	task [dreg:s9], $0x5FFFF  }
0xae: {  	[dreg:$0x1] =	wrdreg $0xFFFFFFFF  }
0xaf: {  	[dreg:$0x0] =	wrdreg $0x60  }
0xb0: {  	[dreg:$0x2] =	wrdreg s2  }
0xb1: {  	[dreg:$0x3] =	wrdreg s18  }
0xb2: {  	[dreg:$0x4] =	wrdreg s24  }
0xb3: {  	[dreg:$0x5] =	wrdreg s4  }
0xb4: {  	[dreg:$0x6] =	wrdreg $0x9  }
0xb5: {  	_ =	task.clear_ibuf [dreg:s9], $0x7FFFF;
	_ =	strace $0x90000046  }
0xb6: {  	s29 =	simm.s32 $0x9;
	_ =	strace $0x80000048  }
0xb7: {  	_ =	swait.ge [sflag:s29], $0x1  }
0xb8: {  	[sflag:s29] =	ssyncadd.s32 $0xFFFFFFFF  }
0xb9: {  	_ =	strace $0x90000048  }
0xba: {  	_ =	sfence  }
0xbb: {  	s30 =	sld [smem:$0x0];
	_ =	sdelay $0x2  }
0xbc: {  	s31 =	sshll.u32 s1, $0xD;
	s1 =	sshrl.u32 s1, $0x2  }
0xbd: {  	s3 =	sand.u32 $0x4000, s31;
	s1 =	sadd.s32 s1, s30  }
0xbe: {  	s0 =	sor.u32 s3, s0;
	s1 =	sshll.u32 s1, $0x11  }
0xbf: {  	s0 =	sor.u32 s1, s0  }
0xc0: {  	s0 =	sadd.s32 $0x8F2B, s0  }
0xc1: {  	[sflag:s0] =	ssyncadd.remote.s32 $0x1  }
0xc2: {  	_ =	sfence.sel $0xFFFF  }
0xc3: {  	[dreg:$0x0] =	wrdreg $0xFFFFFFFF;
	(pc) =	sbr.abs _section_cstart, $3  }
0xc4: {  	[dreg:$0x1] =	wrdreg $0xFFFFFFFF  }
0xc5: {  	_ =	task.clear_ibuf [dreg:s9], $0x2FFFF;
	_ =	strace $0x9FFFFFFF  }
0xc6: {  	(tm) =	ssettm $0x7FFFFFFF  }
0xc7: {  	_ =	shalt  }
tec
execute0_lowered:
.L_overlay_start_1:
0x0: {  	(tag) =	ssettag $0x1  }
0x1: {  	s1 =	rddreg [dreg:$0x0]  }
0x2: {  	s2 =	rddreg [dreg:$0x1]  }
0x3: {  	s0 =	rddreg [dreg:$0x2]  }
0x4: {  	s4 =	rddreg [dreg:$0x3];
	s5 =	simm.s32 $0x0  }
0x5: {  	s7 =	stileid.u32;
	s3 =	srdreg.scid;
	s9 =	simm.s32 $0x80  }
0x6: {  	s10 =	simm.s32 $0x400;
	s11 =	simm.s32 $0x8000;
	s13 =	simm.s32 $0x9800  }
0x7: {  	s17 =	simm.s32 $0xA000;
	s8 =	simm.s32 $0x1;
	s15 =	simm.s32 $0x2  }
0x8: {  	s26 =	simm.s32 $0xF800;
	[smem:$0x7FF] =	sst s5;
	s29 =	sshll.u32 s7, $0x7  }
0x9: {  	s3 =	sand.u32 $0x1, s3;
	s7 =	sshll.u32 s7, $0x3;
	_ =	strace $0x80000047  }
.Ltmp0:
0xa: {  	s30 =	ssub.s32 $0x2, s3;
	s3 =	sshll.u32 s3, $0x2;
	(pc) =	sbr.rel .LBB2_1-.Ltmp0, $4  }
0xb: {  	s0 =	sadd.s32 s29, s0;
	s6 =	sshrl.u32 s30, $0x1;
	s3 =	sor.u32 s3, s7  }
0xc: {  	s0 =	sadd.s32 $0x400, s0;
	s5 =	ssub.s32 s30, s6;
	[dreg:$0x5] =	wrdreg s3  }
0xd: {  	s7 =	simm.s32 $0x9000;
	[dreg:$0x6] =	wrdreg s0;
	s31 =	smax.u32 s5, $0x1  }
0xe: {  	v0 =	vimm.s32 $0x0;
	v1 =	vlaneseq.u32;
	v2 =	vimm.f32 $1.000000000e+00;
	s6 =	simm.s32 $0x8800;
	s3 =	simm.s32 $0x0;
	[dreg:$0x7] =	wrdreg s31  }
.LBB2_22:
0xf: {  	s3 =	rddreg [dreg:$0x8]  }
0x10: {  	s0 =	rddreg [dreg:$0x7];
	s3 =	sadd.s32 $0x1, s3  }
0x11: {  	p0 =	sne.s32 s3, s0  }
.Ltmp1:
0x12: {  	_ = 	snop;
	(pc) =	sbr.rel @!p0 .LBB2_23-.Ltmp1, $1  }
0x13: {  	_ =	sdelay $0x3  }
.LBB2_1:
.Ltmp2:
0x14: {  	(pc) =	sbr.rel .LBB2_2-.Ltmp2, $2  }
0x15: {  	_ =	sdelay $0x2  }
0x16: {  	[dreg:$0x8] =	wrdreg s3;
	s19 =	simm.s32 $0x0  }
.LBB2_21:
0x17: {  	s0 =	sadd.s32 s4, s23;
	s23 =	rddreg [dreg:$0x9]  }
0x18: {  	[hbm4b:s0+s9] =	stream.strided.scatter [tilespmem:s11], [sflag:$0x2], $0x800, s10, s9, $0x38;
	[tilespmem:$0x10080] =	vst v63  }
0x19: {  	s6 =	simm.s32 $0x8800;
	s25 =	rddreg [dreg:$0xa];
	s0 =	sadd.s32 s4, s23  }
0x1a: {  	[hbm4b:s0+s9] =	stream.strided.scatter [tilespmem:s6], [sflag:$0x2], $0x800, s10, s9, $0x38;
	[tilespmem:$0x10080] =	vst v63  }
0x1b: {  	s7 =	simm.s32 $0x9000;
	s28 =	rddreg [dreg:$0xb];
	s0 =	sadd.s32 s4, s25  }
0x1c: {  	[hbm4b:s0+s9] =	stream.strided.scatter [tilespmem:s7], [sflag:$0x2], $0x800, s10, s9, $0x38;
	[tilespmem:$0x10080] =	vst v63  }
0x1d: {  	s13 =	simm.s32 $0x9800;
	s30 =	rddreg [dreg:$0xc];
	s0 =	sadd.s32 s4, s28  }
0x1e: {  	[hbm4b:s0+s9] =	stream.strided.scatter [tilespmem:s13], [sflag:$0x2], $0x800, s10, s9, $0x38;
	[tilespmem:$0x10080] =	vst v63  }
0x1f: {  	s17 =	simm.s32 $0xA000;
	s3 =	rddreg [dreg:$0xd];
	s0 =	sadd.s32 s4, s30  }
0x20: {  	[hbm4b:s0+s9] =	stream.strided.scatter [tilespmem:s17], [sflag:$0x2], $0x800, s10, s9, $0x38;
	[tilespmem:$0x10080] =	vst v63  }
0x21: {  	s5 =	rddreg [dreg:$0xe];
	s0 =	sadd.s32 s4, s3;
	s3 =	simm.s32 $0xA800  }
0x22: {  	[hbm4b:s0+s9] =	stream.strided.scatter [tilespmem:s3], [sflag:$0x2], $0x800, s10, s9, $0x38;
	[tilespmem:$0x10080] =	vst v63  }
0x23: {  	s21 =	simm.s32 $0xB000;
	s0 =	sadd.s32 s4, s5  }
0x24: {  	[hbm4b:s0+s9] =	stream.strided.scatter [tilespmem:s21], [sflag:$0x2], $0x800, s10, s9, $0x38;
	[tilespmem:$0x10080] =	vst v63  }
0x25: {  	s23 =	sadd.s32 s4, s14;
	s25 =	simm.s32 $0xB800  }
0x26: {  	[hbm4b:s23+s9] =	stream.strided.scatter [tilespmem:s25], [sflag:$0x2], $0x800, s10, s9, $0x38;
	[tilespmem:$0x10080] =	vst v63  }
0x27: {  	s28 =	sadd.s32 s4, s16;
	s30 =	simm.s32 $0xC000  }
0x28: {  	[hbm4b:s28+s9] =	stream.strided.scatter [tilespmem:s30], [sflag:$0x2], $0x800, s10, s9, $0x38;
	[tilespmem:$0x10080] =	vst v63  }
0x29: {  	s14 =	simm.s32 $0xC800;
	s5 =	sadd.s32 s4, s18  }
0x2a: {  	[hbm4b:s5+s9] =	stream.strided.scatter [tilespmem:s14], [sflag:$0x2], $0x800, s10, s9, $0x38;
	[tilespmem:$0x10080] =	vst v63  }
0x2b: {  	s16 =	sadd.s32 s4, s20;
	s18 =	simm.s32 $0xD000  }
0x2c: {  	[hbm4b:s16+s9] =	stream.strided.scatter [tilespmem:s18], [sflag:$0x2], $0x800, s10, s9, $0x38;
	[tilespmem:$0x10080] =	vst v63  }
0x2d: {  	s20 =	sadd.s32 s4, s22;
	s21 =	simm.s32 $0xD800  }
0x2e: {  	[hbm4b:s20+s9] =	stream.strided.scatter [tilespmem:s21], [sflag:$0x2], $0x800, s10, s9, $0x38;
	[tilespmem:$0x10080] =	vst v63  }
0x2f: {  	s22 =	sadd.s32 s4, s24;
	s23 =	simm.s32 $0xE000  }
0x30: {  	[hbm4b:s22+s9] =	stream.strided.scatter [tilespmem:s23], [sflag:$0x2], $0x800, s10, s9, $0x38;
	[tilespmem:$0x10080] =	vst v63  }
0x31: {  	s24 =	sadd.s32 s4, s12;
	s25 =	simm.s32 $0xE800  }
0x32: {  	[hbm4b:s24+s9] =	stream.strided.scatter [tilespmem:s25], [sflag:$0x2], $0x800, s10, s9, $0x38;
	[tilespmem:$0x10080] =	vst v63  }
0x33: {  	s28 =	sadd.s32 s4, s29;
	s29 =	simm.s32 $0xF000  }
0x34: {  	[hbm4b:s28+s9] =	stream.strided.scatter [tilespmem:s29], [sflag:$0x2], $0x800, s10, s9, $0x38;
	[tilespmem:$0x10080] =	vst v63  }
0x35: {  	s30 =	sadd.s32 s4, s31;
	s31 =	simm.s32 $0xF800  }
0x36: {  	[hbm4b:s30+s9] =	stream.strided.scatter [tilespmem:s31], [sflag:$0x2], $0x800, s10, s9, $0x38;
	[tilespmem:$0x10080] =	vst v63  }
0x37: {  	_ =	swait.ge [sflag:s15], $0x800  }
0x38: {  	[sflag:s15] =	ssyncset.done $0x0  }
0x39: {  	[sflag:s15] =	ssyncadd.s32 $0xFFFFF800  }
0x3a: {  	_ =	swait.ge [sflag:s15], $0x800  }
0x3b: {  	[sflag:s15] =	ssyncset.done $0x0  }
0x3c: {  	[sflag:s15] =	ssyncadd.s32 $0xFFFFF800  }
0x3d: {  	_ =	swait.ge [sflag:s15], $0x800  }
0x3e: {  	[sflag:s15] =	ssyncset.done $0x0  }
0x3f: {  	[sflag:s15] =	ssyncadd.s32 $0xFFFFF800  }
0x40: {  	_ =	swait.ge [sflag:s15], $0x800  }
0x41: {  	[sflag:s15] =	ssyncset.done $0x0  }
0x42: {  	[sflag:s15] =	ssyncadd.s32 $0xFFFFF800  }
0x43: {  	_ =	swait.ge [sflag:s15], $0x800  }
0x44: {  	[sflag:s15] =	ssyncset.done $0x0  }
0x45: {  	[sflag:s15] =	ssyncadd.s32 $0xFFFFF800  }
0x46: {  	_ =	swait.ge [sflag:s15], $0x800  }
0x47: {  	[sflag:s15] =	ssyncset.done $0x0  }
0x48: {  	[sflag:s15] =	ssyncadd.s32 $0xFFFFF800  }
0x49: {  	_ =	swait.ge [sflag:s15], $0x800  }
0x4a: {  	[sflag:s15] =	ssyncset.done $0x0  }
0x4b: {  	[sflag:s15] =	ssyncadd.s32 $0xFFFFF800  }
0x4c: {  	_ =	swait.ge [sflag:s15], $0x800  }
0x4d: {  	[sflag:s15] =	ssyncset.done $0x0  }
0x4e: {  	[sflag:s15] =	ssyncadd.s32 $0xFFFFF800  }
0x4f: {  	_ =	swait.ge [sflag:s15], $0x800  }
0x50: {  	[sflag:s15] =	ssyncset.done $0x0  }
0x51: {  	[sflag:s15] =	ssyncadd.s32 $0xFFFFF800  }
0x52: {  	_ =	swait.ge [sflag:s15], $0x800  }
0x53: {  	[sflag:s15] =	ssyncset.done $0x0  }
0x54: {  	[sflag:s15] =	ssyncadd.s32 $0xFFFFF800  }
0x55: {  	_ =	swait.ge [sflag:s15], $0x800  }
0x56: {  	[sflag:s15] =	ssyncset.done $0x0  }
0x57: {  	[sflag:s15] =	ssyncadd.s32 $0xFFFFF800  }
0x58: {  	_ =	swait.ge [sflag:s15], $0x800  }
0x59: {  	[sflag:s15] =	ssyncset.done $0x0  }
0x5a: {  	[sflag:s15] =	ssyncadd.s32 $0xFFFFF800  }
0x5b: {  	_ =	swait.ge [sflag:s15], $0x800  }
0x5c: {  	[sflag:s15] =	ssyncset.done $0x0  }
0x5d: {  	[sflag:s15] =	ssyncadd.s32 $0xFFFFF800  }
0x5e: {  	_ =	swait.ge [sflag:s15], $0x800  }
0x5f: {  	[sflag:s15] =	ssyncset.done $0x0  }
0x60: {  	s19 =	sadd.s32 $0x1, s19;
	[sflag:s15] =	ssyncadd.s32 $0xFFFFF800  }
0x61: {  	p0 =	sne.s32 s19, $0x4;
	_ =	swait.ge [sflag:s15], $0x800  }
.Ltmp3:
0x62: {  	[sflag:s15] =	ssyncset.done $0x0;
	(pc) =	sbr.rel @!p0 .LBB2_22-.Ltmp3, $4  }
0x63: {  	[sflag:s15] =	ssyncadd.s32 $0xFFFFF800  }
0x64: {  	_ =	swait.ge [sflag:s15], $0x800  }
0x65: {  	[sflag:s15] =	ssyncset.done $0x0  }
0x66: {  	[sflag:s15] =	ssyncadd.s32 $0xFFFFF800  }
.LBB2_2:
0x67: {  	s0 =	rddreg [dreg:$0x5]  }
0x68: {  	s3 =	sadd.s32 s0, s19  }
0x69: {  	s23 =	sshll.u32 s3, $0xC  }
0x6a: {  	s5 =	sadd.s32 s1, s23  }
0x6b: {  	[tilespmem:s11], [sflag:$0x1] =	stream.strided.gather [hbm4b:s5+s9], $0x800, s10, s9, $0x38;
	[tilespmem:$0x10080] =	vst v63  }
0x6c: {  	s0 =	simm.s32 $0x0;
	s12 =	sadd.s32 s2, s23  }
0x6d: {  	[tilespmem:s0], [sflag:$0x1] =	stream.strided.gather [hbm4b:s12+s9], $0x800, s10, s9, $0x38;
	[tilespmem:$0x10080] =	vst v63  }
0x6e: {  	s12 =	sor.u32 $0x10, s23  }
0x6f: {  	s5 =	sadd.s32 s1, s12  }
0x70: {  	[tilespmem:s6], [sflag:$0x1] =	stream.strided.gather [hbm4b:s5+s9], $0x800, s10, s9, $0x38;
	[tilespmem:$0x10080] =	vst v63  }
0x71: {  	[dreg:$0x9] =	wrdreg s12;
	s6 =	sadd.s32 s2, s12;
	s12 =	simm.s32 $0x800  }
0x72: {  	[tilespmem:s12], [sflag:$0x1] =	stream.strided.gather [hbm4b:s6+s9], $0x800, s10, s9, $0x38;
	[tilespmem:$0x10080] =	vst v63  }
0x73: {  	s6 =	sor.u32 $0x20, s23  }
0x74: {  	s12 =	sadd.s32 s1, s6  }
0x75: {  	[tilespmem:s7], [sflag:$0x1] =	stream.strided.gather [hbm4b:s12+s9], $0x800, s10, s9, $0x38;
	[tilespmem:$0x10080] =	vst v63  }
0x76: {  	s7 =	sadd.s32 s2, s6;
	s12 =	simm.s32 $0x1000  }
0x77: {  	[tilespmem:s12], [sflag:$0x1] =	stream.strided.gather [hbm4b:s7+s9], $0x800, s10, s9, $0x38;
	[tilespmem:$0x10080] =	vst v63  }
0x78: {  	s7 =	sor.u32 $0x30, s23  }
0x79: {  	s12 =	sadd.s32 s1, s7;
	[dreg:$0xb] =	wrdreg s7  }
0x7a: {  	[tilespmem:s13], [sflag:$0x1] =	stream.strided.gather [hbm4b:s12+s9], $0x800, s10, s9, $0x38;
	[tilespmem:$0x10080] =	vst v63  }
0x7b: {  	s5 =	sadd.s32 s2, s7;
	s7 =	simm.s32 $0x1800;
	s12 =	sor.u32 $0x40, s23  }
0x7c: {  	[tilespmem:s7], [sflag:$0x1] =	stream.strided.gather [hbm4b:s5+s9], $0x800, s10, s9, $0x38;
	[tilespmem:$0x10080] =	vst v63  }
0x7d: {  	[dreg:$0xa] =	wrdreg s6;
	s13 =	sadd.s32 s1, s12  }
0x7e: {  	[tilespmem:s17], [sflag:$0x1] =	stream.strided.gather [hbm4b:s13+s9], $0x800, s10, s9, $0x38;
	[tilespmem:$0x10080] =	vst v63  }
0x7f: {  	s6 =	simm.s32 $0x2000;
	s5 =	sadd.s32 s2, s12;
	s7 =	sor.u32 $0x50, s23  }
0x80: {  	[tilespmem:s6], [sflag:$0x1] =	stream.strided.gather [hbm4b:s5+s9], $0x800, s10, s9, $0x38;
	[tilespmem:$0x10080] =	vst v63  }
0x81: {  	s14 =	simm.s32 $0xA800;
	s13 =	sadd.s32 s1, s7  }
0x82: {  	[tilespmem:s14], [sflag:$0x1] =	stream.strided.gather [hbm4b:s13+s9], $0x800, s10, s9, $0x38;
	[tilespmem:$0x10080] =	vst v63  }
0x83: {  	s17 =	simm.s32 $0x2800;
	s6 =	sor.u32 $0x60, s23;
	s14 =	sadd.s32 s2, s7  }
0x84: {  	[tilespmem:s17], [sflag:$0x1] =	stream.strided.gather [hbm4b:s14+s9], $0x800, s10, s9, $0x38;
	[tilespmem:$0x10080] =	vst v63  }
0x85: {  	s16 =	simm.s32 $0xB000;
	[dreg:$0xd] =	wrdreg s7;
	s7 =	sadd.s32 s1, s6  }
0x86: {  	[tilespmem:s16], [sflag:$0x1] =	stream.strided.gather [hbm4b:s7+s9], $0x800, s10, s9, $0x38;
	[tilespmem:$0x10080] =	vst v63  }
0x87: {  	[dreg:$0xc] =	wrdreg s12;
	s12 =	sadd.s32 s2, s6;
	s14 =	simm.s32 $0x3000  }
0x88: {  	[tilespmem:s14], [sflag:$0x1] =	stream.strided.gather [hbm4b:s12+s9], $0x800, s10, s9, $0x38;
	[tilespmem:$0x10080] =	vst v63  }
0x89: {  	s14 =	sor.u32 $0x70, s23  }
0x8a: {  	s18 =	simm.s32 $0xB800;
	s16 =	sadd.s32 s1, s14  }
0x8b: {  	[tilespmem:s18], [sflag:$0x1] =	stream.strided.gather [hbm4b:s16+s9], $0x800, s10, s9, $0x38;
	[tilespmem:$0x10080] =	vst v63  }
0x8c: {  	s17 =	sadd.s32 s2, s14;
	s18 =	simm.s32 $0x3800;
	s16 =	sor.u32 $0x800, s23  }
0x8d: {  	[tilespmem:s18], [sflag:$0x1] =	stream.strided.gather [hbm4b:s17+s9], $0x800, s10, s9, $0x38;
	[tilespmem:$0x10080] =	vst v63  }
0x8e: {  	s20 =	simm.s32 $0xC000;
	[dreg:$0xe] =	wrdreg s6;
	s5 =	sadd.s32 s1, s16  }
0x8f: {  	[tilespmem:s20], [sflag:$0x1] =	stream.strided.gather [hbm4b:s5+s9], $0x800, s10, s9, $0x38;
	[tilespmem:$0x10080] =	vst v63  }
0x90: {  	s7 =	simm.s32 $0x4000;
	s6 =	sadd.s32 s2, s16;
	s18 =	sor.u32 $0x810, s23  }
0x91: {  	[tilespmem:s7], [sflag:$0x1] =	stream.strided.gather [hbm4b:s6+s9], $0x800, s10, s9, $0x38;
	[tilespmem:$0x10080] =	vst v63  }
0x92: {  	s21 =	simm.s32 $0xC800;
	s12 =	sadd.s32 s1, s18  }
0x93: {  	[tilespmem:s21], [sflag:$0x1] =	stream.strided.gather [hbm4b:s12+s9], $0x800, s10, s9, $0x38;
	[tilespmem:$0x10080] =	vst v63  }
0x94: {  	s17 =	sadd.s32 s2, s18;
	s20 =	simm.s32 $0x4800  }
0x95: {  	[tilespmem:s20], [sflag:$0x1] =	stream.strided.gather [hbm4b:s17+s9], $0x800, s10, s9, $0x38;
	[tilespmem:$0x10080] =	vst v63  }
0x96: {  	s20 =	sor.u32 $0x820, s23  }
0x97: {  	s22 =	simm.s32 $0xD000;
	s21 =	sadd.s32 s1, s20  }
0x98: {  	[tilespmem:s22], [sflag:$0x1] =	stream.strided.gather [hbm4b:s21+s9], $0x800, s10, s9, $0x38;
	[tilespmem:$0x10080] =	vst v63  }
0x99: {  	s6 =	simm.s32 $0x5000;
	s5 =	sadd.s32 s2, s20;
	s22 =	sor.u32 $0x830, s23  }
0x9a: {  	[tilespmem:s6], [sflag:$0x1] =	stream.strided.gather [hbm4b:s5+s9], $0x800, s10, s9, $0x38;
	[tilespmem:$0x10080] =	vst v63  }
0x9b: {  	s24 =	simm.s32 $0xD800;
	s7 =	sadd.s32 s1, s22  }
0x9c: {  	[tilespmem:s24], [sflag:$0x1] =	stream.strided.gather [hbm4b:s7+s9], $0x800, s10, s9, $0x38;
	[tilespmem:$0x10080] =	vst v63  }
0x9d: {  	s17 =	simm.s32 $0x5800;
	s12 =	sadd.s32 s2, s22;
	s24 =	sor.u32 $0x840, s23  }
0x9e: {  	[tilespmem:s17], [sflag:$0x1] =	stream.strided.gather [hbm4b:s12+s9], $0x800, s10, s9, $0x38;
	[tilespmem:$0x10080] =	vst v63  }
0x9f: {  	s25 =	simm.s32 $0xE000;
	s21 =	sadd.s32 s1, s24  }
0xa0: {  	[tilespmem:s25], [sflag:$0x1] =	stream.strided.gather [hbm4b:s21+s9], $0x800, s10, s9, $0x38;
	[tilespmem:$0x10080] =	vst v63  }
0xa1: {  	s6 =	simm.s32 $0x6000;
	s5 =	sadd.s32 s2, s24;
	s12 =	sor.u32 $0x850, s23  }
0xa2: {  	[tilespmem:s6], [sflag:$0x1] =	stream.strided.gather [hbm4b:s5+s9], $0x800, s10, s9, $0x38;
	[tilespmem:$0x10080] =	vst v63  }
0xa3: {  	s28 =	simm.s32 $0xE800;
	s7 =	sadd.s32 s1, s12  }
0xa4: {  	[tilespmem:s28], [sflag:$0x1] =	stream.strided.gather [hbm4b:s7+s9], $0x800, s10, s9, $0x38;
	[tilespmem:$0x10080] =	vst v63  }
0xa5: {  	s29 =	sor.u32 $0x860, s23;
	s17 =	sadd.s32 s2, s12;
	s21 =	simm.s32 $0x6800  }
0xa6: {  	[tilespmem:s21], [sflag:$0x1] =	stream.strided.gather [hbm4b:s17+s9], $0x800, s10, s9, $0x38;
	[tilespmem:$0x10080] =	vst v63  }
0xa7: {  	s30 =	simm.s32 $0xF000;
	s3 =	sshll.u32 s3, $0x4;
	s25 =	sadd.s32 s1, s29  }
0xa8: {  	[tilespmem:s30], [sflag:$0x1] =	stream.strided.gather [hbm4b:s25+s9], $0x800, s10, s9, $0x38;
	[tilespmem:$0x10080] =	vst v63  }
0xa9: {  	s31 =	sor.u32 $0x870, s23;
	s28 =	sadd.s32 s2, s29;
	s30 =	simm.s32 $0x7000  }
0xaa: {  	[tilespmem:s30], [sflag:$0x1] =	stream.strided.gather [hbm4b:s28+s9], $0x800, s10, s9, $0x38;
	[tilespmem:$0x10080] =	vst v63  }
0xab: {  	s3 =	sand.u32 $0x70, s3;
	s6 =	sadd.s32 s1, s31  }
0xac: {  	[tilespmem:s26], [sflag:$0x1] =	stream.strided.gather [hbm4b:s6+s9], $0x800, s10, s9, $0x38;
	[tilespmem:$0x10080] =	vst v63  }
0xad: {  	s7 =	sadd.s32 s2, s31;
	s17 =	simm.s32 $0x7800;
	s21 =	rddreg [dreg:$0x6]  }
0xae: {  	[tilespmem:s17], [sflag:$0x1] =	stream.strided.gather [hbm4b:s7+s9], $0x800, s10, s9, $0x38;
	[tilespmem:$0x10080] =	vst v63  }
0xaf: {  	s3 =	sadd.s32 s3, s21;
	s25 =	simm.s32 $0x10000;
	s28 =	simm.s32 $0x3  }
0xb0: {  	[tilespmem:s25], [sflag:$0x3] =	stream.linear.gather [hbm4b:s3+s0], $0x80, $0x38;
	[tilespmem:$0x10080] =	vst v63  }
0xb1: {  	_ =	swait.ge [sflag:s28], $0x80  }
0xb2: {  	[sflag:s28] =	ssyncset.done $0x0  }
0xb3: {  	[sflag:s28] =	ssyncadd.s32 $0xFFFFFF80  }
0xb4: {  	_ =	swait.ge [sflag:s8], $0x800  }
0xb5: {  	[sflag:s8] =	ssyncset.done $0x0  }
0xb6: {  	[sflag:s8] =	ssyncadd.s32 $0xFFFFF800  }
0xb7: {  	_ =	swait.ge [sflag:s8], $0x800  }
0xb8: {  	[sflag:s8] =	ssyncset.done $0x0  }
0xb9: {  	[sflag:s8] =	ssyncadd.s32 $0xFFFFF800  }
0xba: {  	_ =	swait.ge [sflag:s8], $0x800  }
0xbb: {  	[sflag:s8] =	ssyncset.done $0x0  }
0xbc: {  	[sflag:s8] =	ssyncadd.s32 $0xFFFFF800  }
0xbd: {  	_ =	swait.ge [sflag:s8], $0x800  }
0xbe: {  	[sflag:s8] =	ssyncset.done $0x0  }
0xbf: {  	[sflag:s8] =	ssyncadd.s32 $0xFFFFF800  }
0xc0: {  	_ =	swait.ge [sflag:s8], $0x800  }
0xc1: {  	[sflag:s8] =	ssyncset.done $0x0  }
0xc2: {  	[sflag:s8] =	ssyncadd.s32 $0xFFFFF800  }
0xc3: {  	_ =	swait.ge [sflag:s8], $0x800  }
0xc4: {  	[sflag:s8] =	ssyncset.done $0x0  }
0xc5: {  	[sflag:s8] =	ssyncadd.s32 $0xFFFFF800  }
0xc6: {  	_ =	swait.ge [sflag:s8], $0x800  }
0xc7: {  	[sflag:s8] =	ssyncset.done $0x0  }
0xc8: {  	[sflag:s8] =	ssyncadd.s32 $0xFFFFF800  }
0xc9: {  	_ =	swait.ge [sflag:s8], $0x800  }
0xca: {  	[sflag:s8] =	ssyncset.done $0x0  }
0xcb: {  	[sflag:s8] =	ssyncadd.s32 $0xFFFFF800  }
0xcc: {  	_ =	swait.ge [sflag:s8], $0x800  }
0xcd: {  	[sflag:s8] =	ssyncset.done $0x0  }
0xce: {  	[sflag:s8] =	ssyncadd.s32 $0xFFFFF800  }
0xcf: {  	_ =	swait.ge [sflag:s8], $0x800  }
0xd0: {  	[sflag:s8] =	ssyncset.done $0x0  }
0xd1: {  	[sflag:s8] =	ssyncadd.s32 $0xFFFFF800  }
0xd2: {  	_ =	swait.ge [sflag:s8], $0x800  }
0xd3: {  	[sflag:s8] =	ssyncset.done $0x0  }
0xd4: {  	[sflag:s8] =	ssyncadd.s32 $0xFFFFF800  }
0xd5: {  	_ =	swait.ge [sflag:s8], $0x800  }
0xd6: {  	[sflag:s8] =	ssyncset.done $0x0  }
0xd7: {  	[sflag:s8] =	ssyncadd.s32 $0xFFFFF800  }
0xd8: {  	_ =	swait.ge [sflag:s8], $0x800  }
0xd9: {  	[sflag:s8] =	ssyncset.done $0x0  }
0xda: {  	[sflag:s8] =	ssyncadd.s32 $0xFFFFF800  }
0xdb: {  	_ =	swait.ge [sflag:s8], $0x800  }
0xdc: {  	[sflag:s8] =	ssyncset.done $0x0  }
0xdd: {  	[sflag:s8] =	ssyncadd.s32 $0xFFFFF800  }
0xde: {  	_ =	swait.ge [sflag:s8], $0x800  }
0xdf: {  	[sflag:s8] =	ssyncset.done $0x0  }
0xe0: {  	[sflag:s8] =	ssyncadd.s32 $0xFFFFF800  }
0xe1: {  	_ =	swait.ge [sflag:s8], $0x800  }
0xe2: {  	[sflag:s8] =	ssyncset.done $0x0  }
0xe3: {  	[sflag:s8] =	ssyncadd.s32 $0xFFFFF800  }
0xe4: {  	_ =	swait.ge [sflag:s8], $0x800  }
0xe5: {  	[sflag:s8] =	ssyncset.done $0x0  }
0xe6: {  	[sflag:s8] =	ssyncadd.s32 $0xFFFFF800  }
0xe7: {  	_ =	swait.ge [sflag:s8], $0x800  }
0xe8: {  	[sflag:s8] =	ssyncset.done $0x0  }
0xe9: {  	[sflag:s8] =	ssyncadd.s32 $0xFFFFF800  }
0xea: {  	_ =	swait.ge [sflag:s8], $0x800  }
0xeb: {  	[sflag:s8] =	ssyncset.done $0x0  }
0xec: {  	[sflag:s8] =	ssyncadd.s32 $0xFFFFF800  }
0xed: {  	_ =	swait.ge [sflag:s8], $0x800  }
0xee: {  	[sflag:s8] =	ssyncset.done $0x0  }
0xef: {  	[sflag:s8] =	ssyncadd.s32 $0xFFFFF800  }
0xf0: {  	_ =	swait.ge [sflag:s8], $0x800  }
0xf1: {  	[sflag:s8] =	ssyncset.done $0x0  }
0xf2: {  	[sflag:s8] =	ssyncadd.s32 $0xFFFFF800  }
0xf3: {  	_ =	swait.ge [sflag:s8], $0x800  }
0xf4: {  	[sflag:s8] =	ssyncset.done $0x0  }
0xf5: {  	[sflag:s8] =	ssyncadd.s32 $0xFFFFF800  }
0xf6: {  	_ =	swait.ge [sflag:s8], $0x800  }
0xf7: {  	[sflag:s8] =	ssyncset.done $0x0  }
0xf8: {  	[sflag:s8] =	ssyncadd.s32 $0xFFFFF800  }
0xf9: {  	_ =	swait.ge [sflag:s8], $0x800  }
0xfa: {  	[sflag:s8] =	ssyncset.done $0x0  }
0xfb: {  	[sflag:s8] =	ssyncadd.s32 $0xFFFFF800  }
0xfc: {  	_ =	swait.ge [sflag:s8], $0x800  }
0xfd: {  	[sflag:s8] =	ssyncset.done $0x0  }
0xfe: {  	[sflag:s8] =	ssyncadd.s32 $0xFFFFF800  }
0xff: {  	_ =	swait.ge [sflag:s8], $0x800  }
0x100: {  	[sflag:s8] =	ssyncset.done $0x0  }
0x101: {  	[sflag:s8] =	ssyncadd.s32 $0xFFFFF800  }
0x102: {  	_ =	swait.ge [sflag:s8], $0x800  }
0x103: {  	[sflag:s8] =	ssyncset.done $0x0  }
0x104: {  	[sflag:s8] =	ssyncadd.s32 $0xFFFFF800  }
0x105: {  	_ =	swait.ge [sflag:s8], $0x800  }
0x106: {  	[sflag:s8] =	ssyncset.done $0x0  }
0x107: {  	[sflag:s8] =	ssyncadd.s32 $0xFFFFF800  }
0x108: {  	_ =	swait.ge [sflag:s8], $0x800  }
0x109: {  	[sflag:s8] =	ssyncset.done $0x0  }
0x10a: {  	[sflag:s8] =	ssyncadd.s32 $0xFFFFF800  }
0x10b: {  	_ =	swait.ge [sflag:s8], $0x800  }
0x10c: {  	[sflag:s8] =	ssyncset.done $0x0  }
0x10d: {  	[sflag:s8] =	ssyncadd.s32 $0xFFFFF800  }
0x10e: {  	_ =	swait.ge [sflag:s8], $0x800  }
0x10f: {  	[sflag:s8] =	ssyncset.done $0x0  }
0x110: {  	[sflag:s8] =	ssyncadd.s32 $0xFFFFF800  }
0x111: {  	_ =	swait.ge [sflag:s8], $0x800  }
0x112: {  	[sflag:s8] =	ssyncset.done $0x0  }
0x113: {  	[sflag:s8] =	ssyncadd.s32 $0xFFFFF800  }
0x114: {  	s30 =	simm.s32 $0x8040;
	v3 =	vld [tilespmem:$0x10000]  }
0x115: {  	s3 =	simm.s32 $0x40;
	v7 =	vld [tilespmem:s30+$0x30]  }
0x116: {  	v8 =	vld [tilespmem:s3+$0x30]  }
0x117: {  	v9 =	vld [tilespmem:s30+$0x20]  }
0x118: {  	v10 =	vld [tilespmem:s3+$0x20]  }
0x119: {  	v11 =	vld [tilespmem:s30+$0x10]  }
0x11a: {  	v12 =	vld [tilespmem:s3+$0x10]  }
0x11b: {  	v13 =	vld [tilespmem:s30+$0x0]  }
0x11c: {  	v14 =	vld [tilespmem:s3+$0x0]  }
0x11d: {  	v15 =	vld [tilespmem:s30+$0xFFFFFFF0]  }
0x11e: {  	v17 =	vld [tilespmem:s3+$0xFFFFFFF0]  }
0x11f: {  	v16 =	vld [tilespmem:s30+$0xFFFFFFE0]  }
0x120: {  	v18 =	vld [tilespmem:s3+$0xFFFFFFE0]  }
0x121: {  	v19 =	vld [tilespmem:s30+$0xFFFFFFD0]  }
0x122: {  	v20 =	vld [tilespmem:s3+$0xFFFFFFD0]  }
0x123: {  	v21 =	vld [tilespmem:s30+$0xFFFFFFC0]  }
0x124: {  	v22 =	vld [tilespmem:s3+$0xFFFFFFC0];
	v4 =	vsub.f32 $9.800000190e-01, v3;
	v6 =	vsub.f32 $1.019999980e+00, v3;
	vm0 =	vgt.f32 v9, $0.0e+00  }
0x125: {  	vm1 =	vgt.f32 v7, $0.0e+00;
	vm2 =	vgt.f32 v13, $0.0e+00;
	vm3 =	vgt.f32 v11, $0.0e+00  }
0x126: {  	v8 =	vmul.f32 v8, v7;
	vm4 =	vgt.f32 v15, $0.0e+00;
	v23 =	vmul.f32 v12, v11  }
0x127: {  	v9 =	vmul.f32 v10, v9;
	vm5 =	vgt.f32 v19, $0.0e+00;
	v24 =	vmul.f32 v14, v13  }
0x128: {  	vm6 =	vgt.f32 v16, $0.0e+00;
	v16 =	vmul.f32 v18, v16;
	v25 =	vmul.f32 v17, v15  }
0x129: {  	vm7 =	vgt.f32 v21, $0.0e+00;
	v17 =	vmul.f32 v22, v21;
	v18 =	vmul.f32 v20, v19  }
0x12a: {  	v7 =	vsel vm1, $0x1, v0;
	v12 =	vsel vm2, $0x1, v0;
	v11 =	vsel vm3, $0x1, v0;
	[tilespmem:s3+$0x30] =	vst v8  }
0x12b: {  	v10 =	vsel vm0, $0x1, v0;
	v15 =	vsel vm5, $0x1, v0;
	v14 =	vsel vm6, $0x1, v0;
	[tilespmem:s3+$0x10] =	vst v23  }
0x12c: {  	v13 =	vsel vm4, $0x1, v0;
	v19 =	vsel vm7, $0x1, v0;
	v5 =	vmax.f32 v4, $0.0e+00;
	[tilespmem:s3+$0x0] =	vst v24  }
0x12d: {  	v6 =	vmin.f32 v6, $1.000000000e+00;
	v4 =	vimm.s32 $0x0;
	[tilespmem:s3+$0xFFFFFFE0] =	vst v16;
	vm4 =	vge.s32 v8, v5  }
0x12e: {  	[tilespmem:s3+$0xFFFFFFC0] =	vst v17;
	vm0 =	vge.s32 v8, v6;
	vm2 =	vge.s32 v23, v5;
	vm6 =	vge.s32 v9, v5  }
0x12f: {  	[tilespmem:s3+$0xFFFFFFD0] =	vst v18;
	vm8 =	vge.s32 v9, v6;
	vm5 =	vge.s32 v24, v5;
	vm1 =	vge.s32 v24, v6  }
0x130: {  	[tilespmem:s3+$0xFFFFFFF0] =	vst v25;
	vm7 =	vge.s32 v23, v6;
	vm3 =	vge.s32 v16, v5;
	vm9 =	vge.s32 v25, v5  }
0x131: {  	s13 =	simm.s32 $0x0;
	s17 =	simm.s32 $0x80C0;
	[tilespmem:s3+$0x20] =	vst v9;
	vm10 =	vge.s32 v25, v6;
	v9 =	vimm.s32 $0x0;
	v8 =	vimm.s32 $0x0  }
.LBB2_3:
0x132: {  	v20 =	vld [tilespmem:s17+$0x30];
	vm11 =	vge.s32 v18, v5;
	vm12 =	vge.s32 v18, v6;
	vm13 =	vge.s32 v16, v6;
	s3 =	sadd.s32 $0x80, s3  }
0x133: {  	vm14 =	vge.s32 v17, v5;
	vm15 =	vge.s32 v17, v6;
	v17 =	vsel vm4, $0x1, v0;
	v16 =	vld [tilespmem:s3+$0x30]  }
0x134: {  	v21 =	vsel vm6, $0x1, v0;
	v22 =	vsel vm8, $0x1, v0;
	v23 =	vsel vm0, $0x1, v0;
	v18 =	vld [tilespmem:s17+$0x20]  }
0x135: {  	v25 =	vsel vm5, $0x1, v0;
	v26 =	vsel vm2, $0x1, v0;
	v27 =	vsel vm7, $0x1, v0;
	v24 =	vld [tilespmem:s3+$0x20]  }
0x136: {  	v29 =	vsel vm9, $0x1, v0;
	v30 =	vsel vm10, $0x1, v0;
	v31 =	vsel vm1, $0x1, v0;
	v28 =	vld [tilespmem:s17+$0x10]  }
0x137: {  	v34 =	vsel vm3, $0x1, v0;
	v33 =	vsel vm11, $0x1, v0;
	v35 =	vsel vm13, $0x1, v0;
	v32 =	vld [tilespmem:s3+$0x10]  }
0x138: {  	v37 =	vsel vm14, $0x1, v0;
	v38 =	vsel vm15, $0x1, v0;
	v39 =	vsel vm12, $0x1, v0;
	v36 =	vld [tilespmem:s17+$0x0]  }
0x139: {  	v4 =	vadd.s32 v19, v4;
	v9 =	vadd.s32 v37, v9;
	v8 =	vadd.s32 v38, v8;
	v40 =	vld [tilespmem:s3+$0x0]  }
0x13a: {  	v4 =	vadd.s32 v15, v4;
	v9 =	vadd.s32 v33, v9;
	v8 =	vadd.s32 v39, v8;
	v19 =	vld [tilespmem:s17+$0xFFFFFFF0]  }
0x13b: {  	v4 =	vadd.s32 v14, v4;
	v9 =	vadd.s32 v34, v9;
	v8 =	vadd.s32 v35, v8;
	v15 =	vld [tilespmem:s3+$0xFFFFFFF0]  }
0x13c: {  	v4 =	vadd.s32 v13, v4;
	v9 =	vadd.s32 v29, v9;
	v8 =	vadd.s32 v30, v8;
	v14 =	vld [tilespmem:s17+$0xFFFFFFE0]  }
0x13d: {  	v4 =	vadd.s32 v12, v4;
	v9 =	vadd.s32 v25, v9;
	v8 =	vadd.s32 v31, v8;
	v13 =	vld [tilespmem:s3+$0xFFFFFFE0]  }
0x13e: {  	v4 =	vadd.s32 v11, v4;
	v9 =	vadd.s32 v26, v9;
	v8 =	vadd.s32 v27, v8;
	v12 =	vld [tilespmem:s17+$0xFFFFFFD0]  }
0x13f: {  	v4 =	vadd.s32 v10, v4;
	v9 =	vadd.s32 v21, v9;
	v8 =	vadd.s32 v22, v8;
	v11 =	vld [tilespmem:s3+$0xFFFFFFD0]  }
0x140: {  	v4 =	vadd.s32 v7, v4;
	v9 =	vadd.s32 v17, v9;
	v8 =	vadd.s32 v23, v8;
	v10 =	vld [tilespmem:s17+$0xFFFFFFC0]  }
0x141: {  	vm1 =	vgt.f32 v20, $0.0e+00;
	vm0 =	vgt.f32 v18, $0.0e+00;
	v7 =	vld [tilespmem:s3+$0xFFFFFFC0]  }
0x142: {  	v20 =	vmul.f32 v16, v20;
	vm3 =	vgt.f32 v28, $0.0e+00;
	vm2 =	vgt.f32 v36, $0.0e+00  }
0x143: {  	v22 =	vmul.f32 v24, v18;
	v21 =	vmul.f32 v32, v28;
	vm4 =	vgt.f32 v19, $0.0e+00  }
0x144: {  	v23 =	vmul.f32 v40, v36;
	vm6 =	vgt.f32 v14, $0.0e+00;
	vm5 =	vgt.f32 v12, $0.0e+00;
	[tilespmem:s3+$0x30] =	vst v20  }
0x145: {  	v24 =	vmul.f32 v15, v19;
	v16 =	vmul.f32 v13, v14;
	vm7 =	vgt.f32 v10, $0.0e+00;
	[tilespmem:s3+$0x10] =	vst v21  }
0x146: {  	s13 =	sadd.s32 $0x8, s13;
	v18 =	vmul.f32 v11, v12;
	v17 =	vmul.f32 v7, v10;
	[tilespmem:s3+$0x0] =	vst v23;
	v7 =	vsel vm1, $0x1, v0  }
0x147: {  	p0 =	slt.u32 s13, $0x7F8;
	v12 =	vsel vm2, $0x1, v0;
	v11 =	vsel vm3, $0x1, v0;
	v10 =	vsel vm0, $0x1, v0;
	[tilespmem:s3+$0xFFFFFFE0] =	vst v16  }
.Ltmp4:
0x148: {  	v14 =	vsel vm6, $0x1, v0;
	v13 =	vsel vm4, $0x1, v0;
	v15 =	vsel vm5, $0x1, v0;
	[tilespmem:s3+$0xFFFFFFC0] =	vst v17;
	(pc) =	sbr.rel @p0 .LBB2_3-.Ltmp4, $4  }
0x149: {  	vm4 =	vge.s32 v20, v5;
	v19 =	vsel vm7, $0x1, v0;
	vm0 =	vge.s32 v20, v6;
	[tilespmem:s3+$0xFFFFFFD0] =	vst v18  }
0x14a: {  	vm8 =	vge.s32 v22, v6;
	vm6 =	vge.s32 v22, v5;
	vm2 =	vge.s32 v21, v5;
	[tilespmem:s3+$0xFFFFFFF0] =	vst v24  }
0x14b: {  	vm5 =	vge.s32 v23, v5;
	vm1 =	vge.s32 v23, v6;
	vm7 =	vge.s32 v21, v6;
	[tilespmem:s3+$0x20] =	vst v22  }
0x14c: {  	s17 =	sadd.s32 $0x80, s17;
	vm9 =	vge.s32 v24, v5;
	vm10 =	vge.s32 v24, v6;
	vm3 =	vge.s32 v16, v5  }
0x14d: {  	v4 =	vadd.s32 v19, v4  }
0x14e: {  	v4 =	vadd.s32 v15, v4  }
0x14f: {  	v4 =	vadd.s32 v14, v4  }
0x150: {  	v4 =	vadd.s32 v13, v4  }
0x151: {  	v4 =	vadd.s32 v12, v4  }
0x152: {  	v4 =	vadd.s32 v11, v4  }
0x153: {  	v4 =	vadd.s32 v10, v4  }
0x154: {  	v4 =	vadd.s32 v7, v4  }
0x155: {  	vm11 =	vge.s32 v18, v5;
	(xrf0) =	vadd.scan.msk.s32 $0xffff, v4  }
0x156: {  	vm12 =	vge.s32 v18, v6;
	vm13 =	vge.s32 v16, v6;
	vm14 =	vge.s32 v17, v5  }
0x157: {  	vm15 =	vge.s32 v17, v6;
	v17 =	vsel vm3, $0x1, v0;
	v15 =	vsel vm10, $0x1, v0  }
0x158: {  	v16 =	vsel vm11, $0x1, v0;
	v18 =	vsel vm14, $0x1, v0;
	v19 =	vsel vm15, $0x1, v0  }
0x159: {  	v20 =	vsel vm12, $0x1, v0;
	v14 =	vsel vm9, $0x1, v0;
	v9 =	vadd.s32 v18, v9  }
0x15a: {  	v8 =	vadd.s32 v19, v8;
	v13 =	vsel vm7, $0x1, v0;
	v9 =	vadd.s32 v16, v9  }
0x15b: {  	v8 =	vadd.s32 v20, v8;
	v12 =	vsel vm2, $0x1, v0;
	v9 =	vadd.s32 v17, v9;
	v18, _, _ =	vpop (xrf0)  }
0x15c: {  	v11 =	vsel vm5, $0x1, v0;
	v9 =	vadd.s32 v14, v9;
	v16 =	vcvt.s32.f32 v18  }
0x15d: {  	v10 =	vsel vm8, $0x1, v0;
	v9 =	vadd.s32 v11, v9;
	v18 =	vsel vm13, $0x1, v0  }
0x15e: {  	v11 =	vsel vm0, $0x1, v0;
	v8 =	vadd.s32 v18, v8;
	v14 =	vbroadcast v16, $0xF  }
0x15f: {  	v7 =	vsel vm6, $0x1, v0;
	v16 =	vsel vm1, $0x1, v0;
	v8 =	vadd.s32 v15, v8  }
0x160: {  	v9 =	vadd.s32 v12, v9;
	v8 =	vadd.s32 v16, v8;
	v3 =	vmul.f32 v14, v3  }
0x161: {  	v4 =	vsel vm4, $0x1, v0;
	v7 =	vadd.s32 v7, v9;
	v8 =	vadd.s32 v13, v8  }
0x162: {  	v4 =	vadd.s32 v4, v7;
	v8 =	vadd.s32 v10, v8;
	v7 =	vtrunc.f32 v3  }
0x163: {  	(xrf0) =	vadd.scan.msk.s32 $0xffff, v4;
	v8 =	vadd.s32 v11, v8;
	v4 =	vcvt.f32.s32 v7  }
0x164: {  	(xrf0) =	vadd.scan.msk.s32 $0xffff, v8  }
0x165: {  	v7 =	vcvt.s32.f32 v4;
	_ =	sdelay $0x1  }
0x166: {  	v3 =	vsub.f32 v3, v7;
	_ =	sdelay $0x1  }
0x167: {  	s3 =	simm.s32 $0x40;
	v8, _, _ =	vpop (xrf0);
	v7 =	vand.u32 $0x1, v4;
	vm0 =	veq.f32 v3, $5.000000000e-01  }
0x168: {  	v12 =	vld [tilespmem:s3+$0x0];
	v11, _, _ =	vpop (xrf0);
	vm1 =	vgt.f32 v3, $5.000000000e-01;
	v3 =	vnsel vm0, $0x0, v7  }
0x169: {  	v9 =	vld [tilespmem:s3+$0x30];
	v7 =	vbroadcast v11, $0xF;
	v3 =	vsel vm1, $0x1, v3  }
0x16a: {  	v13 =	vld [tilespmem:s3+$0xFFFFFFF0];
	v8 =	vbroadcast v8, $0xF;
	v4 =	vadd.s32 v4, v3  }
0x16b: {  	v15 =	vimm.s32 $0x0;
	v10 =	vld [tilespmem:s3+$0x20];
	vm1 =	vlt.s32 v7, v4  }
0x16c: {  	v18 =	vimm.s32 $0x0;
	v11 =	vld [tilespmem:s3+$0x10];
	vm0 =	vlt.s32 v8, v4;
	v15 =	vsel vm1, $0xFFFFFFFF, v15  }
0x16d: {  	v17 =	vimm.s32 $0x0;
	v14 =	vld [tilespmem:s3+$0xFFFFFFE0];
	v3 =	vsel vm1, v5, v6;
	v18 =	vsel vm0, $0xFFFFFFFF, v18;
	[tilespmem:$0x1FFE0] =	vst v15  }
0x16e: {  	v16 =	vshll.u32 v17, $0x4;
	v6 =	vnsel vm1, $0x3F800000, v6;
	v3 =	vsel vm0, $0x0, v3;
	v15 =	vld [tilespmem:s3+$0xFFFFFFC0];
	[tilespmem:$0x1FFF0] =	vst v18  }
0x16f: {  	v16 =	vor.u32 v1, v16;
	v5 =	vsel vm0, v5, v6;
	vm8 =	vle.s32 v3, v9;
	v6 =	vld [tilespmem:s3+$0xFFFFFFD0]  }
0x170: {  	vm0 =	vle.s32 v3, v10;
	vm1 =	vgt.s32 v5, v10;
	vm6 =	vgt.s32 v5, v9  }
0x171: {  	vm2 =	vle.s32 v3, v12;
	vm3 =	vle.s32 v3, v11;
	vm4 =	vgt.s32 v5, v11  }
0x172: {  	vm5 =	vle.s32 v3, v13;
	vm7 =	vgt.s32 v5, v13;
	vm10 =	vgt.s32 v5, v12  }
0x173: {  	vm12 =	vle.s32 v3, v14;
	vm9 =	vle.s32 v3, v15;
	vm11 =	vgt.s32 v5, v15  }
0x174: {  	vm9 =	vmand vm9, vm11;
	vm11 =	vle.s32 v3, v6;
	vm13 =	vgt.s32 v5, v6  }
0x175: {  	v18 =	vsel vm9, $0x1, v0;
	vm11 =	vmand vm11, vm13;
	vm13 =	vgt.s32 v5, v14  }
0x176: {  	v17 =	vadd.s32 v18, v17;
	v18 =	vsel vm11, $0x1, v0;
	vm12 =	vmand vm12, vm13  }
0x177: {  	vm7 =	vmand vm5, vm7;
	v18 =	vadd.s32 v18, v17;
	v19 =	vsel vm12, $0x1, v0  }
0x178: {  	vm2 =	vmand vm2, vm10;
	v20 =	vsel vm7, $0x1, v0;
	v19 =	vadd.s32 v19, v18  }
0x179: {  	vm3 =	vmand vm3, vm4;
	v21 =	vsel vm2, $0x1, v0;
	v20 =	vadd.s32 v20, v19  }
0x17a: {  	s13 =	simm.s32 $0xC0;
	s3 =	simm.s32 $0x0;
	vm5 =	vmand vm0, vm1;
	v22 =	vsel vm3, $0x1, v0;
	v21 =	vadd.s32 v21, v20  }
.LBB2_5:
0x17b: {  	v24 =	vmov v6;
	vm0 =	vmmov vm11;
	v6 =	vimm.s32 $0x0  }
0x17c: {  	[tilespmem:v16+s11+$0x0] =	vst.idx.msk vm9, v15;
	v6 =	vsel vm0, $0xFFFFFFFF, v6  }
0x17d: {  	v15 =	vadd.s32 v22, v21;
	vm0 =	vmmov vm12;
	[tilespmem:$0x1FFD0] =	vst v6;
	v6 =	vimm.s32 $0x0  }
0x17e: {  	v16 =	vsel vm5, $0x1, v0;
	vm13 =	vmand vm8, vm6;
	v6 =	vsel vm0, $0xFFFFFFFF, v6  }
0x17f: {  	[tilespmem:$0x1FFA0] =	vst v6;
	v6 =	vshll.u32 v15, $0x4;
	v15 =	vadd.s32 v16, v15;
	v16 =	vsel vm13, $0x1, v0  }
0x180: {  	v26 =	vshll.u32 v15, $0x4;
	v27 =	vadd.s32 v16, v15;
	v15 =	vshll.u32 v20, $0x4  }
0x181: {  	v30 =	vor.u32 v1, v15  }
0x182: {  	v17 =	vshll.u32 v17, $0x4  }
0x183: {  	v32 =	vor.u32 v1, v17;
	v17 =	vimm.s32 $0x0;
	vm0 =	vmmov vm7  }
0x184: {  	v17 =	vsel vm0, $0xFFFFFFFF, v17  }
0x185: {  	v21 =	vshll.u32 v21, $0x4;
	v28 =	vld [tilespmem:s13+$0x0];
	[tilespmem:$0x1FF90] =	vst v17  }
0x186: {  	v21 =	vor.u32 v1, v21;
	[tilespmem:v30+s11+$0x0] =	vst.idx.msk vm2, v12;
	v12 =	vld [tilespmem:$0x1FF90];
	_ =	sdelay $0x4  }
0x187: {  	v25 =	vld [tilespmem:s13+$0x10];
	v16 =	vshll.u32 v18, $0x4;
	v18 =	vshll.u32 v19, $0x4;
	[tilespmem:v21+s11+$0x0] =	vst.idx.msk vm3, v11;
	vm3 =	vnez.u8 v12  }
0x188: {  	v34 =	vor.u32 v1, v18  }
0x189: {  	v22 =	vld [tilespmem:s13+$0x20];
	_ =	sdelay $0x2  }
0x18a: {  	v29 =	vld [tilespmem:s13+$0xFFFFFFF0]  }
0x18b: {  	[tilespmem:v34+s11+$0x0] =	vst.idx.msk vm3, v13;
	v13 =	vld [tilespmem:$0x1FFA0]  }
0x18c: {  	vm0 =	vle.s32 v3, v22;
	v17 =	vimm.s32 $0x0  }
0x18d: {  	v17 =	vsel vm0, $0xFFFFFFFF, v17  }
0x18e: {  	vm0 =	vgt.s32 v5, v22;
	[tilespmem:$0x1FFB0] =	vst v17;
	v17 =	vimm.s32 $0x0  }
0x18f: {  	vm1 =	vle.s32 v3, v25;
	v17 =	vsel vm0, $0xFFFFFFFF, v17;
	vm0 =	vgt.s32 v5, v25  }
0x190: {  	vm3 =	vmand vm1, vm0;
	vm0 =	vnez.u8 v13  }
0x191: {  	v33 =	vor.u32 v1, v16;
	_ =	sdelay $0x3  }
0x192: {  	v63 =	vld [tilespmem:s13+$0xFFFFFFE0]  }
0x193: {  	[tilespmem:v33+s11+$0x0] =	vst.idx.msk vm0, v14;
	v14 =	vld [tilespmem:$0x1FFB0];
	_ =	sdelay $0x3  }
0x194: {  	v23 =	vld [tilespmem:s13+$0x30];
	[tilespmem:$0x1FFC0] =	vst v17  }
0x195: {  	vm0 =	vnez.u8 v14;
	v14 =	vld [tilespmem:$0x1FFC0];
	_ =	sdelay $0x2  }
0x196: {  	v15 =	vld [tilespmem:s13+$0xFFFFFFC0]  }
0x197: {  	v31 =	vor.u32 v1, v6;
	v6 =	vld [tilespmem:s13+$0xFFFFFFD0]  }
0x198: {  	vm8 =	vle.s32 v3, v23;
	vm6 =	vgt.s32 v5, v23;
	vm1 =	vnez.u8 v14;
	v14 =	vld [tilespmem:$0x1FFD0]  }
0x199: {  	vm4 =	vle.s32 v3, v28;
	vm7 =	vle.s32 v3, v29;
	v20 =	vor.u32 v1, v26  }
0x19a: {  	vm10 =	vgt.s32 v5, v29;
	vm14 =	vgt.s32 v5, v28;
	vm12 =	vle.s32 v3, v63  }
0x19b: {  	v19 =	vshll.u32 v27, $0x4;
	vm9 =	vle.s32 v3, v15;
	vm11 =	vgt.s32 v5, v15  }
0x19c: {  	vm7 =	vmand vm7, vm10;
	vm15 =	vgt.s32 v5, v6;
	vm9 =	vmand vm9, vm11  }
0x19d: {  	s3 =	sadd.s32 $0x8, s3;
	[tilespmem:v31+s11+$0x0] =	vst.idx.msk vm5, v10;
	vm11 =	vle.s32 v3, v6;
	vm5 =	vmand vm0, vm1;
	vm0 =	vnez.u8 v14  }
0x19e: {  	p0 =	slt.u32 s3, $0x7F8;
	[tilespmem:v20+s11+$0x0] =	vst.idx.msk vm13, v9;
	vm13 =	vgt.s32 v5, v63;
	v17 =	vsel vm9, $0x1, v0;
	vm11 =	vmand vm11, vm15  }
.Ltmp5:
0x19f: {  	vm12 =	vmand vm12, vm13;
	v17 =	vadd.s32 v17, v27;
	v18 =	vsel vm11, $0x1, v0;
	(pc) =	sbr.rel @p0 .LBB2_5-.Ltmp5, $4  }
0x1a0: {  	v16 =	vor.u32 v1, v19;
	v19 =	vsel vm12, $0x1, v0;
	v18 =	vadd.s32 v18, v17  }
0x1a1: {  	v11 =	vmovc v25;
	v20 =	vsel vm7, $0x1, v0;
	vm2 =	vmand vm4, vm14;
	v19 =	vadd.s32 v19, v18  }
0x1a2: {  	v10 =	vmovc v22;
	v9 =	vmovc v23;
	v21 =	vsel vm2, $0x1, v0;
	v12 =	vmov v28;
	v20 =	vadd.s32 v20, v19  }
0x1a3: {  	s13 =	sadd.s32 $0x80, s13;
	v21 =	vadd.s32 v21, v20;
	v22 =	vsel vm3, $0x1, v0;
	v13 =	vmovc v29;
	v14 =	vmov v63;
	[tilespmem:v32+s11+$0x0] =	vst.idx.msk vm0, v24  }
0x1a4: {  	(v2sf) =	vpush v5, $0x0  }
0x1a5: {  	(v2sf) =	vpush v3, $0x0;
	_ =	sdelay $0x1  }
0x1a6: {  	v22 =	vadd.s32 v22, v21;
	v23 =	vsel vm5, $0x1, v0  }
0x1a7: {  	v60 =	vshll.u32 v21, $0x4;
	v23 =	vadd.s32 v23, v22  }
0x1a8: {  	vm0 =	vmand vm8, vm6;
	v21 =	vor.u32 v1, v60;
	v24 =	vshll.u32 v23, $0x4  }
0x1a9: {  	v20 =	vshll.u32 v20, $0x4;
	v24 =	vor.u32 v1, v24  }
0x1aa: {  	v19 =	vshll.u32 v19, $0x4;
	v20 =	vor.u32 v1, v20  }
0x1ab: {  	v61 =	vshll.u32 v18, $0x4;
	v62 =	vor.u32 v1, v19  }
0x1ac: {  	[tilespmem:v16+s11+$0x0] =	vst.idx.msk vm9, v15;
	v22 =	vshll.u32 v22, $0x4;
	v15 =	vor.u32 v1, v61  }
0x1ad: {  	v17 =	vshll.u32 v17, $0x4;
	v22 =	vor.u32 v1, v22;
	[tilespmem:v21+s11+$0x0] =	vst.idx.msk vm3, v11  }
0x1ae: {  	[tilespmem:v24+s11+$0x0] =	vst.idx.msk vm0, v9;
	v9 =	vor.u32 v1, v17  }
0x1af: {  	[tilespmem:v20+s11+$0x0] =	vst.idx.msk vm2, v12  }
0x1b0: {  	[tilespmem:v62+s11+$0x0] =	vst.idx.msk vm7, v13  }
0x1b1: {  	[tilespmem:v15+s11+$0x0] =	vst.idx.msk vm12, v14  }
0x1b2: {  	[tilespmem:v22+s11+$0x0] =	vst.idx.msk vm5, v10;
	s3 =	spop (v2sf)  }
0x1b3: {  	v11 =	vld [tilespmem:$0x1FFE0];
	[tilespmem:v9+s11+$0x0] =	vst.idx.msk vm11, v6;
	s13 =	spop (v2sf)  }
0x1b4: {  	v6 =	vld [tilespmem:$0x1FFF0];
	s3 =	ssub.s32 s3, s13  }
0x1b5: {  	p0 =	slt.s32 s3, $0x2  }
.Ltmp6:
0x1b6: {  	_ = 	snop;
	(pc) =	sbr.rel @p0 .LBB2_7-.Ltmp6, $4  }
0x1b7: {  	vm1 =	vmmov vm7;
	vm4 =	vmmov vm12  }
0x1b8: {  	vm13 =	vmmov vm11;
	v10 =	vsel vm0, $0x1, v0;
	vm14 =	vnez.u8 v11  }
0x1b9: {  	v11 =	vnsel vm14, $0x0, v7;
	v63 =	vsel vm14, v8, v7;
	vm15 =	vnez.u8 v6  }
0x1ba: {  	v7 =	vadd.s32 v10, v23;
	v8 =	vsel vm15, v8, v11;
	v6 =	vsel vm15, $0x8000, v63  }
0x1bb: {  	v9 =	vxor.u32 $0x80000000, v7  }
0x1bc: {  	(xrf0) =	vmax.scan.msk.u32 $0xffff, v9;
	_ =	sdelay $0x5  }
0x1bd: {  	v9, _, _ =	vpop (xrf0)  }
0x1be: {  	(v2sf) =	vpush v9, $0xF;
	_ =	sdelay $0xe  }
0x1bf: {  	s3 =	spop (v2sf)  }
0x1c0: {  	s3 =	sadd.s32 $0x80000007, s3  }
0x1c1: {  	s13 =	sshra.s32 s3, $0x3;
	s3 =	sshrl.u32 s3, $0x1F  }
0x1c2: {  	s3 =	sadd.s32 s3, s13  }
0x1c3: {  	s17 =	sshra.s32 s3, $0x1  }
0x1c4: {  	s3 =	sand.u32 $0xFFFFFFFE, s3;
	s21 =	sshll.u32 s17, $0x4  }
0x1c5: {  	v60 =	vimm.s32 $0x0;
	v61 =	vimm.s32 $0x0;
	v62 =	vimm.s32 $0x0;
	s13 =	ssub.s32 s13, s3;
	s25 =	sor.u32 $0x1, s21;
	s7 =	sor.u32 $0x7, s21  }
0x1c6: {  	v63 =	vimm.s32 $0x0;
	s28 =	sor.u32 $0x4, s21;
	s6 =	sor.u32 $0x6, s21;
	p0 =	slt.s32 s13, $0x1;
	v9 =	vmov s25;
	v15 =	vmov s7  }
0x1c7: {  	v12 =	vmov s28;
	v13 =	vmov s6;
	s28 =	sor.u32 $0x5, s21;
	vm0 =	vlt.s32 @!p0 v15, v7  }
0x1c8: {  	s5 =	sor.u32 $0x2, s21;
	v16 =	vmov s28;
	v15 =	vsel vm0, $0xFFFFFFFF, v60;
	vm0 =	vlt.s32 @!p0 v13, v7  }
0x1c9: {  	s0 =	sor.u32 $0x3, s21;
	v10 =	vmov s5;
	v13 =	vsel vm0, $0xFFFFFFFF, v61;
	vm0 =	vlt.s32 @!p0 v16, v7  }
0x1ca: {  	v11 =	vmov s0;
	[tilespmem:$0x1FF20] =	vst v13;
	v13 =	vsel vm0, $0xFFFFFFFF, v62;
	vm0 =	vlt.s32 @!p0 v12, v7  }
0x1cb: {  	v12 =	vsel vm0, $0xFFFFFFFF, v63;
	vm0 =	vlt.s32 @!p0 v11, v7;
	v11 =	vimm.s32 $0x0  }
0x1cc: {  	v11 =	vsel vm0, $0xFFFFFFFF, v11;
	vm0 =	vlt.s32 @!p0 v10, v7;
	v10 =	vimm.s32 $0x0  }
0x1cd: {  	[tilespmem:$0x1FF10] =	vst v15;
	v10 =	vsel vm0, $0xFFFFFFFF, v10;
	vm0 =	vlt.s32 @!p0 v9, v7;
	v9 =	vimm.s32 $0x0  }
0x1ce: {  	v14 =	vmov s21;
	[tilespmem:$0x1FF30] =	vst v13;
	v9 =	vsel vm0, $0xFFFFFFFF, v9  }
.Ltmp7:
0x1cf: {  	vm0 =	vlt.s32 @!p0 v14, v7;
	[tilespmem:$0x1FF70] =	vst v9;
	v9 =	vimm.s32 $0x0;
	(pc) =	sbr.rel .LBB2_13-.Ltmp7, $4  }
0x1d0: {  	[tilespmem:$0x1FF40] =	vst v12;
	v9 =	vsel vm0, $0xFFFFFFFF, v9  }
0x1d1: {  	[tilespmem:$0x1FF50] =	vst v11  }
0x1d2: {  	s30 =	sshll.u32 s17, $0xA;
	[tilespmem:$0x1FF60] =	vst v10  }
0x1d3: {  	p1 =	slt.s32 s3, $0x1;
	s13 =	sshra.s32 s30, $0x2;
	[tilespmem:$0x1FF80] =	vst v9;
	v9 =	vmov v8  }
.LBB2_17:
0x1d4: {  	v11 =	vadd.s32 v11, v12;
	v60 =	vsel vm0, $0x1, v0;
	vm13 =	vmand vm3, vm15  }
0x1d5: {  	vm14 =	vmand vm7, vm14;
	v11 =	vadd.s32 v60, v11;
	v61 =	vsel vm13, $0x1, v0  }
0x1d6: {  	vm15 =	vmand vm6, vm8;
	v62 =	vsel vm14, $0x1, v0;
	v11 =	vadd.s32 v61, v11  }
0x1d7: {  	v63 =	vsel vm15, $0x1, v0;
	v11 =	vadd.s32 v62, v11  }
0x1d8: {  	v11 =	vadd.s32 v63, v11  }
.LBB2_14:
0x1d9: {  	v12 =	vld @!p0 [tilespmem:s13+$0x8000]  }
0x1da: {  	v13 =	vld @!p0 [tilespmem:s13+$0x8010]  }
0x1db: {  	v16 =	vld [tilespmem:$0x1FF80]  }
0x1dc: {  	v14 =	vld @!p0 [tilespmem:s13+$0x8020]  }
0x1dd: {  	v17 =	vld [tilespmem:$0x1FF70]  }
0x1de: {  	v59 =	vld [tilespmem:$0x1FF50]  }
0x1df: {  	v58 =	vld [tilespmem:$0x1FF60]  }
0x1e0: {  	v15 =	vld @!p0 [tilespmem:s13+$0x8030];
	vm0 =	vge.s32 @!p0 v12, v10;
	vm1 =	vnez.u8 v16  }
0x1e1: {  	v12 =	vld @!p0 [tilespmem:s13+$0x8040];
	v16 =	vimm.s32 @!p0 $0x0;
	vm0 =	vmand @!p0 vm1, vm0  }
0x1e2: {  	v60 =	vld [tilespmem:$0x1FF40];
	vm1 =	vge.s32 @!p0 v13, v10;
	v13 =	vsel @!p0 vm0, $0x1, v16;
	vm0 =	vnez.u8 v17  }
0x1e3: {  	v61 =	vld [tilespmem:$0x1FF30];
	vm2 =	vnez.u8 v59;
	vm0 =	vmand @!p0 vm0, vm1;
	v13 =	vadd.s32 @!p0 v13, v11  }
0x1e4: {  	v17 =	vld @!p0 [tilespmem:s13+$0x8050];
	vm1 =	vnez.u8 v58;
	v18 =	vsel @!p0 vm0, $0x1, v16;
	vm0 =	vge.s32 @!p0 v14, v10  }
0x1e5: {  	v62 =	vld [tilespmem:$0x1FF20];
	v13 =	vadd.s32 @!p0 v18, v13;
	vm0 =	vmand @!p0 vm1, vm0;
	vm1 =	vge.s32 @!p0 v15, v10  }
0x1e6: {  	v14 =	vld @!p0 [tilespmem:s13+$0x8060];
	v18 =	vsel @!p0 vm0, $0x1, v16;
	vm0 =	vge.s32 @!p0 v12, v10;
	vm1 =	vmand @!p0 vm2, vm1  }
0x1e7: {  	v63 =	vld [tilespmem:$0x1FF10];
	v12 =	vadd.s32 @!p0 v18, v13;
	v13 =	vsel @!p0 vm1, $0x1, v16;
	vm1 =	vnez.u8 v60  }
0x1e8: {  	v15 =	vld @!p0 [tilespmem:s13+$0x8070];
	vm0 =	vmand @!p0 vm1, vm0;
	v12 =	vadd.s32 @!p0 v13, v12  }
0x1e9: {  	vm1 =	vge.s32 @!p0 v17, v10;
	v13 =	vsel @!p0 vm0, $0x1, v16;
	vm0 =	vnez.u8 v61  }
0x1ea: {  	v12 =	vadd.s32 @!p0 v13, v12;
	vm0 =	vmand @!p0 vm0, vm1  }
0x1eb: {  	vm1 =	vge.s32 @!p0 v14, v10;
	v13 =	vsel @!p0 vm0, $0x1, v16;
	vm0 =	vnez.u8 v62  }
0x1ec: {  	vm0 =	vmand @!p0 vm0, vm1  }
0x1ed: {  	vm1 =	vge.s32 @!p0 v15, v10;
	v14 =	vsel @!p0 vm0, $0x1, v16;
	vm0 =	vnez.u8 v63  }
0x1ee: {  	v12 =	vadd.s32 @!p0 v13, v12;
	vm0 =	vmand @!p0 vm0, vm1  }
0x1ef: {  	v12 =	vadd.s32 @!p0 v14, v12;
	v13 =	vsel @!p0 vm0, $0x1, v16  }
0x1f0: {  	v12 =	vadd.s32 @!p0 v13, v12  }
0x1f1: {  	v11 =	vpsel p0, v11, v12  }
0x1f2: {  	(xrf0) =	vadd.scan.msk.s32 $0xffff, v11;
	_ =	sdelay $0x5  }
0x1f3: {  	v11, _, _ =	vpop (xrf0)  }
0x1f4: {  	v11 =	vbroadcast v11, $0xF;
	_ =	sdelay $0x1  }
0x1f5: {  	v11 =	vadd.s32 v8, v11  }
0x1f6: {  	vm15 =	vlt.s32 v11, v4  }
0x1f7: {  	v5 =	vsel vm15, v10, v5  }
0x1f8: {  	v3 =	vsel vm15, v3, v10;
	(v2sf) =	vpush v5, $0x0  }
0x1f9: {  	(v2sf) =	vpush v3, $0x0;
	_ =	sdelay $0xd  }
0x1fa: {  	s0 =	spop (v2sf)  }
0x1fb: {  	s5 =	spop (v2sf)  }
0x1fc: {  	s0 =	ssub.s32 s0, s5  }
0x1fd: {  	p2 =	sgt.s32 s0, $0x1  }
.Ltmp8:
0x1fe: {  	_ = 	snop;
	(pc) =	sbr.rel @!p2 .LBB2_8-.Ltmp8, $2  }
0x1ff: {  	_ =	sdelay $0x2  }
0x200: {  	v9 =	vsel vm15, v11, v9;
	v6 =	vsel vm15, v6, v11  }
.LBB2_13:
.Ltmp9:
0x201: {  	(pc) =	sbr.rel @p1 .LBB2_14-.Ltmp9, $3  }
0x202: {  	_ =	sdelay $0x1  }
0x203: {  	v10 =	vadd.s32 v3, v5  }
0x204: {  	v11 =	vimm.s32 $0x0;
	v10 =	vshra.s32 v10, $0x1  }
0x205: {  	s17 =	simm.s32 $0xF;
	s21 =	simm.s32 $0x8080  }
0x206: {  	s0 =	simm.s32 $0xE;
	s28 =	simm.s32 $0xC;
	s30 =	simm.s32 $0xD;
	v12 =	vmov s17  }
0x207: {  	s5 =	simm.s32 $0x9;
	s6 =	simm.s32 $0xA;
	s7 =	simm.s32 $0x7;
	v13 =	vmov s0;
	v14 =	vmov s28;
	v15 =	vmov s30  }
0x208: {  	s25 =	simm.s32 $0xB;
	s0 =	simm.s32 $0x8;
	v16 =	vld [tilespmem:s21+$0xFFFFFF80];
	v18 =	vmov s5;
	v19 =	vmov s6;
	v23 =	vmov s7  }
0x209: {  	s28 =	simm.s32 $0x6;
	v20 =	vld [tilespmem:s21+$0xFFFFFF90];
	s5 =	simm.s32 $0x3;
	s6 =	simm.s32 $0x4;
	vm6 =	vlt.s32 v12, v7;
	v12 =	vmov s25;
	v17 =	vmov s0  }
0x20a: {  	s7 =	simm.s32 $0x0;
	s30 =	simm.s32 $0x1;
	v27 =	vld [tilespmem:s21+$0xFFFFFFA0];
	v22 =	vmov s28;
	v25 =	vmov s5;
	v26 =	vmov s6  }
0x20b: {  	s25 =	simm.s32 $0x5;
	s0 =	simm.s32 $0x2;
	v28 =	vmov s7;
	v29 =	vmov s30;
	vm0 =	vlt.s32 v12, v7;
	v12 =	vld [tilespmem:s21+$0xFFFFFFC0]  }
0x20c: {  	vm7 =	vlt.s32 v13, v7;
	v13 =	vld [tilespmem:s21+$0xFFFFFFB0];
	v21 =	vmov s25;
	v24 =	vmov s0  }
0x20d: {  	vm1 =	vlt.s32 v28, v7;
	vm3 =	vlt.s32 v29, v7;
	vm2 =	vge.s32 v16, v10  }
0x20e: {  	vm4 =	vlt.s32 v24, v7;
	vm1 =	vmand vm1, vm2;
	vm2 =	vge.s32 v20, v10  }
0x20f: {  	v50 =	vld [tilespmem:s21+$0xFFFFFFD0];
	vm2 =	vmand vm3, vm2;
	vm3 =	vlt.s32 v25, v7;
	v52 =	vsel vm1, $0x1, v0  }
0x210: {  	vm1 =	vge.s32 v27, v10;
	vm5 =	vge.s32 v12, v10;
	v53 =	vsel vm2, $0x1, v0  }
0x211: {  	v51 =	vld [tilespmem:s21+$0xFFFFFFE0];
	vm2 =	vlt.s32 v26, v7;
	vm1 =	vmand vm4, vm1;
	vm4 =	vge.s32 v13, v10  }
0x212: {  	v11 =	vadd.s32 v52, v11;
	v54 =	vsel vm1, $0x1, v0;
	vm3 =	vmand vm3, vm4  }
0x213: {  	v13 =	vld [tilespmem:s21+$0xFFFFFFF0];
	vm1 =	vlt.s32 v14, v7;
	vm2 =	vmand vm2, vm5;
	vm4 =	vlt.s32 v21, v7  }
0x214: {  	v11 =	vadd.s32 v53, v11;
	v14 =	vsel vm3, $0x1, v0;
	vm3 =	vge.s32 v50, v10  }
0x215: {  	v12 =	vld [tilespmem:s21+$0x0];
	v55 =	vsel vm2, $0x1, v0;
	vm2 =	vlt.s32 v22, v7;
	v11 =	vadd.s32 v54, v11  }
0x216: {  	v58 =	vld [tilespmem:s21+$0x70];
	vm3 =	vmand vm4, vm3;
	vm4 =	vge.s32 v51, v10;
	v11 =	vadd.s32 v14, v11  }
0x217: {  	v56 =	vld [tilespmem:s21+$0x10];
	v57 =	vsel vm3, $0x1, v0;
	vm3 =	vlt.s32 v15, v7;
	vm2 =	vmand vm2, vm4  }
0x218: {  	v62 =	vld [tilespmem:s21+$0x60];
	vm4 =	vlt.s32 v23, v7;
	v15 =	vsel vm2, $0x1, v0;
	vm2 =	vge.s32 v13, v10  }
0x219: {  	v11 =	vadd.s32 v55, v11;
	v13 =	vld [tilespmem:s21+$0x20];
	vm2 =	vmand vm4, vm2  }
0x21a: {  	v14 =	vld [tilespmem:s21+$0x50];
	vm4 =	vlt.s32 v17, v7;
	v59 =	vsel vm2, $0x1, v0;
	vm2 =	vge.s32 v12, v10  }
0x21b: {  	vm8 =	vge.s32 v58, v10;
	v11 =	vadd.s32 v57, v11;
	v12 =	vld [tilespmem:s21+$0x30];
	vm2 =	vmand vm4, vm2  }
0x21c: {  	v60 =	vld [tilespmem:s21+$0x40];
	vm4 =	vlt.s32 v18, v7;
	v61 =	vsel vm2, $0x1, v0;
	vm2 =	vge.s32 v56, v10  }
0x21d: {  	p2 =	sgt.s32 s3, $0x2;
	vm14 =	vge.s32 v62, v10;
	v11 =	vadd.s32 v15, v11;
	vm2 =	vmand vm4, vm2  }
.Ltmp10:
0x21e: {  	vm4 =	vlt.s32 v19, v7;
	v63 =	vsel vm2, $0x1, v0;
	vm2 =	vge.s32 v13, v10;
	(pc) =	sbr.rel @!p2 .LBB2_17-.Ltmp10, $4  }
0x21f: {  	v11 =	vadd.s32 v59, v11;
	vm15 =	vge.s32 v14, v10;
	vm2 =	vmand vm4, vm2  }
0x220: {  	v13 =	vsel vm2, $0x1, v0;
	vm2 =	vge.s32 v12, v10;
	v12 =	vadd.s32 v61, v11  }
0x221: {  	vm0 =	vmand vm0, vm2;
	vm2 =	vge.s32 v60, v10;
	v12 =	vadd.s32 v63, v12  }
0x222: {  	s25 =	simm.s32 $0x8180;
	s21 =	simm.s32 $0x2;
	v11 =	vsel vm0, $0x1, v0;
	vm0 =	vmand vm1, vm2;
	v12 =	vadd.s32 v13, v12  }
.LBB2_16:
0x223: {  	v11 =	vadd.s32 v11, v12  }
0x224: {  	v12 =	vsel vm0, $0x1, v0;
	vm0 =	vmand vm3, vm15;
	v46 =	vimm.s32 $0x0  }
0x225: {  	v48 =	vimm.s32 $0x0;
	v50 =	vimm.s32 $0x0;
	v51 =	vimm.s32 $0x0  }
0x226: {  	v52 =	vimm.s32 $0x0;
	v54 =	vimm.s32 $0x0;
	v55 =	vimm.s32 $0x0  }
0x227: {  	v56 =	vimm.s32 $0x0;
	v58 =	vimm.s32 $0x0;
	v59 =	vimm.s32 $0x0  }
0x228: {  	s17 =	sadd.s32 $0x10, s17;
	v60 =	vimm.s32 $0x0;
	v63 =	vimm.s32 $0x0;
	v11 =	vadd.s32 v12, v11  }
0x229: {  	v12 =	vsel vm0, $0x1, v0;
	vm0 =	vmand vm7, vm14;
	v17 =	vmov s17  }
0x22a: {  	s0 =	sadd.s32 $0xFFFFFFFF, s17;
	s5 =	sadd.s32 $0xFFFFFFFC, s17;
	s6 =	sadd.s32 $0xFFFFFFFD, s17;
	v11 =	vadd.s32 v12, v11;
	v12 =	vsel vm0, $0x1, v0;
	vm0 =	vmand vm6, vm8  }
0x22b: {  	v19 =	vmov s0;
	v47 =	vmov s5;
	v20 =	vmov s6  }
0x22c: {  	s28 =	sadd.s32 $0xFFFFFFFE, s17;
	v11 =	vadd.s32 v12, v11;
	v12 =	vsel vm0, $0x1, v0;
	vm0 =	vlt.s32 v17, v7  }
0x22d: {  	s30 =	sadd.s32 $0xFFFFFFFA, s17;
	v21 =	vmov s28;
	v17 =	vsel vm0, $0xFFFFFFFF, v46;
	vm0 =	vlt.s32 v19, v7  }
0x22e: {  	s7 =	sadd.s32 $0xFFFFFFFB, s17;
	v24 =	vmov s30;
	v19 =	vsel vm0, $0xFFFFFFFF, v48;
	vm0 =	vlt.s32 v47, v7  }
0x22f: {  	s0 =	sadd.s32 $0xFFFFFFF9, s17;
	v25 =	vmov s7;
	[tilespmem:$0x1FE50] =	vst v17;
	v17 =	vsel vm0, $0xFFFFFFFF, v50;
	vm0 =	vlt.s32 v20, v7  }
0x230: {  	s5 =	sadd.s32 $0xFFFFFFF6, s17;
	v22 =	vmov s0;
	[tilespmem:$0x1FED0] =	vst v17;
	v17 =	vsel vm0, $0xFFFFFFFF, v51;
	vm0 =	vlt.s32 v21, v7  }
0x231: {  	v13 =	vld [tilespmem:s25+$0x70];
	s6 =	sadd.s32 $0xFFFFFFF7, s17;
	v26 =	vmov s5;
	[tilespmem:$0x1FEF0] =	vst v17;
	v17 =	vsel vm0, $0xFFFFFFFF, v52;
	vm0 =	vlt.s32 v22, v7  }
0x232: {  	v16 =	vld [tilespmem:s25+$0x40];
	v27 =	vmov s6;
	v20 =	vsel vm0, $0xFFFFFFFF, v54;
	vm0 =	vlt.s32 v24, v7  }
0x233: {  	s28 =	sadd.s32 $0xFFFFFFF8, s17;
	v11 =	vadd.s32 v12, v11;
	v12 =	vld [tilespmem:s25+$0x20];
	[tilespmem:$0x1FE90] =	vst v20;
	v20 =	vsel vm0, $0xFFFFFFFF, v55;
	vm0 =	vlt.s32 v25, v7  }
0x234: {  	v18 =	vld [tilespmem:s25+$0x30];
	v28 =	vmov s28;
	s6 =	sadd.s32 $0xFFFFFFF1, s17;
	[tilespmem:$0x1FEA0] =	vst v20;
	v20 =	vsel vm0, $0xFFFFFFFF, v56;
	vm0 =	vlt.s32 v26, v7  }
0x235: {  	v61 =	vld [tilespmem:s25+$0xFFFFFF80];
	s28 =	sadd.s32 $0xFFFFFFF2, s17;
	v34 =	vmov s6;
	v21 =	vsel vm0, $0xFFFFFFFF, v58;
	vm0 =	vlt.s32 v27, v7  }
0x236: {  	v62 =	vld [tilespmem:s25+$0xFFFFFF90];
	v35 =	vmov s28;
	[tilespmem:$0x1FE40] =	vst v21;
	v21 =	vsel vm0, $0xFFFFFFFF, v59;
	vm0 =	vlt.s32 v28, v7  }
0x237: {  	vm8 =	vge.s32 v13, v10;
	v13 =	vld [tilespmem:s25+$0xFFFFFFA0];
	[tilespmem:$0x1FE70] =	vst v21;
	v21 =	vsel vm0, $0xFFFFFFFF, v60;
	vm0 =	vge.s32 v16, v10  }
0x238: {  	v16 =	vsel vm0, $0xFFFFFFFF, v63;
	vm0 =	vge.s32 v12, v10;
	v12 =	vimm.s32 $0x0  }
0x239: {  	vm3 =	vlt.s32 v34, v7;
	vm11 =	vlt.s32 v35, v7;
	v12 =	vsel vm0, $0xFFFFFFFF, v12  }
0x23a: {  	vm4 =	vge.s32 v61, v10;
	vm0 =	vge.s32 v18, v10;
	[tilespmem:$0x1FEC0] =	vst v12;
	v12 =	vimm.s32 $0x0  }
0x23b: {  	v57 =	vld [tilespmem:s25+$0xFFFFFFB0];
	[tilespmem:$0x1FE30] =	vst v19;
	vm3 =	vmand vm3, vm4;
	vm4 =	vge.s32 v62, v10;
	v12 =	vsel vm0, $0xFFFFFFFF, v12  }
0x23c: {  	s7 =	sadd.s32 $0xFFFFFFF4, s17;
	[tilespmem:$0x1FEE0] =	vst v12;
	v12 =	vsel vm3, $0x1, v0;
	vm3 =	vmand vm11, vm4;
	vm4 =	vge.s32 v13, v10;
	v13 =	vld [tilespmem:$0x1FE30]  }
0x23d: {  	s0 =	sadd.s32 $0xFFFFFFF3, s17;
	v31 =	vmov s7  }
0x23e: {  	v30 =	vmov s0;
	vm13 =	vlt.s32 v31, v7  }
0x23f: {  	v53 =	vld [tilespmem:s25+$0xFFFFFFC0];
	vm10 =	vlt.s32 v30, v7;
	v11 =	vadd.s32 v12, v11;
	v12 =	vsel vm3, $0x1, v0  }
0x240: {  	vm7 =	vge.s32 v57, v10;
	vm3 =	vmand vm10, vm4;
	v11 =	vadd.s32 v12, v11  }
0x241: {  	v12 =	vsel vm3, $0x1, v0;
	vm3 =	vmand vm13, vm7;
	vm7 =	vnez.u8 v13;
	v13 =	vld [tilespmem:$0x1FE40]  }
0x242: {  	s30 =	sadd.s32 $0xFFFFFFF5, s17  }
0x243: {  	v32 =	vmov s30  }
0x244: {  	vm12 =	vlt.s32 v32, v7;
	vm5 =	vge.s32 v53, v10  }
0x245: {  	v49 =	vld [tilespmem:s25+$0xFFFFFFD0];
	v11 =	vadd.s32 v12, v11;
	v12 =	vsel vm3, $0x1, v0;
	vm3 =	vmand vm12, vm5  }
0x246: {  	v11 =	vadd.s32 v12, v11;
	v12 =	vsel vm3, $0x1, v0;
	vm3 =	vnez.u8 v13;
	v13 =	vld [tilespmem:$0x1FE50];
	_ =	sdelay $0x3  }
0x247: {  	vm6 =	vge.s32 v49, v10;
	[tilespmem:$0x1FE60] =	vst v17  }
0x248: {  	vm3 =	vmand vm3, vm6;
	vm6 =	vnez.u8 v13;
	v13 =	vld [tilespmem:$0x1FE60];
	_ =	sdelay $0x4  }
0x249: {  	v11 =	vadd.s32 v12, v11;
	v12 =	vsel vm3, $0x1, v0;
	vm3 =	vnez.u8 v13;
	v13 =	vld [tilespmem:$0x1FE70];
	_ =	sdelay $0x2  }
0x24a: {  	v36 =	vld [tilespmem:s25+$0xFFFFFFE0]  }
0x24b: {  	[tilespmem:$0x1FE80] =	vst v21  }
0x24c: {  	vm4 =	vnez.u8 v13;
	v13 =	vld [tilespmem:$0x1FE80];
	_ =	sdelay $0x2  }
0x24d: {  	v33 =	vld [tilespmem:s25+$0xFFFFFFF0];
	vm2 =	vge.s32 v36, v10  }
0x24e: {  	vm2 =	vmand vm4, vm2  }
0x24f: {  	v11 =	vadd.s32 v12, v11;
	v12 =	vsel vm2, $0x1, v0;
	vm2 =	vnez.u8 v13;
	v13 =	vld [tilespmem:$0x1FE90];
	_ =	sdelay $0x2  }
0x250: {  	v29 =	vld [tilespmem:s25+$0x0];
	vm1 =	vge.s32 v33, v10  }
0x251: {  	vm1 =	vmand vm2, vm1  }
0x252: {  	v11 =	vadd.s32 v12, v11;
	v12 =	vsel vm1, $0x1, v0;
	vm1 =	vnez.u8 v13;
	v13 =	vld [tilespmem:$0x1FEA0];
	_ =	sdelay $0x2  }
0x253: {  	v23 =	vld [tilespmem:s25+$0x10];
	vm0 =	vge.s32 v29, v10  }
0x254: {  	[tilespmem:$0x1FEB0] =	vst v20;
	vm0 =	vmand vm1, vm0  }
0x255: {  	v11 =	vadd.s32 v12, v11;
	v12 =	vsel vm0, $0x1, v0;
	vm0 =	vnez.u8 v13;
	v13 =	vld [tilespmem:$0x1FEB0];
	_ =	sdelay $0x2  }
0x256: {  	vm9 =	vge.s32 v23, v10  }
0x257: {  	vm0 =	vmand vm0, vm9  }
0x258: {  	v11 =	vadd.s32 v12, v11;
	v12 =	vsel vm0, $0x1, v0;
	vm0 =	vnez.u8 v13;
	v13 =	vld [tilespmem:$0x1FEC0];
	_ =	sdelay $0x4  }
0x259: {  	vm1 =	vnez.u8 v13;
	v13 =	vld [tilespmem:$0x1FED0];
	_ =	sdelay $0x3  }
0x25a: {  	vm0 =	vmand vm0, vm1  }
0x25b: {  	v11 =	vadd.s32 v12, v11;
	v12 =	vsel vm0, $0x1, v0;
	vm0 =	vnez.u8 v13;
	v13 =	vld [tilespmem:$0x1FEE0];
	_ =	sdelay $0x4  }
0x25c: {  	vm1 =	vnez.u8 v13;
	v13 =	vld [tilespmem:$0x1FEF0];
	_ =	sdelay $0x3  }
0x25d: {  	v14 =	vld [tilespmem:s25+$0x60];
	[tilespmem:$0x1FF00] =	vst v16;
	vm0 =	vmand vm0, vm1  }
0x25e: {  	s21 =	sadd.s32 $0x2, s21;
	v12 =	vadd.s32 v12, v11;
	v11 =	vsel vm0, $0x1, v0;
	vm0 =	vnez.u8 v13;
	v13 =	vld [tilespmem:$0x1FF00]  }
0x25f: {  	v15 =	vld [tilespmem:s25+$0x50];
	p2 =	slt.s32 s21, s3  }
.Ltmp11:
0x260: {  	_ = 	snop;
	(pc) =	sbr.rel @p2 .LBB2_16-.Ltmp11, $3  }
0x261: {  	_ =	sdelay $0x1  }
0x262: {  	vm1 =	vnez.u8 v13  }
0x263: {  	vm15 =	vge.s32 v15, v10;
	vm14 =	vge.s32 v14, v10;
	s25 =	sadd.s32 $0x100, s25;
	vm0 =	vmand vm0, vm1  }
.Ltmp12:
0x264: {  	_ = 	snop;
	(pc) =	sbr.rel .LBB2_17-.Ltmp12, $1  }
0x265: {  	_ =	sdelay $0x3  }
.LBB2_7:
0x266: {  	v9 =	vmov v8  }
.LBB2_8:
0x267: {  	vm1 =	veq.s32 v4, v9;
	vm0 =	veq.s32 v4, v6;
	v5 =	vimm.s32 $0x0  }
0x268: {  	v5 =	vsel vm0, $0xFFFFFFFF, v5;
	vm1 =	vmor vm1, vm0  }
0x269: {  	[tilespmem:$0x1FE20] =	vst v5;
	v5 =	vsel vm1, $0x1, v0  }
0x26a: {  	(v2sf) =	vpush v5, $0x0;
	_ =	sdelay $0xe  }
0x26b: {  	s0 =	spop (v2sf)  }
0x26c: {  	p0 =	sne.s32 s0, $0x0  }
.Ltmp13:
0x26d: {  	_ = 	snop;
	(pc) =	sbr.rel @!p0 .LBB2_9-.Ltmp13, $2  }
0x26e: {  	_ =	sdelay $0x2  }
0x26f: {  	s13 =	simm.s32 $0xFFFFFFF8;
	s17 =	simm.s32 $0x40;
	s3 =	simm.s32 $0x8040  }
0x270: {  	v4 =	vld [tilespmem:s17+$0x30]  }
0x271: {  	v5 =	vld [tilespmem:s17+$0xFFFFFFD0]  }
0x272: {  	v11 =	vld [tilespmem:$0x1FE20]  }
0x273: {  	v7 =	vld [tilespmem:s17+$0xFFFFFFF0]  }
0x274: {  	v6 =	vld [tilespmem:s17+$0xFFFFFFE0]  }
0x275: {  	v8 =	vld [tilespmem:s17+$0x0]  }
0x276: {  	v12 =	vimm.s32 $0x0;
	vm1 =	veq.s32 v3, v4  }
0x277: {  	vm0 =	vnez.u8 v11;
	vm2 =	vgt.f32 v4, $0.0e+00;
	vm3 =	vlt.s32 v3, v4  }
0x278: {  	v9 =	vld [tilespmem:s17+$0x10];
	vm4 =	veq.s32 v3, v5;
	vm5 =	veq.s32 v3, v7;
	vm11 =	vgt.f32 v5, $0.0e+00  }
0x279: {  	v4 =	vld [tilespmem:s17+$0xFFFFFFC0];
	vm8 =	vlt.s32 v3, v5;
	vm12 =	vgt.f32 v6, $0.0e+00;
	vm13 =	vlt.s32 v3, v6  }
0x27a: {  	vm14 =	vlt.s32 v3, v7;
	vm10 =	vgt.f32 v8, $0.0e+00;
	vm1 =	vmand vm0, vm1  }
0x27b: {  	v10 =	vld [tilespmem:s17+$0x20];
	vm2 =	vmneg vm2;
	vm10 =	vmneg vm10;
	vm1 =	vmor vm3, vm1  }
0x27c: {  	vm3 =	veq.s32 v3, v6;
	vm1 =	vmor vm2, vm1;
	vm2 =	vmand vm0, vm4  }
0x27d: {  	vm4 =	veq.s32 v3, v8;
	v63 =	vsel vm1, $0x0, v2;
	vm1 =	vmand vm0, vm3  }
0x27e: {  	vm3 =	vmand vm0, vm5;
	vm5 =	veq.s32 v3, v9;
	vm6 =	vgt.f32 v4, $0.0e+00  }
0x27f: {  	vm4 =	vmand vm0, vm4;
	vm8 =	vmor vm8, vm2;
	v12 =	vsel vm6, $0xFFFFFFFF, v12  }
0x280: {  	vm9 =	vmand vm0, vm5;
	vm5 =	veq.s32 v3, v10;
	vm7 =	veq.s32 v3, v4;
	[tilespmem:$0x1FE10] =	vst v12  }
0x281: {  	vm6 =	vmand vm0, vm5;
	vm5 =	vmand vm0, vm7;
	vm7 =	vlt.s32 v3, v4;
	v4 =	vld [tilespmem:$0x1FE10]  }
0x282: {  	vm2 =	vlt.s32 v3, v9;
	vm3 =	vmor vm14, vm3;
	vm14 =	vmneg vm11  }
0x283: {  	vm11 =	vmneg vm12;
	vm0 =	vgt.f32 v7, $0.0e+00;
	vm2 =	vmor vm2, vm9  }
0x284: {  	vm9 =	vgt.f32 v9, $0.0e+00;
	vm15 =	vmor vm7, vm5;
	vm7 =	vmor vm13, vm1  }
0x285: {  	vm1 =	vlt.s32 v3, v8;
	vm12 =	vmneg vm0;
	vm9 =	vmneg vm9  }
0x286: {  	vm4 =	vmor vm1, vm4;
	vm1 =	vlt.s32 v3, v10;
	vm5 =	vnez.u8 v4  }
0x287: {  	s13 =	sadd.s32 $0x8, s13;
	s17 =	sadd.s32 $0x80, s17;
	[tilespmem:s3+$0x30] =	vst v63;
	vm1 =	vmor vm1, vm6;
	vm6 =	vgt.f32 v10, $0.0e+00;
	vm13 =	vmneg vm5  }
.LBB2_19:
0x288: {  	v4 =	vld [tilespmem:s17+$0x30]  }
0x289: {  	v15 =	vld [tilespmem:$0x1FE20];
	_ =	sdelay $0x1  }
0x28a: {  	vm5 =	vmor vm13, vm15;
	vm6 =	vmneg vm6;
	v6 =	vld [tilespmem:s17+$0xFFFFFFE0]  }
0x28b: {  	vm3 =	vmor vm12, vm3;
	vm2 =	vmor vm9, vm2;
	v8 =	vld [tilespmem:s17+$0xFFFFFFF0];
	v7 =	vsel vm5, $0x0, v2  }
0x28c: {  	v14 =	vld [tilespmem:s17+$0x10];
	vm1 =	vmor vm6, vm1;
	v10 =	vsel vm3, $0x0, v2;
	v12 =	vsel vm2, $0x0, v2  }
0x28d: {  	[tilespmem:s3+$0xFFFFFFC0] =	vst v7;
	v13 =	vsel vm1, $0x0, v2;
	vm1 =	veq.s32 v3, v4;
	vm0 =	vnez.u8 v15  }
0x28e: {  	vm2 =	vgt.f32 v4, $0.0e+00;
	vm3 =	vlt.s32 v3, v4;
	v4 =	vld [tilespmem:s17+$0xFFFFFFC0];
	vm1 =	vmand vm0, vm1  }
0x28f: {  	v58 =	vld [tilespmem:s17+$0x20];
	v60 =	vimm.s32 $0x0;
	vm2 =	vmneg vm2;
	vm1 =	vmor vm3, vm1  }
0x290: {  	vm5 =	veq.s32 v3, v8;
	vm3 =	veq.s32 v3, v6;
	vm2 =	vmor vm2, vm1  }
0x291: {  	vm1 =	vmand vm0, vm3;
	vm3 =	vmand vm0, vm5;
	vm5 =	veq.s32 v3, v14  }
0x292: {  	v61 =	vimm.s32 $0x0;
	[tilespmem:s3+$0xFFFFFFF0] =	vst v10;
	v10 =	vsel vm1, $0xFFFFFFFF, v60;
	vm1 =	vmand vm0, vm5  }
0x293: {  	v5 =	vld [tilespmem:s17+$0xFFFFFFD0];
	v62 =	vimm.s32 $0x0;
	[tilespmem:$0x1FDD0] =	vst v10;
	v7 =	vsel vm1, $0xFFFFFFFF, v61;
	vm1 =	vgt.f32 v4, $0.0e+00  }
0x294: {  	vm5 =	veq.s32 v3, v58;
	vm6 =	veq.s32 v3, v4;
	[tilespmem:$0x1FDE0] =	vst v7;
	v7 =	vsel vm1, $0xFFFFFFFF, v62  }
0x295: {  	vm1 =	vmand vm0, vm5;
	vm5 =	vmand vm0, vm6;
	vm6 =	vlt.s32 v3, v4;
	v4 =	vld [tilespmem:$0x1FDD0];
	_ =	sdelay $0x1  }
0x296: {  	vm8 =	vmor vm14, vm8;
	vm7 =	vmor vm11, vm7;
	vm4 =	vmor vm10, vm4  }
0x297: {  	v11 =	vld [tilespmem:s17+$0x0];
	v56 =	vsel vm8, $0x0, v2;
	v57 =	vsel vm4, $0x0, v2;
	vm4 =	veq.s32 v3, v5  }
0x298: {  	v9 =	vsel vm7, $0x0, v2;
	vm7 =	vlt.s32 v3, v5;
	vm8 =	vmand vm0, vm4  }
0x299: {  	vm8 =	vmor vm7, vm8;
	vm7 =	vnez.u8 v4;
	v4 =	vld [tilespmem:$0x1FDE0];
	_ =	sdelay $0x1  }
0x29a: {  	v63 =	vimm.s32 $0x0  }
0x29b: {  	vm4 =	veq.s32 v3, v11;
	[tilespmem:$0x1FE00] =	vst v7;
	v7 =	vsel vm1, $0xFFFFFFFF, v63  }
0x29c: {  	vm4 =	vmand vm0, vm4;
	vm1 =	vlt.s32 v3, v11;
	[tilespmem:$0x1FDF0] =	vst v7  }
0x29d: {  	vm4 =	vmor vm1, vm4;
	vm1 =	vnez.u8 v4;
	v4 =	vld [tilespmem:$0x1FDF0];
	_ =	sdelay $0x3  }
0x29e: {  	v59 =	vsel vm2, $0x0, v2;
	vm2 =	vlt.s32 v3, v8;
	vm0 =	vlt.s32 v3, v14  }
0x29f: {  	s13 =	sadd.s32 $0x8, s13;
	vm3 =	vmor vm2, vm3;
	vm2 =	vmor vm0, vm1;
	vm0 =	vnez.u8 v4;
	v4 =	vld [tilespmem:$0x1FE00]  }
0x2a0: {  	p0 =	slt.u32 s13, $0x7F8;
	[tilespmem:s3+$0xFFFFFFD0] =	vst v56;
	vm14 =	vgt.f32 v5, $0.0e+00;
	vm11 =	vgt.f32 v6, $0.0e+00;
	vm13 =	vlt.s32 v3, v6  }
.Ltmp14:
0x2a1: {  	[tilespmem:s3+$0xFFFFFFE0] =	vst v9;
	vm12 =	vgt.f32 v8, $0.0e+00;
	vm10 =	vgt.f32 v11, $0.0e+00;
	vm9 =	vgt.f32 v14, $0.0e+00;
	(pc) =	sbr.rel @p0 .LBB2_19-.Ltmp14, $4  }
0x2a2: {  	[tilespmem:s3+$0x0] =	vst v57;
	vm14 =	vmneg vm14;
	vm11 =	vmneg vm11;
	vm12 =	vmneg vm12  }
0x2a3: {  	[tilespmem:s3+$0x10] =	vst v12;
	vm10 =	vmneg vm10;
	vm15 =	vmor vm6, vm5;
	vm5 =	vlt.s32 v3, v58  }
0x2a4: {  	[tilespmem:s3+$0x20] =	vst v13;
	s3 =	sadd.s32 $0x80, s3;
	vm9 =	vmneg vm9;
	vm1 =	vmor vm5, vm0;
	vm0 =	vnez.u8 v4  }
0x2a5: {  	s17 =	sadd.s32 $0x80, s17;
	[tilespmem:s3+$0x30] =	vst v59;
	vm6 =	vgt.f32 v58, $0.0e+00;
	vm7 =	vmor vm13, vm7;
	vm13 =	vmneg vm0  }
0x2a6: {  	vm0 =	vmor vm13, vm15  }
0x2a7: {  	vm11 =	vmor vm11, vm7;
	v3 =	vsel vm0, $0x0, v2  }
0x2a8: {  	vm13 =	vmor vm10, vm4;
	v4 =	vsel vm11, $0x0, v2;
	[tilespmem:s3+$0xFFFFFFC0] =	vst v3  }
0x2a9: {  	vm5 =	vmor vm14, vm8;
	vm14 =	vmneg vm6;
	v62 =	vsel vm13, $0x0, v2;
	[tilespmem:s3+$0xFFFFFFE0] =	vst v4  }
.Ltmp15:
0x2aa: {  	vm15 =	vmor vm14, vm1;
	v3 =	vsel vm5, $0x0, v2;
	[tilespmem:s3+$0x0] =	vst v62;
	(pc) =	sbr.rel .LBB2_21-.Ltmp15, $4  }
0x2ab: {  	vm3 =	vmor vm12, vm3;
	v63 =	vsel vm15, $0x0, v2;
	[tilespmem:s3+$0xFFFFFFD0] =	vst v3  }
0x2ac: {  	vm2 =	vmor vm9, vm2;
	v3 =	vsel vm3, $0x0, v2;
	[tilespmem:s3+$0x20] =	vst v63  }
0x2ad: {  	[tilespmem:s3+$0xFFFFFFF0] =	vst v3;
	v3 =	vsel vm2, $0x0, v2  }
0x2ae: {  	[tilespmem:s3+$0x10] =	vst v3  }
.LBB2_9:
0x2af: {  	v6 =	vld [tilespmem:s17+$0xFFFFFFC0]  }
0x2b0: {  	v7 =	vld [tilespmem:s17+$0xFFFFFFD0]  }
0x2b1: {  	v8 =	vld [tilespmem:s17+$0xFFFFFFE0]  }
0x2b2: {  	v53 =	vld [tilespmem:s17+$0xFFFFFFF0]  }
0x2b3: {  	v10 =	vld [tilespmem:s17+$0x0]  }
0x2b4: {  	v11 =	vld [tilespmem:s17+$0x10]  }
0x2b5: {  	v14 =	vld [tilespmem:s17+$0x20]  }
0x2b6: {  	v4 =	vsub.s32 v4, v9;
	v17 =	vld [tilespmem:s17+$0x30]  }
0x2b7: {  	v5 =	vimm.s32 $0x0;
	v40 =	vimm.s32 $0x0;
	v51 =	vimm.s32 $0x0  }
0x2b8: {  	vm7 =	veq.s32 v3, v6;
	vm0 =	vgt.f32 v6, $0.0e+00;
	vm9 =	veq.s32 v3, v7  }
0x2b9: {  	vm2 =	veq.s32 v3, v8;
	vm3 =	veq.s32 v3, v53;
	vm4 =	veq.s32 v3, v10  }
0x2ba: {  	vm1 =	vlt.s32 v3, v6;
	vm5 =	veq.s32 v3, v11;
	vm6 =	veq.s32 v3, v14  }
0x2bb: {  	vm10 =	veq.s32 v3, v17;
	vm8 =	vgt.f32 v7, $0.0e+00;
	vm13 =	vlt.s32 v3, v8  }
0x2bc: {  	vm15 =	vgt.f32 v53, $0.0e+00;
	v12 =	vsel vm7, $0x1, v0;
	v13 =	vmpcnt.ones.xlane vm7  }
0x2bd: {  	v15 =	vsel vm9, $0x1, v0;
	v16 =	vmpcnt.ones.xlane vm9;
	v55 =	vmpcnt.ones.xlane vm2;
	(xrf0) =	vadd.scan.msk.s32 $0xffff, v12  }
0x2be: {  	v57 =	vmpcnt.ones.xlane vm3;
	v58 =	vmpcnt.ones.xlane vm4;
	v18 =	vsel vm2, $0x1, v0;
	(xrf0) =	vadd.scan.msk.s32 $0xffff, v15  }
0x2bf: {  	v19 =	vmpcnt.ones.xlane vm5;
	v20 =	vsel vm3, $0x1, v0;
	v54 =	vadd.s32 v5, v13  }
0x2c0: {  	v59 =	vmpcnt.ones.xlane vm6;
	v21 =	vsel vm4, $0x1, v0;
	v56 =	vadd.s32 v54, v16  }
0x2c1: {  	v22 =	vsel vm5, $0x1, v0;
	v61 =	vmpcnt.ones.xlane vm10;
	v6 =	vadd.s32 v56, v55  }
0x2c2: {  	v24 =	vsel vm6, $0x1, v0;
	v62 =	vsel vm10, $0x1, v0;
	(xrf0) =	vadd.scan.msk.s32 $0xffff, v18;
	v16 =	vadd.s32 v6, v57  }
0x2c3: {  	vm0 =	vmneg vm0;
	vm8 =	vmneg vm8;
	v13 =	vadd.s32 v16, v58;
	v60, _, _ =	vpop (xrf0)  }
0x2c4: {  	vm15 =	vmneg vm15;
	(xrf0) =	vadd.scan.msk.s32 $0xffff, v20;
	v57 =	vimm.s32 $0x0;
	v19 =	vadd.s32 v13, v19;
	v23, _, _ =	vpop (xrf0)  }
0x2c5: {  	(xrf0) =	vadd.scan.msk.s32 $0xffff, v21;
	v18 =	vadd.s32 v19, v59;
	v5 =	vadd.s32 v5, v60;
	v12 =	vadd.s32 v54, v23  }
0x2c6: {  	v21 =	vadd.s32 v18, v61;
	vm11 =	vle.s32 v5, v4;
	vm12 =	vle.s32 v12, v4  }
0x2c7: {  	(xrf0) =	vadd.scan.msk.s32 $0xffff, v22;
	vm11 =	vmand vm7, vm11;
	vm7 =	vgt.f32 v8, $0.0e+00;
	vm9 =	vmand vm9, vm12  }
0x2c8: {  	(xrf0) =	vadd.scan.msk.s32 $0xffff, v24;
	v5, _, _ =	vpop (xrf0);
	vm12 =	vlt.s32 v3, v7;
	vm1 =	vmor vm1, vm11;
	vm11 =	vgt.f32 v10, $0.0e+00  }
0x2c9: {  	(xrf0) =	vadd.scan.msk.s32 $0xffff, v62;
	vm7 =	vmneg vm7;
	v5 =	vadd.s32 v56, v5;
	vm9 =	vmor vm12, vm9  }
0x2ca: {  	v7, _, _ =	vpop (xrf0);
	vm12 =	vlt.s32 v3, v17;
	vm1 =	vmor vm0, vm1;
	vm14 =	vle.s32 v5, v4  }
0x2cb: {  	v5 =	vadd.s32 v6, v7;
	v6, _, _ =	vpop (xrf0);
	vm8 =	vmor vm8, vm9;
	v63 =	vsel vm1, $0x0, v2  }
0x2cc: {  	vm2 =	vmand vm2, vm14;
	vm14 =	vle.s32 v5, v4;
	v5 =	vadd.s32 v16, v6  }
0x2cd: {  	v6, _, _ =	vpop (xrf0);
	v9 =	vsel vm8, $0x0, v2;
	vm3 =	vmand vm3, vm14;
	vm14 =	vle.s32 v5, v4  }
0x2ce: {  	v5 =	vadd.s32 v13, v6;
	v6, _, _ =	vpop (xrf0);
	vm2 =	vmor vm13, vm2;
	vm13 =	vgt.f32 v11, $0.0e+00  }
0x2cf: {  	vm4 =	vmand vm4, vm14;
	vm14 =	vle.s32 v5, v4;
	v5 =	vadd.s32 v19, v6;
	v6, _, _ =	vpop (xrf0)  }
0x2d0: {  	vm5 =	vmand vm5, vm14;
	vm14 =	vle.s32 v5, v4;
	v5 =	vadd.s32 v18, v6  }
0x2d1: {  	s13 =	simm.s32 $0xC0;
	vm13 =	vmneg vm13;
	vm6 =	vmand vm6, vm14;
	vm14 =	vle.s32 v5, v4  }
0x2d2: {  	vm2 =	vmor vm7, vm2;
	v6 =	vld [tilespmem:s13+$0xFFFFFFD0];
	vm10 =	vmand vm10, vm14;
	vm14 =	vlt.s32 v3, v53  }
0x2d3: {  	v5 =	vld [tilespmem:s13+$0xFFFFFFC0];
	vm10 =	vmor vm12, vm10;
	vm12 =	vlt.s32 v3, v10;
	vm3 =	vmor vm14, vm3  }
0x2d4: {  	vm14 =	vlt.s32 v3, v11;
	vm4 =	vmor vm12, vm4;
	vm12 =	vlt.s32 v3, v14  }
0x2d5: {  	vm5 =	vmor vm14, vm5;
	vm14 =	vgt.f32 v14, $0.0e+00;
	vm3 =	vmor vm15, vm3  }
0x2d6: {  	vm6 =	vmor vm12, vm6;
	vm12 =	vgt.f32 v17, $0.0e+00;
	vm5 =	vmor vm13, vm5  }
0x2d7: {  	v7 =	vld [tilespmem:s13+$0xFFFFFFE0];
	vm14 =	vmneg vm14;
	vm0 =	vmneg vm12;
	v36 =	vsel vm5, $0x0, v2  }
0x2d8: {  	vm8 =	veq.s32 v3, v5;
	vm5 =	veq.s32 v3, v6;
	vm1 =	vgt.f32 v5, $0.0e+00  }
0x2d9: {  	v35 =	vld [tilespmem:s13+$0x0];
	vm7 =	vmor vm0, vm10;
	v38 =	vsel vm8, $0x1, v0;
	v39 =	vmpcnt.ones.xlane vm8  }
0x2da: {  	v31 =	vld [tilespmem:s13+$0xFFFFFFF0];
	v20 =	vsel vm1, $0xFFFFFFFF, v40;
	vm1 =	vlt.s32 v3, v5;
	v5 =	vimm.s32 $0x0  }
0x2db: {  	v42 =	vmpcnt.ones.xlane vm5;
	v30 =	vsel vm7, $0x0, v2;
	v5 =	vsel vm1, $0xFFFFFFFF, v5  }
0x2dc: {  	v37 =	vld [tilespmem:s13+$0x10];
	(xrf0) =	vadd.scan.msk.s32 $0xffff, v38;
	vm7 =	veq.s32 v3, v7;
	[tilespmem:$0x1FD30] =	vst v5;
	v5 =	vsel vm5, $0x1, v0  }
0x2dd: {  	v33 =	vsel vm3, $0x0, v2;
	v19 =	vadd.s32 v21, v39;
	(xrf0) =	vadd.scan.msk.s32 $0xffff, v5;
	v5 =	vmpcnt.ones.xlane vm7  }
0x2de: {  	vm3 =	veq.s32 v3, v35;
	vm0 =	vmor vm14, vm6;
	[tilespmem:$0x1FD20] =	vst v20;
	v20 =	vadd.s32 v19, v42  }
0x2df: {  	vm6 =	veq.s32 v3, v31;
	v46 =	vadd.s32 v20, v5;
	v5 =	vmpcnt.ones.xlane vm3  }
0x2e0: {  	vm11 =	vmneg vm11;
	v45 =	vmpcnt.ones.xlane vm6;
	v44 =	vsel vm7, $0x1, v0;
	v41 =	vld [tilespmem:s13+$0x20]  }
0x2e1: {  	v59 =	vimm.s32 $0x0;
	v62 =	vimm.s32 $0x0;
	vm4 =	vmor vm11, vm4;
	v43 =	vld [tilespmem:s13+$0x30];
	(xrf0) =	vadd.scan.msk.s32 $0xffff, v44  }
0x2e2: {  	v32 =	vsel vm2, $0x0, v2;
	v34 =	vsel vm4, $0x0, v2;
	v24 =	vadd.s32 v46, v45  }
0x2e3: {  	v47 =	vsel vm3, $0x1, v0;
	v26 =	vsel vm6, $0x1, v0;
	v27 =	vadd.s32 v24, v5;
	v5, _, _ =	vpop (xrf0)  }
0x2e4: {  	vm1 =	veq.s32 v3, v37;
	v55 =	vsel vm0, $0x0, v2;
	(xrf0) =	vadd.scan.msk.s32 $0xffff, v26;
	v5 =	vadd.s32 v21, v5  }
0x2e5: {  	v49 =	vsel vm1, $0x1, v0;
	(xrf0) =	vadd.scan.msk.s32 $0xffff, v47;
	vm2 =	veq.s32 v3, v41;
	v48, _, _ =	vpop (xrf0);
	vm9 =	vle.s32 v5, v4  }
0x2e6: {  	vm4 =	veq.s32 v3, v43;
	v19 =	vadd.s32 v19, v48;
	vm8 =	vmand vm8, vm9  }
0x2e7: {  	v50 =	vsel vm2, $0x1, v0;
	(xrf0) =	vadd.scan.msk.s32 $0xffff, v49;
	v53, _, _ =	vpop (xrf0);
	v26 =	vsel vm8, $0xFFFFFFFF, v51;
	vm8 =	vle.s32 v19, v4  }
0x2e8: {  	v52 =	vsel vm4, $0x1, v0;
	(xrf0) =	vadd.scan.msk.s32 $0xffff, v50;
	v20 =	vadd.s32 v20, v53;
	vm0 =	vmand vm5, vm8  }
0x2e9: {  	(xrf0) =	vadd.scan.msk.s32 $0xffff, v52;
	vm5 =	vgt.f32 v6, $0.0e+00;
	v21 =	vsel vm0, $0xFFFFFFFF, v57;
	vm0 =	vle.s32 v20, v4  }
0x2ea: {  	v58, _, _ =	vpop (xrf0);
	[tilespmem:$0x1FD40] =	vst v26;
	vm12 =	vmand vm7, vm0;
	vm0 =	vlt.s32 v3, v6;
	v6 =	vimm.s32 $0x0  }
0x2eb: {  	vm11 =	vlt.s32 v3, v7;
	v25 =	vmpcnt.ones.xlane vm1;
	v60, _, _ =	vpop (xrf0);
	[tilespmem:$0x1FD50] =	vst v21;
	v6 =	vsel vm0, $0xFFFFFFFF, v6  }
0x2ec: {  	v5 =	vmpcnt.ones.xlane vm2;
	v21 =	vsel vm5, $0xFFFFFFFF, v59;
	[tilespmem:$0x1FD70] =	vst v6;
	v6 =	vadd.s32 v24, v60  }
0x2ed: {  	v25 =	vadd.s32 v27, v25;
	v20 =	vadd.s32 v46, v58;
	vm5 =	vgt.f32 v7, $0.0e+00;
	[tilespmem:$0x1FD60] =	vst v21  }
0x2ee: {  	v56 =	vadd.s32 v25, v5;
	v61, _, _ =	vpop (xrf0);
	vm0 =	vle.s32 v20, v4;
	v10 =	vsel vm5, $0xFFFFFFFF, v62;
	[tilespmem:s3+$0x30] =	vst v30  }
0x2ef: {  	v7 =	vadd.s32 v27, v61;
	vm13 =	vmand vm6, vm0;
	vm0 =	vle.s32 v6, v4;
	[tilespmem:$0x1FD80] =	vst v10;
	v6, _, _ =	vpop (xrf0)  }
0x2f0: {  	vm14 =	vmand vm3, vm0;
	vm0 =	vle.s32 v7, v4;
	[tilespmem:s3+$0xFFFFFFC0] =	vst v63;
	v63, _, _ =	vpop (xrf0);
	v6 =	vadd.s32 v25, v6  }
0x2f1: {  	[tilespmem:s3+$0xFFFFFFD0] =	vst v9;
	vm15 =	vmand vm1, vm0;
	v7 =	vadd.s32 v56, v63;
	vm0 =	vle.s32 v6, v4  }
0x2f2: {  	[tilespmem:s3+$0xFFFFFFE0] =	vst v32;
	v6 =	vimm.s32 $0x0;
	vm0 =	vmand vm2, vm0;
	vm2 =	vgt.f32 v31, $0.0e+00  }
0x2f3: {  	[tilespmem:s3+$0xFFFFFFF0] =	vst v33;
	vm1 =	vle.s32 v7, v4;
	v6 =	vsel vm2, $0xFFFFFFFF, v6  }
0x2f4: {  	vm6 =	vmand vm4, vm1;
	vm1 =	vgt.f32 v35, $0.0e+00;
	[tilespmem:$0x1FD90] =	vst v6;
	v6 =	vimm.s32 $0x0  }
0x2f5: {  	[tilespmem:s3+$0x0] =	vst v34;
	v6 =	vsel vm1, $0xFFFFFFFF, v6  }
0x2f6: {  	vm1 =	vgt.f32 v37, $0.0e+00;
	[tilespmem:$0x1FDA0] =	vst v6;
	v6 =	vimm.s32 $0x0  }
0x2f7: {  	v54 =	vmpcnt.ones.xlane vm4;
	[tilespmem:s3+$0x10] =	vst v36;
	v6 =	vsel vm1, $0xFFFFFFFF, v6  }
0x2f8: {  	vm1 =	vgt.f32 v41, $0.0e+00;
	[tilespmem:$0x1FDB0] =	vst v6;
	v6 =	vimm.s32 $0x0  }
0x2f9: {  	v5 =	vadd.s32 v56, v54;
	v6 =	vsel vm1, $0xFFFFFFFF, v6  }
0x2fa: {  	vm7 =	vlt.s32 v3, v43;
	vm5 =	vlt.s32 v3, v41;
	vm3 =	vlt.s32 v3, v35;
	[tilespmem:$0x1FDC0] =	vst v6  }
0x2fb: {  	s17 =	simm.s32 $0x8;
	vm2 =	vlt.s32 v3, v31;
	vm4 =	vlt.s32 v3, v37;
	vm1 =	vgt.f32 v43, $0.0e+00;
	[tilespmem:s3+$0x20] =	vst v55  }
.LBB2_10:
0x2fc: {  	v7 =	vld [tilespmem:$0x1FD20];
	_ =	sdelay $0x4  }
0x2fd: {  	vm6 =	vmor vm7, vm6;
	vm7 =	vmor vm11, vm12;
	vm11 =	vnez.u8 v7;
	v7 =	vld [tilespmem:$0x1FD60];
	_ =	sdelay $0x4  }
0x2fe: {  	vm0 =	vmor vm5, vm0;
	vm5 =	vnez.u8 v7;
	v7 =	vld [tilespmem:$0x1FD80];
	_ =	sdelay $0x3  }
0x2ff: {  	v6 =	vld [tilespmem:$0x1FD40]  }
0x300: {  	vm12 =	vnez.u8 v7;
	v7 =	vld [tilespmem:$0x1FD90];
	_ =	sdelay $0x3  }
0x301: {  	vm1 =	vmneg vm1;
	vm8 =	vnez.u8 v6;
	v6 =	vld [tilespmem:$0x1FD30]  }
0x302: {  	vm2 =	vmor vm2, vm13;
	vm1 =	vmor vm1, vm6;
	vm13 =	vnez.u8 v7;
	v7 =	vld [tilespmem:$0x1FDA0]  }
0x303: {  	s3 =	sadd.s32 $0x80, s3;
	v12 =	vsel vm1, $0x0, v2  }
0x304: {  	s13 =	sadd.s32 $0x80, s13;
	[tilespmem:s3+$0x30] =	vst v12  }
0x305: {  	v21 =	vld [tilespmem:s13+$0x30]  }
0x306: {  	vm9 =	vnez.u8 v6;
	v6 =	vld [tilespmem:$0x1FD50]  }
0x307: {  	vm3 =	vmor vm3, vm14;
	vm14 =	vnez.u8 v7;
	v7 =	vld [tilespmem:$0x1FDB0]  }
0x308: {  	vm4 =	vmor vm4, vm15;
	v18 =	vimm.s32 $0x0;
	v31 =	vimm.s32 $0x0;
	v8 =	vld [tilespmem:s13+$0xFFFFFFD0]  }
0x309: {  	v29 =	vimm.s32 $0x0;
	v53 =	vimm.s32 $0x0;
	v55 =	vimm.s32 $0x0  }
0x30a: {  	v57 =	vimm.s32 $0x0;
	v59 =	vimm.s32 $0x0;
	v61 =	vimm.s32 $0x0;
	v9 =	vld [tilespmem:s13+$0xFFFFFFE0]  }
0x30b: {  	v62 =	vimm.s32 $0x0;
	vm8 =	vmor vm9, vm8;
	vm9 =	vnez.u8 v6;
	v6 =	vld [tilespmem:$0x1FD70]  }
0x30c: {  	vm11 =	vmneg vm11;
	vm1 =	veq.s32 v3, v21;
	vm15 =	vnez.u8 v7;
	v7 =	vld [tilespmem:$0x1FDC0]  }
0x30d: {  	vm6 =	vgt.f32 v8, $0.0e+00;
	v50 =	vmpcnt.ones.xlane vm1;
	v52 =	vsel vm1, $0x1, v0  }
0x30e: {  	v13 =	vld [tilespmem:s13+$0xFFFFFFF0];
	vm5 =	vmneg vm5;
	vm8 =	vmor vm11, vm8;
	vm12 =	vmneg vm12  }
0x30f: {  	vm11 =	vlt.s32 v3, v9;
	v10 =	vsel vm8, $0x0, v2;
	vm7 =	vmor vm12, vm7  }
0x310: {  	vm12 =	veq.s32 v3, v9;
	v14 =	vsel vm7, $0x0, v2;
	vm10 =	vnez.u8 v6  }
0x311: {  	v49 =	vsel vm12, $0x1, v0;
	vm9 =	vmor vm10, vm9;
	vm10 =	vnez.u8 v7;
	v7 =	vld [tilespmem:s13+$0xFFFFFFC0]  }
0x312: {  	vm7 =	vlt.s32 v3, v21;
	vm13 =	vmneg vm13;
	vm5 =	vmor vm5, vm9  }
0x313: {  	vm2 =	vmor vm13, vm2;
	vm13 =	veq.s32 v3, v13;
	v11 =	vsel vm5, $0x0, v2  }
0x314: {  	v15 =	vsel vm2, $0x0, v2;
	vm14 =	vmneg vm14;
	vm10 =	vmneg vm10  }
0x315: {  	v44 =	vmpcnt.ones.xlane vm13;
	vm3 =	vmor vm14, vm3;
	vm0 =	vmor vm10, vm0  }
0x316: {  	v37 =	vld [tilespmem:s13+$0x0];
	v16 =	vsel vm3, $0x0, v2;
	v17 =	vsel vm0, $0x0, v2;
	vm0 =	vgt.f32 v7, $0.0e+00  }
0x317: {  	vm3 =	veq.s32 v3, v8;
	vm2 =	veq.s32 v3, v7;
	v18 =	vsel vm0, $0xFFFFFFFF, v18  }
0x318: {  	[tilespmem:s3+$0xFFFFFFE0] =	vst v14;
	vm0 =	vlt.s32 v3, v7;
	v7 =	vimm.s32 $0x0;
	v39 =	vsel vm2, $0x1, v0  }
0x319: {  	v19 =	vld [tilespmem:s13+$0x20];
	v41 =	vsel vm3, $0x1, v0;
	v40 =	vmpcnt.ones.xlane vm2;
	v7 =	vsel vm0, $0xFFFFFFFF, v7;
	(xrf0) =	vadd.scan.msk.s32 $0xffff, v39  }
0x31a: {  	v23 =	vsel vm13, $0x1, v0;
	v20 =	vmpcnt.ones.xlane vm3;
	[tilespmem:$0x1FD30] =	vst v7;
	v7 =	vld [tilespmem:s13+$0x10];
	(xrf0) =	vadd.scan.msk.s32 $0xffff, v41  }
0x31b: {  	v6 =	vmovc v5;
	[tilespmem:s3+$0xFFFFFFD0] =	vst v11;
	vm14 =	veq.s32 v3, v37;
	v42 =	vadd.s32 v5, v40;
	v5 =	vmpcnt.ones.xlane vm12  }
0x31c: {  	[tilespmem:s3+$0xFFFFFFF0] =	vst v15;
	v24 =	vsel vm14, $0x1, v0;
	vm15 =	vmneg vm15;
	v43 =	vadd.s32 v42, v20  }
0x31d: {  	[tilespmem:s3+$0x0] =	vst v16;
	vm4 =	vmor vm15, vm4;
	v45 =	vadd.s32 v43, v5;
	v5 =	vmpcnt.ones.xlane vm14  }
0x31e: {  	v38 =	vsel vm4, $0x0, v2;
	[tilespmem:s3+$0xFFFFFFC0] =	vst v10;
	vm0 =	veq.s32 v3, v19;
	v46 =	vadd.s32 v45, v44  }
0x31f: {  	[tilespmem:s3+$0x20] =	vst v17;
	v27 =	vsel vm0, $0x1, v0;
	v48 =	vadd.s32 v46, v5;
	vm15 =	veq.s32 v3, v7;
	v22, _, _ =	vpop (xrf0)  }
0x320: {  	[tilespmem:$0x1FD20] =	vst v18;
	v5 =	vmpcnt.ones.xlane vm0;
	v47 =	vmpcnt.ones.xlane vm15;
	v26, _, _ =	vpop (xrf0);
	v6 =	vadd.s32 v6, v22  }
0x321: {  	[tilespmem:s3+$0x10] =	vst v38;
	v51 =	vsel vm15, $0x1, v0;
	v11 =	vadd.s32 v42, v26;
	vm4 =	vle.s32 v6, v4  }
0x322: {  	(xrf0) =	vadd.scan.msk.s32 $0xffff, v49;
	v6 =	vimm.s32 $0x0;
	v18 =	vadd.s32 v48, v47;
	vm5 =	vle.s32 v11, v4  }
0x323: {  	(xrf0) =	vadd.scan.msk.s32 $0xffff, v23;
	v6 =	vsel vm6, $0xFFFFFFFF, v6;
	vm2 =	vmand vm2, vm4;
	vm4 =	vgt.f32 v7, $0.0e+00  }
0x324: {  	(xrf0) =	vadd.scan.msk.s32 $0xffff, v24;
	vm6 =	vgt.f32 v19, $0.0e+00;
	v25 =	vadd.s32 v18, v5;
	v30 =	vsel vm2, $0xFFFFFFFF, v31  }
0x325: {  	(xrf0) =	vadd.scan.msk.s32 $0xffff, v51;
	vm2 =	vmand vm3, vm5;
	vm3 =	vgt.f32 v37, $0.0e+00;
	v63 =	vsel vm6, $0xFFFFFFFF, v62  }
0x326: {  	v5 =	vadd.s32 v25, v50;
	v28 =	vsel vm2, $0xFFFFFFFF, v29;
	vm2 =	vlt.s32 v3, v8;
	(xrf0) =	vadd.scan.msk.s32 $0xffff, v27  }
0x327: {  	v60 =	vsel vm3, $0xFFFFFFFF, v59;
	vm3 =	vlt.s32 v3, v37;
	v8 =	vsel vm4, $0xFFFFFFFF, v61;
	(xrf0) =	vadd.scan.msk.s32 $0xffff, v52  }
0x328: {  	[tilespmem:$0x1FD60] =	vst v6;
	vm4 =	vlt.s32 v3, v7;
	v54 =	vsel vm2, $0xFFFFFFFF, v53;
	vm2 =	vgt.f32 v9, $0.0e+00;
	v6, _, _ =	vpop (xrf0)  }
0x329: {  	[tilespmem:$0x1FD40] =	vst v30;
	v56 =	vsel vm2, $0xFFFFFFFF, v55;
	vm2 =	vgt.f32 v13, $0.0e+00;
	v6 =	vadd.s32 v43, v6;
	v7, _, _ =	vpop (xrf0)  }
0x32a: {  	s17 =	sadd.s32 $0x8, s17;
	[tilespmem:$0x1FDC0] =	vst v63;
	v58 =	vsel vm2, $0xFFFFFFFF, v57;
	vm5 =	vle.s32 v6, v4;
	v6 =	vadd.s32 v45, v7;
	v7, _, _ =	vpop (xrf0)  }
0x32b: {  	p0 =	slt.u32 s17, $0x7F8;
	[tilespmem:$0x1FD50] =	vst v28;
	vm12 =	vmand vm12, vm5;
	vm5 =	vle.s32 v6, v4;
	v6 =	vadd.s32 v46, v7;
	v7, _, _ =	vpop (xrf0)  }
.Ltmp16:
0x32c: {  	[tilespmem:$0x1FDA0] =	vst v60;
	vm13 =	vmand vm13, vm5;
	vm5 =	vle.s32 v6, v4;
	v6 =	vadd.s32 v48, v7;
	v7, _, _ =	vpop (xrf0);
	(pc) =	sbr.rel @p0 .LBB2_10-.Ltmp16, $4  }
0x32d: {  	[tilespmem:$0x1FDB0] =	vst v8;
	vm14 =	vmand vm14, vm5;
	vm5 =	vle.s32 v6, v4;
	v6 =	vadd.s32 v18, v7;
	v7, _, _ =	vpop (xrf0)  }
0x32e: {  	[tilespmem:$0x1FD70] =	vst v54;
	vm15 =	vmand vm15, vm5;
	vm5 =	vle.s32 v6, v4;
	v6 =	vadd.s32 v25, v7  }
0x32f: {  	[tilespmem:$0x1FD80] =	vst v56;
	vm2 =	vlt.s32 v3, v13;
	vm0 =	vmand vm0, vm5;
	vm6 =	vle.s32 v6, v4  }
0x330: {  	[tilespmem:$0x1FD90] =	vst v58;
	vm5 =	vlt.s32 v3, v19;
	vm6 =	vmand vm1, vm6;
	vm1 =	vgt.f32 v21, $0.0e+00  }
0x331: {  	v3 =	vld [tilespmem:$0x1FD40];
	_ =	sdelay $0x4  }
0x332: {  	vm8 =	vnez.u8 v3;
	v3 =	vld [tilespmem:$0x1FD30];
	_ =	sdelay $0x4  }
0x333: {  	vm9 =	vnez.u8 v3;
	v3 =	vld [tilespmem:$0x1FD50];
	_ =	sdelay $0x4  }
0x334: {  	vm10 =	vmor vm9, vm8;
	vm9 =	vnez.u8 v3;
	v3 =	vld [tilespmem:$0x1FD70];
	_ =	sdelay $0x4  }
0x335: {  	vm8 =	vnez.u8 v3;
	v3 =	vld [tilespmem:$0x1FD20];
	_ =	sdelay $0x1  }
0x336: {  	v4 =	vld [tilespmem:$0x1FD60]  }
0x337: {  	v5 =	vld [tilespmem:$0x1FD80]  }
0x338: {  	vm6 =	vmor vm7, vm6  }
0x339: {  	vm1 =	vmneg vm1;
	vm9 =	vmor vm8, vm9;
	vm8 =	vnez.u8 v3  }
0x33a: {  	vm0 =	vmor vm5, vm0;
	vm1 =	vmor vm1, vm6;
	vm5 =	vmneg vm8  }
0x33b: {  	s0 =	sadd.s32 $0x80, s3;
	v3 =	vsel vm1, $0x0, v2;
	vm5 =	vmor vm5, vm10;
	vm10 =	vnez.u8 v4  }
0x33c: {  	vm12 =	vmor vm11, vm12;
	vm11 =	vnez.u8 v5;
	[tilespmem:s0+$0x30] =	vst v3;
	vm1 =	vmneg vm10  }
0x33d: {  	v57 =	vld [tilespmem:$0x1FD90];
	v56 =	vsel vm5, $0x0, v2;
	vm5 =	vmneg vm11;
	vm1 =	vmor vm1, vm9  }
0x33e: {  	vm5 =	vmor vm5, vm12;
	[tilespmem:s0+$0xFFFFFFC0] =	vst v56;
	v3 =	vsel vm1, $0x0, v2  }
0x33f: {  	v58 =	vsel vm5, $0x0, v2;
	v59 =	vld [tilespmem:$0x1FDA0];
	[tilespmem:s0+$0xFFFFFFD0] =	vst v3  }
0x340: {  	v60 =	vld [tilespmem:$0x1FDB0];
	[tilespmem:s0+$0xFFFFFFE0] =	vst v58  }
0x341: {  	v62 =	vld [tilespmem:$0x1FDC0]  }
0x342: {  	vm12 =	vnez.u8 v57  }
0x343: {  	vm2 =	vmor vm2, vm13;
	vm3 =	vmor vm3, vm14;
	vm1 =	vmneg vm12  }
0x344: {  	vm4 =	vmor vm4, vm15;
	vm1 =	vmor vm1, vm2;
	vm13 =	vnez.u8 v59  }
0x345: {  	v3 =	vsel vm1, $0x0, v2;
	vm2 =	vmneg vm13;
	vm14 =	vnez.u8 v60  }
.Ltmp17:
0x346: {  	vm2 =	vmor vm2, vm3;
	vm1 =	vmneg vm14;
	vm15 =	vnez.u8 v62;
	(pc) =	sbr.rel .LBB2_21-.Ltmp17, $4  }
0x347: {  	[tilespmem:s0+$0xFFFFFFF0] =	vst v3;
	v61 =	vsel vm2, $0x0, v2;
	vm1 =	vmor vm1, vm4;
	vm2 =	vmneg vm15  }
0x348: {  	[tilespmem:s0+$0x0] =	vst v61;
	vm0 =	vmor vm2, vm0;
	v3 =	vsel vm1, $0x0, v2  }
0x349: {  	v63 =	vsel vm0, $0x0, v2;
	[tilespmem:s0+$0x10] =	vst v3  }
0x34a: {  	[tilespmem:s0+$0x20] =	vst v63  }
.LBB2_23:
0x34b: {  	_ =	sfence.sel $0x180000  }
0x34c: {  	[bflag:$0x0] =	sbarrier.arrive $0xFFFF  }
0x34d: {  	_ =	strace $0x90000047  }
0x34e: {  	s0 =	stileid.u32;
	[bflag:$0x2] =	sbarrier.arrive $0xFFFF  }
0x34f: {  	p0 =	sne.s32 s0, $0x0;
	s0 =	rddreg [dreg:$0x4]  }
0x350: {  	s0 =	sadd.s32 @!p0 $0x100000, s0  }
0x351: {  	[sflag:s0] =	ssyncadd.tile.s32 @!p0 $0x1;
	_ =	shalt  }
.Lfunc_end2:
_tile_overlayer_lowered:
.L_overlay_start_2:
0x352: {  	(tag) =	ssettag $0x2  }
0x353: {  	s0 =	rddreg [dreg:$0x0];
	s2 =	stileid.u32  }
0x354: {  	s1 =	rddreg [dreg:$0x1];
	p0 =	sne.s32 s2, $0x0  }
0x355: {  	s3 =	rddreg [dreg:$0x2];
	[bflag:$0x3] =	sbarrier.arrive $0xFFFF;
	s2 =	simm.s32 @!p0 $0x1C03  }
0x356: {  	[timem:s3], [sflag:s2] =	dma.local @!p0 [hbm:s0], s1  }
0x357: {  	s0 =	simm.s32 @!p0 $0x3  }
0x358: {  	_ =	swait.ge @!p0 [sflag:s0], s1  }
0x359: {  	s1 =	ssub.s32 @!p0 $0x0, s1;
	[sflag:s0] =	ssyncset.done @!p0 $0x0  }
0x35a: {  	[sflag:s0] =	ssyncadd.s32 @!p0 s1  }
0x35b: {  	[bflag:$0x3] =	sbarrier.arrive $0xFFFF  }
0x35c: {  	_ =	shalt  }

</sc_bundles>
